<compile_context>
chip_gen: v7x
topology: tpu7x:2x2x1
jax: 0.10.2.dev20260603
libtpu: 0.0.44.dev20260713+nightly
codegen_flags: <defaults>
</compile_context>

<pallas_src>
import jax
import jax.numpy as jnp
from jax import lax
from jax.experimental import pallas as pl
from jax.experimental.pallas import tpu as pltpu
from jax.experimental.pallas import tpu_sc as plsc

B, S, C, H = 4, 4096, 256, 2048
R = B * S
NC, NS = 2, 16
NW = NC * NS
ROWS_PER_W = R // NW
CHUNK = 8
NBANKS = 4
NCHUNK = ROWS_PER_W // CHUNK
XW = CHUNK * C
OW = CHUNK * H


def _sc_body(x_hbm, out_hbm, *scratch):
    x_bufs = scratch[0:NBANKS]
    out_bufs = scratch[NBANKS:2 * NBANKS]
    sem_ins = scratch[2 * NBANKS:3 * NBANKS]
    sem_outs = scratch[3 * NBANKS:4 * NBANKS]

    wid = lax.axis_index("s") * NC + lax.axis_index("c")
    base = wid * ROWS_PER_W

    ioa8 = lax.iota(jnp.int32, 16) * 8
    ones = jnp.ones((16,), jnp.int32)

    def start_in(c, b):
        row = base + c * CHUNK
        pltpu.async_copy(x_hbm.at[pl.ds(row, CHUNK), :], x_bufs[b], sem_ins[b])

    def wait_in(c, b):
        row = base + c * CHUNK
        pltpu.make_async_copy(
            x_hbm.at[pl.ds(row, CHUNK), :], x_bufs[b], sem_ins[b]).wait()

    def start_out(c, b):
        row = base + c * CHUNK
        pltpu.async_copy(
            out_bufs[b], out_hbm.at[pl.ds(row, CHUNK), :], sem_outs[b])

    def wait_out(c, b):
        row = base + c * CHUNK
        pltpu.make_async_copy(
            out_bufs[b], out_hbm.at[pl.ds(row, CHUNK), :], sem_outs[b]).wait()

    def scatter(b):
        x_buf, out_buf = x_bufs[b], out_bufs[b]

        def rbody(r, _):
            rvec = ones * r
            for j in range(16):
                vals = x_buf[r, pl.ds(j * 16, 16)]
                plsc.store_scatter(out_buf, [rvec, ioa8 + j * 128], vals)
            return 0

        lax.fori_loop(0, CHUNK, rbody, 0)

    for b in range(NBANKS):
        start_in(b, b)

    zeros16 = jnp.zeros((16,), jnp.float32)

    def zbody(i, _):
        r = i >> 7
        c16 = (i & 127) * 16
        for b in range(NBANKS):
            out_bufs[b][r, pl.ds(c16, 16)] = zeros16
        return 0

    lax.fori_loop(0, OW // 16, zbody, 0)

    for c in range(NBANKS):
        wait_in(c, c)
        scatter(c)
        start_out(c, c)
        start_in(c + NBANKS, c)

    def step(k, _):
        c0 = k * NBANKS
        for b in range(NBANKS):
            c = c0 + b
            wait_in(c, b)
            wait_out(c - NBANKS, b)
            scatter(b)
            start_out(c, b)
            start_in(c + NBANKS, b)
        return 0

    lax.fori_loop(1, NCHUNK // NBANKS - 1, step, 0, unroll=False)

    for b in range(NBANKS):
        c = NCHUNK - NBANKS + b
        wait_in(c, b)
        wait_out(c - NBANKS, b)
        scatter(b)
        start_out(c, b)
    for b in range(NBANKS):
        wait_out(NCHUNK - NBANKS + b, b)


@jax.jit
def _up_sample(x2d):
    mesh = plsc.VectorSubcoreMesh(
        core_axis_name="c", subcore_axis_name="s",
        num_cores=NC, num_subcores=NS)
    return pl.kernel(
        _sc_body,
        out_type=jax.ShapeDtypeStruct((R, H), jnp.float32),
        mesh=mesh,
        compiler_params=pltpu.CompilerParams(
            needs_layout_passes=False, use_tc_tiling_on_sc=True),
        scratch_types=(
            [pltpu.VMEM((CHUNK, C), jnp.float32) for _ in range(NBANKS)]
            + [pltpu.VMEM((CHUNK, H), jnp.float32) for _ in range(NBANKS)]
            + [pltpu.SemaphoreType.DMA for _ in range(2 * NBANKS)]
        ),
    )(x2d)


def kernel(x, attention_output):
    del attention_output
    out = _up_sample(x.reshape(R, C))
    return out.reshape(B, S, H)

# --- scband reference (transcript-rebuilt; emitter-appended) ---
"""Pipeline reference for scband-up-sample-output-14147622273102 (READ-ONLY COPY).

The authoritative reference and input builder live on the scoring server;
editing this copy changes nothing except your own understanding.
"""

import jax, jax.numpy as jnp
import numpy as np

# idx from init_kwargs: strided selection of 256 of the 2048 hidden units
IDX = jnp.arange(0, 2048, 8, dtype=jnp.int32)  # length 256, matches init idx list


def setup_inputs(seed: int = 0) -> dict:
    key = jax.random.key(seed)
    k1, k2 = jax.random.split(key, 2)
    x = jax.random.normal(k1, (4, 4096, 256), dtype=jnp.float32)
    attention_output = jax.random.normal(k2, (4, 4096, 2048), dtype=jnp.float32)
    return {"x": x, "attention_output": attention_output}


def reference(x, attention_output):
    # torch: upsampled = zeros(attention_output.shape); upsampled[:, :, idx] = x.float()
    upsampled_output = jnp.zeros(attention_output.shape, dtype=jnp.float32)
    upsampled_output = upsampled_output.at[:, :, IDX].set(x.astype(jnp.float32))
    return upsampled_output

if __name__ == "__main__":
    import jax
    _d = setup_inputs()
    print(jax.jit(kernel)(*tuple(_d.values())))

</pallas_src>

<mosaic_0001>
#map = affine_map<(d0, d1) -> (0, 0)>
module attributes {stable_mosaic.version = 14 : i64} {
  func.func @_sc_body(%arg0: i32, %arg1: i32, %arg2: memref<16384x256xf32, #tpu.memory_space<hbm>>, %arg3: memref<16384x2048xf32, #tpu.memory_space<hbm>>, %arg4: memref<8x256xf32, #tpu.memory_space<vmem>>, %arg5: memref<8x256xf32, #tpu.memory_space<vmem>>, %arg6: memref<8x256xf32, #tpu.memory_space<vmem>>, %arg7: memref<8x256xf32, #tpu.memory_space<vmem>>, %arg8: memref<8x2048xf32, #tpu.memory_space<vmem>>, %arg9: memref<8x2048xf32, #tpu.memory_space<vmem>>, %arg10: memref<8x2048xf32, #tpu.memory_space<vmem>>, %arg11: memref<8x2048xf32, #tpu.memory_space<vmem>>, %arg12: memref<!tpu.dma_semaphore, #tpu.memory_space<semaphore_mem>>, %arg13: memref<!tpu.dma_semaphore, #tpu.memory_space<semaphore_mem>>, %arg14: memref<!tpu.dma_semaphore, #tpu.memory_space<semaphore_mem>>, %arg15: memref<!tpu.dma_semaphore, #tpu.memory_space<semaphore_mem>>, %arg16: memref<!tpu.dma_semaphore, #tpu.memory_space<semaphore_mem>>, %arg17: memref<!tpu.dma_semaphore, #tpu.memory_space<semaphore_mem>>, %arg18: memref<!tpu.dma_semaphore, #tpu.memory_space<semaphore_mem>>, %arg19: memref<!tpu.dma_semaphore, #tpu.memory_space<semaphore_mem>>) attributes {dimension_semantics = [#tpu.dimension_semantics<core_parallel>, #tpu.dimension_semantics<subcore_parallel>], iteration_bounds = array<i64: 2, 16>, scalar_prefetch = 0 : i64, scratch_operands = 16 : i64, tpu.core_type = #tpu.core_type<sc_vector_subcore>, window_params = [{transform_indices = #map}, {transform_indices = #map}]} {
    %mul3A = arith.constant 2 : i32
    %mul3A_0 = arith.muli %arg1, %mul3A : i32
    %add3A = arith.addi %mul3A_0, %arg0 : i32
    %mul3A_1 = arith.constant 512 : i32
    %mul3A_2 = arith.muli %add3A, %mul3A_1 : i32
    %iota3A = tpu.iota {dimensions = array<i32: 0>} : vector<16xi32>
    %mul3A_3 = arith.constant 8 : i32
    %mul3A_4 = vector.broadcast %mul3A_3 : i32 to vector<16xi32>
    %mul3A_5 = arith.muli %iota3A, %mul3A_4 : vector<16xi32>
    %broadcast_in_dim3A = arith.constant 1 : i32
    %broadcast_in_dim3A_6 = vector.broadcast %broadcast_in_dim3A : i32 to vector<16xi32>
    %add3A_7 = arith.constant 0 : i32
    %add3A_8 = arith.addi %mul3A_2, %add3A_7 : i32
    %dma_start3A = arith.constant 0 : i32
    %dma_start3A_9 = tpu.memref_slice %arg2[%add3A_8, %dma_start3A] : memref<16384x256xf32, #tpu.memory_space<hbm>> -> memref<8x256xf32, #tpu.memory_space<hbm>>
    %dma_start3A_10 = arith.constant 0 : i32
    %dma_start3A_11 = tpu.memref_slice %arg2[%add3A_8, %dma_start3A_10] : memref<16384x256xf32, #tpu.memory_space<hbm>> -> memref<8x256xf32, #tpu.memory_space<hbm>>
    tpu.enqueue_dma source(%dma_start3A_11 : memref<8x256xf32, #tpu.memory_space<hbm>>) target(%arg4 : memref<8x256xf32, #tpu.memory_space<vmem>>) target_semaphore(%arg12 : memref<!tpu.dma_semaphore, #tpu.memory_space<semaphore_mem>>)
    %add3A_12 = arith.constant 8 : i32
    %add3A_13 = arith.addi %mul3A_2, %add3A_12 : i32
    %dma_start3A_14 = arith.constant 0 : i32
    %dma_start3A_15 = tpu.memref_slice %arg2[%add3A_13, %dma_start3A_14] : memref<16384x256xf32, #tpu.memory_space<hbm>> -> memref<8x256xf32, #tpu.memory_space<hbm>>
    %dma_start3A_16 = arith.constant 0 : i32
    %dma_start3A_17 = tpu.memref_slice %arg2[%add3A_13, %dma_start3A_16] : memref<16384x256xf32, #tpu.memory_space<hbm>> -> memref<8x256xf32, #tpu.memory_space<hbm>>
    tpu.enqueue_dma source(%dma_start3A_17 : memref<8x256xf32, #tpu.memory_space<hbm>>) target(%arg5 : memref<8x256xf32, #tpu.memory_space<vmem>>) target_semaphore(%arg13 : memref<!tpu.dma_semaphore, #tpu.memory_space<semaphore_mem>>)
    %add3A_18 = arith.constant 16 : i32
    %add3A_19 = arith.addi %mul3A_2, %add3A_18 : i32
    %dma_start3A_20 = arith.constant 0 : i32
    %dma_start3A_21 = tpu.memref_slice %arg2[%add3A_19, %dma_start3A_20] : memref<16384x256xf32, #tpu.memory_space<hbm>> -> memref<8x256xf32, #tpu.memory_space<hbm>>
    %dma_start3A_22 = arith.constant 0 : i32
    %dma_start3A_23 = tpu.memref_slice %arg2[%add3A_19, %dma_start3A_22] : memref<16384x256xf32, #tpu.memory_space<hbm>> -> memref<8x256xf32, #tpu.memory_space<hbm>>
    tpu.enqueue_dma source(%dma_start3A_23 : memref<8x256xf32, #tpu.memory_space<hbm>>) target(%arg6 : memref<8x256xf32, #tpu.memory_space<vmem>>) target_semaphore(%arg14 : memref<!tpu.dma_semaphore, #tpu.memory_space<semaphore_mem>>)
    %add3A_24 = arith.constant 24 : i32
    %add3A_25 = arith.addi %mul3A_2, %add3A_24 : i32
    %dma_start3A_26 = arith.constant 0 : i32
    %dma_start3A_27 = tpu.memref_slice %arg2[%add3A_25, %dma_start3A_26] : memref<16384x256xf32, #tpu.memory_space<hbm>> -> memref<8x256xf32, #tpu.memory_space<hbm>>
    %dma_start3A_28 = arith.constant 0 : i32
    %dma_start3A_29 = tpu.memref_slice %arg2[%add3A_25, %dma_start3A_28] : memref<16384x256xf32, #tpu.memory_space<hbm>> -> memref<8x256xf32, #tpu.memory_space<hbm>>
    tpu.enqueue_dma source(%dma_start3A_29 : memref<8x256xf32, #tpu.memory_space<hbm>>) target(%arg7 : memref<8x256xf32, #tpu.memory_space<vmem>>) target_semaphore(%arg15 : memref<!tpu.dma_semaphore, #tpu.memory_space<semaphore_mem>>)
    %broadcast_in_dim3A_30 = arith.constant 0.000000e+00 : f32
    %broadcast_in_dim3A_31 = vector.broadcast %broadcast_in_dim3A_30 : f32 to vector<16xf32>
    %scan3A = arith.constant 0 : i32
    %scan3A_32 = arith.constant 0 : i32
    %scan3A_33 = arith.constant 1024 : i32
    %scan3A_34 = arith.addi %scan3A_32, %scan3A_33 : i32
    %scan3A_35 = arith.constant 1 : i32
    %scan3A_36 = scf.for %scan3A_268 = %scan3A_32 to %scan3A_34 step %scan3A_35 iter_args(%scan3A_269 = %scan3A) -> (i32)  : i32 {
      %shift_right_arithmetic3A = arith.constant 7 : i32
      %shift_right_arithmetic3A_270 = arith.shrsi %scan3A_268, %shift_right_arithmetic3A : i32
      %and3A = arith.constant 127 : i32
      %and3A_271 = arith.andi %scan3A_268, %and3A : i32
      %mul3A_272 = arith.constant 16 : i32
      %mul3A_273 = arith.muli %and3A_271, %mul3A_272 : i32
      %swap3A = arith.index_cast %shift_right_arithmetic3A_270 : i32 to index
      %swap3A_274 = arith.index_cast %mul3A_273 : i32 to index
      %swap3A_275 = tpu.vector_load %arg8[%swap3A, %swap3A_274] {strides = array<i32>} : memref<8x2048xf32, #tpu.memory_space<vmem>>, vector<16xf32>,
      tpu.vector_store %arg8[%swap3A, %swap3A_274], %broadcast_in_dim3A_31 {strides = array<i32>} : memref<8x2048xf32, #tpu.memory_space<vmem>>, vector<16xf32>,
      %swap3A_276 = arith.index_cast %shift_right_arithmetic3A_270 : i32 to index
      %swap3A_277 = arith.index_cast %mul3A_273 : i32 to index
      %swap3A_278 = tpu.vector_load %arg9[%swap3A_276, %swap3A_277] {strides = array<i32>} : memref<8x2048xf32, #tpu.memory_space<vmem>>, vector<16xf32>,
      tpu.vector_store %arg9[%swap3A_276, %swap3A_277], %broadcast_in_dim3A_31 {strides = array<i32>} : memref<8x2048xf32, #tpu.memory_space<vmem>>, vector<16xf32>,
      %swap3A_279 = arith.index_cast %shift_right_arithmetic3A_270 : i32 to index
      %swap3A_280 = arith.index_cast %mul3A_273 : i32 to index
      %swap3A_281 = tpu.vector_load %arg10[%swap3A_279, %swap3A_280] {strides = array<i32>} : memref<8x2048xf32, #tpu.memory_space<vmem>>, vector<16xf32>,
      tpu.vector_store %arg10[%swap3A_279, %swap3A_280], %broadcast_in_dim3A_31 {strides = array<i32>} : memref<8x2048xf32, #tpu.memory_space<vmem>>, vector<16xf32>,
      %swap3A_282 = arith.index_cast %shift_right_arithmetic3A_270 : i32 to index
      %swap3A_283 = arith.index_cast %mul3A_273 : i32 to index
      %swap3A_284 = tpu.vector_load %arg11[%swap3A_282, %swap3A_283] {strides = array<i32>} : memref<8x2048xf32, #tpu.memory_space<vmem>>, vector<16xf32>,
      tpu.vector_store %arg11[%swap3A_282, %swap3A_283], %broadcast_in_dim3A_31 {strides = array<i32>} : memref<8x2048xf32, #tpu.memory_space<vmem>>, vector<16xf32>,
      %scan3A_285 = arith.constant 0 : i32
      scf.yield %scan3A_285 : i32
    }
    %scan3A_37 = arith.constant 1024 : i32
    %add3A_38 = arith.constant 0 : i32
    %add3A_39 = arith.addi %mul3A_2, %add3A_38 : i32
    %dma_wait3A = arith.constant 0 : i32
    %dma_wait3A_40 = tpu.memref_slice %arg2[%add3A_39, %dma_wait3A] : memref<16384x256xf32, #tpu.memory_space<hbm>> -> memref<8x256xf32, #tpu.memory_space<hbm>>
    %dma_wait3A_41 = arith.constant 0 : i32
    %dma_wait3A_42 = tpu.memref_slice %arg2[%add3A_39, %dma_wait3A_41] : memref<16384x256xf32, #tpu.memory_space<hbm>> -> memref<8x256xf32, #tpu.memory_space<hbm>>
    tpu.wait_dma2 semaphore(%arg12 : memref<!tpu.dma_semaphore, #tpu.memory_space<semaphore_mem>>) src(%dma_wait3A_42 : memref<8x256xf32, #tpu.memory_space<hbm>>) dst(%arg4 : memref<8x256xf32, #tpu.memory_space<vmem>>)
    %scan3A_43 = arith.constant 0 : i32
    %scan3A_44 = arith.constant 0 : i32
    %scan3A_45 = arith.constant 8 : i32
    %scan3A_46 = arith.addi %scan3A_44, %scan3A_45 : i32
    %scan3A_47 = arith.constant 1 : i32
    %scan3A_48 = scf.for %scan3A_268 = %scan3A_44 to %scan3A_46 step %scan3A_47 iter_args(%scan3A_269 = %scan3A_43) -> (i32)  : i32 {
      %mul3A_270 = vector.broadcast %scan3A_268 : i32 to vector<16xi32>
      %mul3A_271 = arith.muli %broadcast_in_dim3A_6, %mul3A_270 : vector<16xi32>
      %get3A = arith.index_cast %scan3A_268 : i32 to index
      %get3A_272 = arith.constant 0 : index
      %get3A_273 = tpu.vector_load %arg4[%get3A, %get3A_272] {strides = array<i32>} : memref<8x256xf32, #tpu.memory_space<vmem>>, vector<16xf32>,
      %add3A_274 = arith.constant 0 : i32
      %add3A_275 = vector.broadcast %add3A_274 : i32 to vector<16xi32>
      %add3A_276 = arith.addi %mul3A_5, %add3A_275 : vector<16xi32>
      tpu.vector_store_idx %arg8[%mul3A_271, %add3A_276], %get3A_273 : memref<8x2048xf32, #tpu.memory_space<vmem>>[vector<16xi32>, vector<16xi32>], vector<16xf32>,
      %get3A_277 = arith.index_cast %scan3A_268 : i32 to index
      %get3A_278 = arith.constant 16 : index
      %get3A_279 = tpu.vector_load %arg4[%get3A_277, %get3A_278] {strides = array<i32>} : memref<8x256xf32, #tpu.memory_space<vmem>>, vector<16xf32>,
      %add3A_280 = arith.constant 128 : i32
      %add3A_281 = vector.broadcast %add3A_280 : i32 to vector<16xi32>
      %add3A_282 = arith.addi %mul3A_5, %add3A_281 : vector<16xi32>
      tpu.vector_store_idx %arg8[%mul3A_271, %add3A_282], %get3A_279 : memref<8x2048xf32, #tpu.memory_space<vmem>>[vector<16xi32>, vector<16xi32>], vector<16xf32>,
      %get3A_283 = arith.index_cast %scan3A_268 : i32 to index
      %get3A_284 = arith.constant 32 : index
      %get3A_285 = tpu.vector_load %arg4[%get3A_283, %get3A_284] {strides = array<i32>} : memref<8x256xf32, #tpu.memory_space<vmem>>, vector<16xf32>,
      %add3A_286 = arith.constant 256 : i32
      %add3A_287 = vector.broadcast %add3A_286 : i32 to vector<16xi32>
      %add3A_288 = arith.addi %mul3A_5, %add3A_287 : vector<16xi32>
      tpu.vector_store_idx %arg8[%mul3A_271, %add3A_288], %get3A_285 : memref<8x2048xf32, #tpu.memory_space<vmem>>[vector<16xi32>, vector<16xi32>], vector<16xf32>,
      %get3A_289 = arith.index_cast %scan3A_268 : i32 to index
      %get3A_290 = arith.constant 48 : index
      %get3A_291 = tpu.vector_load %arg4[%get3A_289, %get3A_290] {strides = array<i32>} : memref<8x256xf32, #tpu.memory_space<vmem>>, vector<16xf32>,
      %add3A_292 = arith.constant 384 : i32
      %add3A_293 = vector.broadcast %add3A_292 : i32 to vector<16xi32>
      %add3A_294 = arith.addi %mul3A_5, %add3A_293 : vector<16xi32>
      tpu.vector_store_idx %arg8[%mul3A_271, %add3A_294], %get3A_291 : memref<8x2048xf32, #tpu.memory_space<vmem>>[vector<16xi32>, vector<16xi32>], vector<16xf32>,
      %get3A_295 = arith.index_cast %scan3A_268 : i32 to index
      %get3A_296 = arith.constant 64 : index
      %get3A_297 = tpu.vector_load %arg4[%get3A_295, %get3A_296] {strides = array<i32>} : memref<8x256xf32, #tpu.memory_space<vmem>>, vector<16xf32>,
      %add3A_298 = arith.constant 512 : i32
      %add3A_299 = vector.broadcast %add3A_298 : i32 to vector<16xi32>
      %add3A_300 = arith.addi %mul3A_5, %add3A_299 : vector<16xi32>
      tpu.vector_store_idx %arg8[%mul3A_271, %add3A_300], %get3A_297 : memref<8x2048xf32, #tpu.memory_space<vmem>>[vector<16xi32>, vector<16xi32>], vector<16xf32>,
      %get3A_301 = arith.index_cast %scan3A_268 : i32 to index
      %get3A_302 = arith.constant 80 : index
      %get3A_303 = tpu.vector_load %arg4[%get3A_301, %get3A_302] {strides = array<i32>} : memref<8x256xf32, #tpu.memory_space<vmem>>, vector<16xf32>,
      %add3A_304 = arith.constant 640 : i32
      %add3A_305 = vector.broadcast %add3A_304 : i32 to vector<16xi32>
      %add3A_306 = arith.addi %mul3A_5, %add3A_305 : vector<16xi32>
      tpu.vector_store_idx %arg8[%mul3A_271, %add3A_306], %get3A_303 : memref<8x2048xf32, #tpu.memory_space<vmem>>[vector<16xi32>, vector<16xi32>], vector<16xf32>,
      %get3A_307 = arith.index_cast %scan3A_268 : i32 to index
      %get3A_308 = arith.constant 96 : index
      %get3A_309 = tpu.vector_load %arg4[%get3A_307, %get3A_308] {strides = array<i32>} : memref<8x256xf32, #tpu.memory_space<vmem>>, vector<16xf32>,
      %add3A_310 = arith.constant 768 : i32
      %add3A_311 = vector.broadcast %add3A_310 : i32 to vector<16xi32>
      %add3A_312 = arith.addi %mul3A_5, %add3A_311 : vector<16xi32>
      tpu.vector_store_idx %arg8[%mul3A_271, %add3A_312], %get3A_309 : memref<8x2048xf32, #tpu.memory_space<vmem>>[vector<16xi32>, vector<16xi32>], vector<16xf32>,
      %get3A_313 = arith.index_cast %scan3A_268 : i32 to index
      %get3A_314 = arith.constant 112 : index
      %get3A_315 = tpu.vector_load %arg4[%get3A_313, %get3A_314] {strides = array<i32>} : memref<8x256xf32, #tpu.memory_space<vmem>>, vector<16xf32>,
      %add3A_316 = arith.constant 896 : i32
      %add3A_317 = vector.broadcast %add3A_316 : i32 to vector<16xi32>
      %add3A_318 = arith.addi %mul3A_5, %add3A_317 : vector<16xi32>
      tpu.vector_store_idx %arg8[%mul3A_271, %add3A_318], %get3A_315 : memref<8x2048xf32, #tpu.memory_space<vmem>>[vector<16xi32>, vector<16xi32>], vector<16xf32>,
      %get3A_319 = arith.index_cast %scan3A_268 : i32 to index
      %get3A_320 = arith.constant 128 : index
      %get3A_321 = tpu.vector_load %arg4[%get3A_319, %get3A_320] {strides = array<i32>} : memref<8x256xf32, #tpu.memory_space<vmem>>, vector<16xf32>,
      %add3A_322 = arith.constant 1024 : i32
      %add3A_323 = vector.broadcast %add3A_322 : i32 to vector<16xi32>
      %add3A_324 = arith.addi %mul3A_5, %add3A_323 : vector<16xi32>
      tpu.vector_store_idx %arg8[%mul3A_271, %add3A_324], %get3A_321 : memref<8x2048xf32, #tpu.memory_space<vmem>>[vector<16xi32>, vector<16xi32>], vector<16xf32>,
      %get3A_325 = arith.index_cast %scan3A_268 : i32 to index
      %get3A_326 = arith.constant 144 : index
      %get3A_327 = tpu.vector_load %arg4[%get3A_325, %get3A_326] {strides = array<i32>} : memref<8x256xf32, #tpu.memory_space<vmem>>, vector<16xf32>,
      %add3A_328 = arith.constant 1152 : i32
      %add3A_329 = vector.broadcast %add3A_328 : i32 to vector<16xi32>
      %add3A_330 = arith.addi %mul3A_5, %add3A_329 : vector<16xi32>
      tpu.vector_store_idx %arg8[%mul3A_271, %add3A_330], %get3A_327 : memref<8x2048xf32, #tpu.memory_space<vmem>>[vector<16xi32>, vector<16xi32>], vector<16xf32>,
      %get3A_331 = arith.index_cast %scan3A_268 : i32 to index
      %get3A_332 = arith.constant 160 : index
      %get3A_333 = tpu.vector_load %arg4[%get3A_331, %get3A_332] {strides = array<i32>} : memref<8x256xf32, #tpu.memory_space<vmem>>, vector<16xf32>,
      %add3A_334 = arith.constant 1280 : i32
      %add3A_335 = vector.broadcast %add3A_334 : i32 to vector<16xi32>
      %add3A_336 = arith.addi %mul3A_5, %add3A_335 : vector<16xi32>
      tpu.vector_store_idx %arg8[%mul3A_271, %add3A_336], %get3A_333 : memref<8x2048xf32, #tpu.memory_space<vmem>>[vector<16xi32>, vector<16xi32>], vector<16xf32>,
      %get3A_337 = arith.index_cast %scan3A_268 : i32 to index
      %get3A_338 = arith.constant 176 : index
      %get3A_339 = tpu.vector_load %arg4[%get3A_337, %get3A_338] {strides = array<i32>} : memref<8x256xf32, #tpu.memory_space<vmem>>, vector<16xf32>,
      %add3A_340 = arith.constant 1408 : i32
      %add3A_341 = vector.broadcast %add3A_340 : i32 to vector<16xi32>
      %add3A_342 = arith.addi %mul3A_5, %add3A_341 : vector<16xi32>
      tpu.vector_store_idx %arg8[%mul3A_271, %add3A_342], %get3A_339 : memref<8x2048xf32, #tpu.memory_space<vmem>>[vector<16xi32>, vector<16xi32>], vector<16xf32>,
      %get3A_343 = arith.index_cast %scan3A_268 : i32 to index
      %get3A_344 = arith.constant 192 : index
      %get3A_345 = tpu.vector_load %arg4[%get3A_343, %get3A_344] {strides = array<i32>} : memref<8x256xf32, #tpu.memory_space<vmem>>, vector<16xf32>,
      %add3A_346 = arith.constant 1536 : i32
      %add3A_347 = vector.broadcast %add3A_346 : i32 to vector<16xi32>
      %add3A_348 = arith.addi %mul3A_5, %add3A_347 : vector<16xi32>
      tpu.vector_store_idx %arg8[%mul3A_271, %add3A_348], %get3A_345 : memref<8x2048xf32, #tpu.memory_space<vmem>>[vector<16xi32>, vector<16xi32>], vector<16xf32>,
      %get3A_349 = arith.index_cast %scan3A_268 : i32 to index
      %get3A_350 = arith.constant 208 : index
      %get3A_351 = tpu.vector_load %arg4[%get3A_349, %get3A_350] {strides = array<i32>} : memref<8x256xf32, #tpu.memory_space<vmem>>, vector<16xf32>,
      %add3A_352 = arith.constant 1664 : i32
      %add3A_353 = vector.broadcast %add3A_352 : i32 to vector<16xi32>
      %add3A_354 = arith.addi %mul3A_5, %add3A_353 : vector<16xi32>
      tpu.vector_store_idx %arg8[%mul3A_271, %add3A_354], %get3A_351 : memref<8x2048xf32, #tpu.memory_space<vmem>>[vector<16xi32>, vector<16xi32>], vector<16xf32>,
      %get3A_355 = arith.index_cast %scan3A_268 : i32 to index
      %get3A_356 = arith.constant 224 : index
      %get3A_357 = tpu.vector_load %arg4[%get3A_355, %get3A_356] {strides = array<i32>} : memref<8x256xf32, #tpu.memory_space<vmem>>, vector<16xf32>,
      %add3A_358 = arith.constant 1792 : i32
      %add3A_359 = vector.broadcast %add3A_358 : i32 to vector<16xi32>
      %add3A_360 = arith.addi %mul3A_5, %add3A_359 : vector<16xi32>
      tpu.vector_store_idx %arg8[%mul3A_271, %add3A_360], %get3A_357 : memref<8x2048xf32, #tpu.memory_space<vmem>>[vector<16xi32>, vector<16xi32>], vector<16xf32>,
      %get3A_361 = arith.index_cast %scan3A_268 : i32 to index
      %get3A_362 = arith.constant 240 : index
      %get3A_363 = tpu.vector_load %arg4[%get3A_361, %get3A_362] {strides = array<i32>} : memref<8x256xf32, #tpu.memory_space<vmem>>, vector<16xf32>,
      %add3A_364 = arith.constant 1920 : i32
      %add3A_365 = vector.broadcast %add3A_364 : i32 to vector<16xi32>
      %add3A_366 = arith.addi %mul3A_5, %add3A_365 : vector<16xi32>
      tpu.vector_store_idx %arg8[%mul3A_271, %add3A_366], %get3A_363 : memref<8x2048xf32, #tpu.memory_space<vmem>>[vector<16xi32>, vector<16xi32>], vector<16xf32>,
      %scan3A_367 = arith.constant 0 : i32
      scf.yield %scan3A_367 : i32
    }
    %scan3A_49 = arith.constant 8 : i32
    %add3A_50 = arith.constant 0 : i32
    %add3A_51 = arith.addi %mul3A_2, %add3A_50 : i32
    %dma_start3A_52 = arith.constant 0 : i32
    %dma_start3A_53 = tpu.memref_slice %arg3[%add3A_51, %dma_start3A_52] : memref<16384x2048xf32, #tpu.memory_space<hbm>> -> memref<8x2048xf32, #tpu.memory_space<hbm>>
    %dma_start3A_54 = arith.constant 0 : i32
    %dma_start3A_55 = tpu.memref_slice %arg3[%add3A_51, %dma_start3A_54] : memref<16384x2048xf32, #tpu.memory_space<hbm>> -> memref<8x2048xf32, #tpu.memory_space<hbm>>
    tpu.enqueue_dma source(%arg8 : memref<8x2048xf32, #tpu.memory_space<vmem>>) target(%dma_start3A_55 : memref<8x2048xf32, #tpu.memory_space<hbm>>) target_semaphore(%arg16 : memref<!tpu.dma_semaphore, #tpu.memory_space<semaphore_mem>>)
    %add3A_56 = arith.constant 32 : i32
    %add3A_57 = arith.addi %mul3A_2, %add3A_56 : i32
    %dma_start3A_58 = arith.constant 0 : i32
    %dma_start3A_59 = tpu.memref_slice %arg2[%add3A_57, %dma_start3A_58] : memref<16384x256xf32, #tpu.memory_space<hbm>> -> memref<8x256xf32, #tpu.memory_space<hbm>>
    %dma_start3A_60 = arith.constant 0 : i32
    %dma_start3A_61 = tpu.memref_slice %arg2[%add3A_57, %dma_start3A_60] : memref<16384x256xf32, #tpu.memory_space<hbm>> -> memref<8x256xf32, #tpu.memory_space<hbm>>
    tpu.enqueue_dma source(%dma_start3A_61 : memref<8x256xf32, #tpu.memory_space<hbm>>) target(%arg4 : memref<8x256xf32, #tpu.memory_space<vmem>>) target_semaphore(%arg12 : memref<!tpu.dma_semaphore, #tpu.memory_space<semaphore_mem>>)
    %add3A_62 = arith.constant 8 : i32
    %add3A_63 = arith.addi %mul3A_2, %add3A_62 : i32
    %dma_wait3A_64 = arith.constant 0 : i32
    %dma_wait3A_65 = tpu.memref_slice %arg2[%add3A_63, %dma_wait3A_64] : memref<16384x256xf32, #tpu.memory_space<hbm>> -> memref<8x256xf32, #tpu.memory_space<hbm>>
    %dma_wait3A_66 = arith.constant 0 : i32
    %dma_wait3A_67 = tpu.memref_slice %arg2[%add3A_63, %dma_wait3A_66] : memref<16384x256xf32, #tpu.memory_space<hbm>> -> memref<8x256xf32, #tpu.memory_space<hbm>>
    tpu.wait_dma2 semaphore(%arg13 : memref<!tpu.dma_semaphore, #tpu.memory_space<semaphore_mem>>) src(%dma_wait3A_67 : memref<8x256xf32, #tpu.memory_space<hbm>>) dst(%arg5 : memref<8x256xf32, #tpu.memory_space<vmem>>)
    %scan3A_68 = arith.constant 0 : i32
    %scan3A_69 = arith.constant 0 : i32
    %scan3A_70 = arith.constant 8 : i32
    %scan3A_71 = arith.addi %scan3A_69, %scan3A_70 : i32
    %scan3A_72 = arith.constant 1 : i32
    %scan3A_73 = scf.for %scan3A_268 = %scan3A_69 to %scan3A_71 step %scan3A_72 iter_args(%scan3A_269 = %scan3A_68) -> (i32)  : i32 {
      %mul3A_270 = vector.broadcast %scan3A_268 : i32 to vector<16xi32>
      %mul3A_271 = arith.muli %broadcast_in_dim3A_6, %mul3A_270 : vector<16xi32>
      %get3A = arith.index_cast %scan3A_268 : i32 to index
      %get3A_272 = arith.constant 0 : index
      %get3A_273 = tpu.vector_load %arg5[%get3A, %get3A_272] {strides = array<i32>} : memref<8x256xf32, #tpu.memory_space<vmem>>, vector<16xf32>,
      %add3A_274 = arith.constant 0 : i32
      %add3A_275 = vector.broadcast %add3A_274 : i32 to vector<16xi32>
      %add3A_276 = arith.addi %mul3A_5, %add3A_275 : vector<16xi32>
      tpu.vector_store_idx %arg9[%mul3A_271, %add3A_276], %get3A_273 : memref<8x2048xf32, #tpu.memory_space<vmem>>[vector<16xi32>, vector<16xi32>], vector<16xf32>,
      %get3A_277 = arith.index_cast %scan3A_268 : i32 to index
      %get3A_278 = arith.constant 16 : index
      %get3A_279 = tpu.vector_load %arg5[%get3A_277, %get3A_278] {strides = array<i32>} : memref<8x256xf32, #tpu.memory_space<vmem>>, vector<16xf32>,
      %add3A_280 = arith.constant 128 : i32
      %add3A_281 = vector.broadcast %add3A_280 : i32 to vector<16xi32>
      %add3A_282 = arith.addi %mul3A_5, %add3A_281 : vector<16xi32>
      tpu.vector_store_idx %arg9[%mul3A_271, %add3A_282], %get3A_279 : memref<8x2048xf32, #tpu.memory_space<vmem>>[vector<16xi32>, vector<16xi32>], vector<16xf32>,
      %get3A_283 = arith.index_cast %scan3A_268 : i32 to index
      %get3A_284 = arith.constant 32 : index
      %get3A_285 = tpu.vector_load %arg5[%get3A_283, %get3A_284] {strides = array<i32>} : memref<8x256xf32, #tpu.memory_space<vmem>>, vector<16xf32>,
      %add3A_286 = arith.constant 256 : i32
      %add3A_287 = vector.broadcast %add3A_286 : i32 to vector<16xi32>
      %add3A_288 = arith.addi %mul3A_5, %add3A_287 : vector<16xi32>
      tpu.vector_store_idx %arg9[%mul3A_271, %add3A_288], %get3A_285 : memref<8x2048xf32, #tpu.memory_space<vmem>>[vector<16xi32>, vector<16xi32>], vector<16xf32>,
      %get3A_289 = arith.index_cast %scan3A_268 : i32 to index
      %get3A_290 = arith.constant 48 : index
      %get3A_291 = tpu.vector_load %arg5[%get3A_289, %get3A_290] {strides = array<i32>} : memref<8x256xf32, #tpu.memory_space<vmem>>, vector<16xf32>,
      %add3A_292 = arith.constant 384 : i32
      %add3A_293 = vector.broadcast %add3A_292 : i32 to vector<16xi32>
      %add3A_294 = arith.addi %mul3A_5, %add3A_293 : vector<16xi32>
      tpu.vector_store_idx %arg9[%mul3A_271, %add3A_294], %get3A_291 : memref<8x2048xf32, #tpu.memory_space<vmem>>[vector<16xi32>, vector<16xi32>], vector<16xf32>,
      %get3A_295 = arith.index_cast %scan3A_268 : i32 to index
      %get3A_296 = arith.constant 64 : index
      %get3A_297 = tpu.vector_load %arg5[%get3A_295, %get3A_296] {strides = array<i32>} : memref<8x256xf32, #tpu.memory_space<vmem>>, vector<16xf32>,
      %add3A_298 = arith.constant 512 : i32
      %add3A_299 = vector.broadcast %add3A_298 : i32 to vector<16xi32>
      %add3A_300 = arith.addi %mul3A_5, %add3A_299 : vector<16xi32>
      tpu.vector_store_idx %arg9[%mul3A_271, %add3A_300], %get3A_297 : memref<8x2048xf32, #tpu.memory_space<vmem>>[vector<16xi32>, vector<16xi32>], vector<16xf32>,
      %get3A_301 = arith.index_cast %scan3A_268 : i32 to index
      %get3A_302 = arith.constant 80 : index
      %get3A_303 = tpu.vector_load %arg5[%get3A_301, %get3A_302] {strides = array<i32>} : memref<8x256xf32, #tpu.memory_space<vmem>>, vector<16xf32>,
      %add3A_304 = arith.constant 640 : i32
      %add3A_305 = vector.broadcast %add3A_304 : i32 to vector<16xi32>
      %add3A_306 = arith.addi %mul3A_5, %add3A_305 : vector<16xi32>
      tpu.vector_store_idx %arg9[%mul3A_271, %add3A_306], %get3A_303 : memref<8x2048xf32, #tpu.memory_space<vmem>>[vector<16xi32>, vector<16xi32>], vector<16xf32>,
      %get3A_307 = arith.index_cast %scan3A_268 : i32 to index
      %get3A_308 = arith.constant 96 : index
      %get3A_309 = tpu.vector_load %arg5[%get3A_307, %get3A_308] {strides = array<i32>} : memref<8x256xf32, #tpu.memory_space<vmem>>, vector<16xf32>,
      %add3A_310 = arith.constant 768 : i32
      %add3A_311 = vector.broadcast %add3A_310 : i32 to vector<16xi32>
      %add3A_312 = arith.addi %mul3A_5, %add3A_311 : vector<16xi32>
      tpu.vector_store_idx %arg9[%mul3A_271, %add3A_312], %get3A_309 : memref<8x2048xf32, #tpu.memory_space<vmem>>[vector<16xi32>, vector<16xi32>], vector<16xf32>,
      %get3A_313 = arith.index_cast %scan3A_268 : i32 to index
      %get3A_314 = arith.constant 112 : index
      %get3A_315 = tpu.vector_load %arg5[%get3A_313, %get3A_314] {strides = array<i32>} : memref<8x256xf32, #tpu.memory_space<vmem>>, vector<16xf32>,
      %add3A_316 = arith.constant 896 : i32
      %add3A_317 = vector.broadcast %add3A_316 : i32 to vector<16xi32>
      %add3A_318 = arith.addi %mul3A_5, %add3A_317 : vector<16xi32>
      tpu.vector_store_idx %arg9[%mul3A_271, %add3A_318], %get3A_315 : memref<8x2048xf32, #tpu.memory_space<vmem>>[vector<16xi32>, vector<16xi32>], vector<16xf32>,
      %get3A_319 = arith.index_cast %scan3A_268 : i32 to index
      %get3A_320 = arith.constant 128 : index
      %get3A_321 = tpu.vector_load %arg5[%get3A_319, %get3A_320] {strides = array<i32>} : memref<8x256xf32, #tpu.memory_space<vmem>>, vector<16xf32>,
      %add3A_322 = arith.constant 1024 : i32
      %add3A_323 = vector.broadcast %add3A_322 : i32 to vector<16xi32>
      %add3A_324 = arith.addi %mul3A_5, %add3A_323 : vector<16xi32>
      tpu.vector_store_idx %arg9[%mul3A_271, %add3A_324], %get3A_321 : memref<8x2048xf32, #tpu.memory_space<vmem>>[vector<16xi32>, vector<16xi32>], vector<16xf32>,
      %get3A_325 = arith.index_cast %scan3A_268 : i32 to index
      %get3A_326 = arith.constant 144 : index
      %get3A_327 = tpu.vector_load %arg5[%get3A_325, %get3A_326] {strides = array<i32>} : memref<8x256xf32, #tpu.memory_space<vmem>>, vector<16xf32>,
      %add3A_328 = arith.constant 1152 : i32
      %add3A_329 = vector.broadcast %add3A_328 : i32 to vector<16xi32>
      %add3A_330 = arith.addi %mul3A_5, %add3A_329 : vector<16xi32>
      tpu.vector_store_idx %arg9[%mul3A_271, %add3A_330], %get3A_327 : memref<8x2048xf32, #tpu.memory_space<vmem>>[vector<16xi32>, vector<16xi32>], vector<16xf32>,
      %get3A_331 = arith.index_cast %scan3A_268 : i32 to index
      %get3A_332 = arith.constant 160 : index
      %get3A_333 = tpu.vector_load %arg5[%get3A_331, %get3A_332] {strides = array<i32>} : memref<8x256xf32, #tpu.memory_space<vmem>>, vector<16xf32>,
      %add3A_334 = arith.constant 1280 : i32
      %add3A_335 = vector.broadcast %add3A_334 : i32 to vector<16xi32>
      %add3A_336 = arith.addi %mul3A_5, %add3A_335 : vector<16xi32>
      tpu.vector_store_idx %arg9[%mul3A_271, %add3A_336], %get3A_333 : memref<8x2048xf32, #tpu.memory_space<vmem>>[vector<16xi32>, vector<16xi32>], vector<16xf32>,
      %get3A_337 = arith.index_cast %scan3A_268 : i32 to index
      %get3A_338 = arith.constant 176 : index
      %get3A_339 = tpu.vector_load %arg5[%get3A_337, %get3A_338] {strides = array<i32>} : memref<8x256xf32, #tpu.memory_space<vmem>>, vector<16xf32>,
      %add3A_340 = arith.constant 1408 : i32
      %add3A_341 = vector.broadcast %add3A_340 : i32 to vector<16xi32>
      %add3A_342 = arith.addi %mul3A_5, %add3A_341 : vector<16xi32>
      tpu.vector_store_idx %arg9[%mul3A_271, %add3A_342], %get3A_339 : memref<8x2048xf32, #tpu.memory_space<vmem>>[vector<16xi32>, vector<16xi32>], vector<16xf32>,
      %get3A_343 = arith.index_cast %scan3A_268 : i32 to index
      %get3A_344 = arith.constant 192 : index
      %get3A_345 = tpu.vector_load %arg5[%get3A_343, %get3A_344] {strides = array<i32>} : memref<8x256xf32, #tpu.memory_space<vmem>>, vector<16xf32>,
      %add3A_346 = arith.constant 1536 : i32
      %add3A_347 = vector.broadcast %add3A_346 : i32 to vector<16xi32>
      %add3A_348 = arith.addi %mul3A_5, %add3A_347 : vector<16xi32>
      tpu.vector_store_idx %arg9[%mul3A_271, %add3A_348], %get3A_345 : memref<8x2048xf32, #tpu.memory_space<vmem>>[vector<16xi32>, vector<16xi32>], vector<16xf32>,
      %get3A_349 = arith.index_cast %scan3A_268 : i32 to index
      %get3A_350 = arith.constant 208 : index
      %get3A_351 = tpu.vector_load %arg5[%get3A_349, %get3A_350] {strides = array<i32>} : memref<8x256xf32, #tpu.memory_space<vmem>>, vector<16xf32>,
      %add3A_352 = arith.constant 1664 : i32
      %add3A_353 = vector.broadcast %add3A_352 : i32 to vector<16xi32>
      %add3A_354 = arith.addi %mul3A_5, %add3A_353 : vector<16xi32>
      tpu.vector_store_idx %arg9[%mul3A_271, %add3A_354], %get3A_351 : memref<8x2048xf32, #tpu.memory_space<vmem>>[vector<16xi32>, vector<16xi32>], vector<16xf32>,
      %get3A_355 = arith.index_cast %scan3A_268 : i32 to index
      %get3A_356 = arith.constant 224 : index
      %get3A_357 = tpu.vector_load %arg5[%get3A_355, %get3A_356] {strides = array<i32>} : memref<8x256xf32, #tpu.memory_space<vmem>>, vector<16xf32>,
      %add3A_358 = arith.constant 1792 : i32
      %add3A_359 = vector.broadcast %add3A_358 : i32 to vector<16xi32>
      %add3A_360 = arith.addi %mul3A_5, %add3A_359 : vector<16xi32>
      tpu.vector_store_idx %arg9[%mul3A_271, %add3A_360], %get3A_357 : memref<8x2048xf32, #tpu.memory_space<vmem>>[vector<16xi32>, vector<16xi32>], vector<16xf32>,
      %get3A_361 = arith.index_cast %scan3A_268 : i32 to index
      %get3A_362 = arith.constant 240 : index
      %get3A_363 = tpu.vector_load %arg5[%get3A_361, %get3A_362] {strides = array<i32>} : memref<8x256xf32, #tpu.memory_space<vmem>>, vector<16xf32>,
      %add3A_364 = arith.constant 1920 : i32
      %add3A_365 = vector.broadcast %add3A_364 : i32 to vector<16xi32>
      %add3A_366 = arith.addi %mul3A_5, %add3A_365 : vector<16xi32>
      tpu.vector_store_idx %arg9[%mul3A_271, %add3A_366], %get3A_363 : memref<8x2048xf32, #tpu.memory_space<vmem>>[vector<16xi32>, vector<16xi32>], vector<16xf32>,
      %scan3A_367 = arith.constant 0 : i32
      scf.yield %scan3A_367 : i32
    }
    %scan3A_74 = arith.constant 8 : i32
    %add3A_75 = arith.constant 8 : i32
    %add3A_76 = arith.addi %mul3A_2, %add3A_75 : i32
    %dma_start3A_77 = arith.constant 0 : i32
    %dma_start3A_78 = tpu.memref_slice %arg3[%add3A_76, %dma_start3A_77] : memref<16384x2048xf32, #tpu.memory_space<hbm>> -> memref<8x2048xf32, #tpu.memory_space<hbm>>
    %dma_start3A_79 = arith.constant 0 : i32
    %dma_start3A_80 = tpu.memref_slice %arg3[%add3A_76, %dma_start3A_79] : memref<16384x2048xf32, #tpu.memory_space<hbm>> -> memref<8x2048xf32, #tpu.memory_space<hbm>>
    tpu.enqueue_dma source(%arg9 : memref<8x2048xf32, #tpu.memory_space<vmem>>) target(%dma_start3A_80 : memref<8x2048xf32, #tpu.memory_space<hbm>>) target_semaphore(%arg17 : memref<!tpu.dma_semaphore, #tpu.memory_space<semaphore_mem>>)
    %add3A_81 = arith.constant 40 : i32
    %add3A_82 = arith.addi %mul3A_2, %add3A_81 : i32
    %dma_start3A_83 = arith.constant 0 : i32
    %dma_start3A_84 = tpu.memref_slice %arg2[%add3A_82, %dma_start3A_83] : memref<16384x256xf32, #tpu.memory_space<hbm>> -> memref<8x256xf32, #tpu.memory_space<hbm>>
    %dma_start3A_85 = arith.constant 0 : i32
    %dma_start3A_86 = tpu.memref_slice %arg2[%add3A_82, %dma_start3A_85] : memref<16384x256xf32, #tpu.memory_space<hbm>> -> memref<8x256xf32, #tpu.memory_space<hbm>>
    tpu.enqueue_dma source(%dma_start3A_86 : memref<8x256xf32, #tpu.memory_space<hbm>>) target(%arg5 : memref<8x256xf32, #tpu.memory_space<vmem>>) target_semaphore(%arg13 : memref<!tpu.dma_semaphore, #tpu.memory_space<semaphore_mem>>)
    %add3A_87 = arith.constant 16 : i32
    %add3A_88 = arith.addi %mul3A_2, %add3A_87 : i32
    %dma_wait3A_89 = arith.constant 0 : i32
    %dma_wait3A_90 = tpu.memref_slice %arg2[%add3A_88, %dma_wait3A_89] : memref<16384x256xf32, #tpu.memory_space<hbm>> -> memref<8x256xf32, #tpu.memory_space<hbm>>
    %dma_wait3A_91 = arith.constant 0 : i32
    %dma_wait3A_92 = tpu.memref_slice %arg2[%add3A_88, %dma_wait3A_91] : memref<16384x256xf32, #tpu.memory_space<hbm>> -> memref<8x256xf32, #tpu.memory_space<hbm>>
    tpu.wait_dma2 semaphore(%arg14 : memref<!tpu.dma_semaphore, #tpu.memory_space<semaphore_mem>>) src(%dma_wait3A_92 : memref<8x256xf32, #tpu.memory_space<hbm>>) dst(%arg6 : memref<8x256xf32, #tpu.memory_space<vmem>>)
    %scan3A_93 = arith.constant 0 : i32
    %scan3A_94 = arith.constant 0 : i32
    %scan3A_95 = arith.constant 8 : i32
    %scan3A_96 = arith.addi %scan3A_94, %scan3A_95 : i32
    %scan3A_97 = arith.constant 1 : i32
    %scan3A_98 = scf.for %scan3A_268 = %scan3A_94 to %scan3A_96 step %scan3A_97 iter_args(%scan3A_269 = %scan3A_93) -> (i32)  : i32 {
      %mul3A_270 = vector.broadcast %scan3A_268 : i32 to vector<16xi32>
      %mul3A_271 = arith.muli %broadcast_in_dim3A_6, %mul3A_270 : vector<16xi32>
      %get3A = arith.index_cast %scan3A_268 : i32 to index
      %get3A_272 = arith.constant 0 : index
      %get3A_273 = tpu.vector_load %arg6[%get3A, %get3A_272] {strides = array<i32>} : memref<8x256xf32, #tpu.memory_space<vmem>>, vector<16xf32>,
      %add3A_274 = arith.constant 0 : i32
      %add3A_275 = vector.broadcast %add3A_274 : i32 to vector<16xi32>
      %add3A_276 = arith.addi %mul3A_5, %add3A_275 : vector<16xi32>
      tpu.vector_store_idx %arg10[%mul3A_271, %add3A_276], %get3A_273 : memref<8x2048xf32, #tpu.memory_space<vmem>>[vector<16xi32>, vector<16xi32>], vector<16xf32>,
      %get3A_277 = arith.index_cast %scan3A_268 : i32 to index
      %get3A_278 = arith.constant 16 : index
      %get3A_279 = tpu.vector_load %arg6[%get3A_277, %get3A_278] {strides = array<i32>} : memref<8x256xf32, #tpu.memory_space<vmem>>, vector<16xf32>,
      %add3A_280 = arith.constant 128 : i32
      %add3A_281 = vector.broadcast %add3A_280 : i32 to vector<16xi32>
      %add3A_282 = arith.addi %mul3A_5, %add3A_281 : vector<16xi32>
      tpu.vector_store_idx %arg10[%mul3A_271, %add3A_282], %get3A_279 : memref<8x2048xf32, #tpu.memory_space<vmem>>[vector<16xi32>, vector<16xi32>], vector<16xf32>,
      %get3A_283 = arith.index_cast %scan3A_268 : i32 to index
      %get3A_284 = arith.constant 32 : index
      %get3A_285 = tpu.vector_load %arg6[%get3A_283, %get3A_284] {strides = array<i32>} : memref<8x256xf32, #tpu.memory_space<vmem>>, vector<16xf32>,
      %add3A_286 = arith.constant 256 : i32
      %add3A_287 = vector.broadcast %add3A_286 : i32 to vector<16xi32>
      %add3A_288 = arith.addi %mul3A_5, %add3A_287 : vector<16xi32>
      tpu.vector_store_idx %arg10[%mul3A_271, %add3A_288], %get3A_285 : memref<8x2048xf32, #tpu.memory_space<vmem>>[vector<16xi32>, vector<16xi32>], vector<16xf32>,
      %get3A_289 = arith.index_cast %scan3A_268 : i32 to index
      %get3A_290 = arith.constant 48 : index
      %get3A_291 = tpu.vector_load %arg6[%get3A_289, %get3A_290] {strides = array<i32>} : memref<8x256xf32, #tpu.memory_space<vmem>>, vector<16xf32>,
      %add3A_292 = arith.constant 384 : i32
      %add3A_293 = vector.broadcast %add3A_292 : i32 to vector<16xi32>
      %add3A_294 = arith.addi %mul3A_5, %add3A_293 : vector<16xi32>
      tpu.vector_store_idx %arg10[%mul3A_271, %add3A_294], %get3A_291 : memref<8x2048xf32, #tpu.memory_space<vmem>>[vector<16xi32>, vector<16xi32>], vector<16xf32>,
      %get3A_295 = arith.index_cast %scan3A_268 : i32 to index
      %get3A_296 = arith.constant 64 : index
      %get3A_297 = tpu.vector_load %arg6[%get3A_295, %get3A_296] {strides = array<i32>} : memref<8x256xf32, #tpu.memory_space<vmem>>, vector<16xf32>,
      %add3A_298 = arith.constant 512 : i32
      %add3A_299 = vector.broadcast %add3A_298 : i32 to vector<16xi32>
      %add3A_300 = arith.addi %mul3A_5, %add3A_299 : vector<16xi32>
      tpu.vector_store_idx %arg10[%mul3A_271, %add3A_300], %get3A_297 : memref<8x2048xf32, #tpu.memory_space<vmem>>[vector<16xi32>, vector<16xi32>], vector<16xf32>,
      %get3A_301 = arith.index_cast %scan3A_268 : i32 to index
      %get3A_302 = arith.constant 80 : index
      %get3A_303 = tpu.vector_load %arg6[%get3A_301, %get3A_302] {strides = array<i32>} : memref<8x256xf32, #tpu.memory_space<vmem>>, vector<16xf32>,
      %add3A_304 = arith.constant 640 : i32
      %add3A_305 = vector.broadcast %add3A_304 : i32 to vector<16xi32>
      %add3A_306 = arith.addi %mul3A_5, %add3A_305 : vector<16xi32>
      tpu.vector_store_idx %arg10[%mul3A_271, %add3A_306], %get3A_303 : memref<8x2048xf32, #tpu.memory_space<vmem>>[vector<16xi32>, vector<16xi32>], vector<16xf32>,
      %get3A_307 = arith.index_cast %scan3A_268 : i32 to index
      %get3A_308 = arith.constant 96 : index
      %get3A_309 = tpu.vector_load %arg6[%get3A_307, %get3A_308] {strides = array<i32>} : memref<8x256xf32, #tpu.memory_space<vmem>>, vector<16xf32>,
      %add3A_310 = arith.constant 768 : i32
      %add3A_311 = vector.broadcast %add3A_310 : i32 to vector<16xi32>
      %add3A_312 = arith.addi %mul3A_5, %add3A_311 : vector<16xi32>
      tpu.vector_store_idx %arg10[%mul3A_271, %add3A_312], %get3A_309 : memref<8x2048xf32, #tpu.memory_space<vmem>>[vector<16xi32>, vector<16xi32>], vector<16xf32>,
      %get3A_313 = arith.index_cast %scan3A_268 : i32 to index
      %get3A_314 = arith.constant 112 : index
      %get3A_315 = tpu.vector_load %arg6[%get3A_313, %get3A_314] {strides = array<i32>} : memref<8x256xf32, #tpu.memory_space<vmem>>, vector<16xf32>,
      %add3A_316 = arith.constant 896 : i32
      %add3A_317 = vector.broadcast %add3A_316 : i32 to vector<16xi32>
      %add3A_318 = arith.addi %mul3A_5, %add3A_317 : vector<16xi32>
      tpu.vector_store_idx %arg10[%mul3A_271, %add3A_318], %get3A_315 : memref<8x2048xf32, #tpu.memory_space<vmem>>[vector<16xi32>, vector<16xi32>], vector<16xf32>,
      %get3A_319 = arith.index_cast %scan3A_268 : i32 to index
      %get3A_320 = arith.constant 128 : index
      %get3A_321 = tpu.vector_load %arg6[%get3A_319, %get3A_320] {strides = array<i32>} : memref<8x256xf32, #tpu.memory_space<vmem>>, vector<16xf32>,
      %add3A_322 = arith.constant 1024 : i32
      %add3A_323 = vector.broadcast %add3A_322 : i32 to vector<16xi32>
      %add3A_324 = arith.addi %mul3A_5, %add3A_323 : vector<16xi32>
      tpu.vector_store_idx %arg10[%mul3A_271, %add3A_324], %get3A_321 : memref<8x2048xf32, #tpu.memory_space<vmem>>[vector<16xi32>, vector<16xi32>], vector<16xf32>,
      %get3A_325 = arith.index_cast %scan3A_268 : i32 to index
      %get3A_326 = arith.constant 144 : index
      %get3A_327 = tpu.vector_load %arg6[%get3A_325, %get3A_326] {strides = array<i32>} : memref<8x256xf32, #tpu.memory_space<vmem>>, vector<16xf32>,
      %add3A_328 = arith.constant 1152 : i32
      %add3A_329 = vector.broadcast %add3A_328 : i32 to vector<16xi32>
      %add3A_330 = arith.addi %mul3A_5, %add3A_329 : vector<16xi32>
      tpu.vector_store_idx %arg10[%mul3A_271, %add3A_330], %get3A_327 : memref<8x2048xf32, #tpu.memory_space<vmem>>[vector<16xi32>, vector<16xi32>], vector<16xf32>,
      %get3A_331 = arith.index_cast %scan3A_268 : i32 to index
      %get3A_332 = arith.constant 160 : index
      %get3A_333 = tpu.vector_load %arg6[%get3A_331, %get3A_332] {strides = array<i32>} : memref<8x256xf32, #tpu.memory_space<vmem>>, vector<16xf32>,
      %add3A_334 = arith.constant 1280 : i32
      %add3A_335 = vector.broadcast %add3A_334 : i32 to vector<16xi32>
      %add3A_336 = arith.addi %mul3A_5, %add3A_335 : vector<16xi32>
      tpu.vector_store_idx %arg10[%mul3A_271, %add3A_336], %get3A_333 : memref<8x2048xf32, #tpu.memory_space<vmem>>[vector<16xi32>, vector<16xi32>], vector<16xf32>,
      %get3A_337 = arith.index_cast %scan3A_268 : i32 to index
      %get3A_338 = arith.constant 176 : index
      %get3A_339 = tpu.vector_load %arg6[%get3A_337, %get3A_338] {strides = array<i32>} : memref<8x256xf32, #tpu.memory_space<vmem>>, vector<16xf32>,
      %add3A_340 = arith.constant 1408 : i32
      %add3A_341 = vector.broadcast %add3A_340 : i32 to vector<16xi32>
      %add3A_342 = arith.addi %mul3A_5, %add3A_341 : vector<16xi32>
      tpu.vector_store_idx %arg10[%mul3A_271, %add3A_342], %get3A_339 : memref<8x2048xf32, #tpu.memory_space<vmem>>[vector<16xi32>, vector<16xi32>], vector<16xf32>,
      %get3A_343 = arith.index_cast %scan3A_268 : i32 to index
      %get3A_344 = arith.constant 192 : index
      %get3A_345 = tpu.vector_load %arg6[%get3A_343, %get3A_344] {strides = array<i32>} : memref<8x256xf32, #tpu.memory_space<vmem>>, vector<16xf32>,
      %add3A_346 = arith.constant 1536 : i32
      %add3A_347 = vector.broadcast %add3A_346 : i32 to vector<16xi32>
      %add3A_348 = arith.addi %mul3A_5, %add3A_347 : vector<16xi32>
      tpu.vector_store_idx %arg10[%mul3A_271, %add3A_348], %get3A_345 : memref<8x2048xf32, #tpu.memory_space<vmem>>[vector<16xi32>, vector<16xi32>], vector<16xf32>,
      %get3A_349 = arith.index_cast %scan3A_268 : i32 to index
      %get3A_350 = arith.constant 208 : index
      %get3A_351 = tpu.vector_load %arg6[%get3A_349, %get3A_350] {strides = array<i32>} : memref<8x256xf32, #tpu.memory_space<vmem>>, vector<16xf32>,
      %add3A_352 = arith.constant 1664 : i32
      %add3A_353 = vector.broadcast %add3A_352 : i32 to vector<16xi32>
      %add3A_354 = arith.addi %mul3A_5, %add3A_353 : vector<16xi32>
      tpu.vector_store_idx %arg10[%mul3A_271, %add3A_354], %get3A_351 : memref<8x2048xf32, #tpu.memory_space<vmem>>[vector<16xi32>, vector<16xi32>], vector<16xf32>,
      %get3A_355 = arith.index_cast %scan3A_268 : i32 to index
      %get3A_356 = arith.constant 224 : index
      %get3A_357 = tpu.vector_load %arg6[%get3A_355, %get3A_356] {strides = array<i32>} : memref<8x256xf32, #tpu.memory_space<vmem>>, vector<16xf32>,
      %add3A_358 = arith.constant 1792 : i32
      %add3A_359 = vector.broadcast %add3A_358 : i32 to vector<16xi32>
      %add3A_360 = arith.addi %mul3A_5, %add3A_359 : vector<16xi32>
      tpu.vector_store_idx %arg10[%mul3A_271, %add3A_360], %get3A_357 : memref<8x2048xf32, #tpu.memory_space<vmem>>[vector<16xi32>, vector<16xi32>], vector<16xf32>,
      %get3A_361 = arith.index_cast %scan3A_268 : i32 to index
      %get3A_362 = arith.constant 240 : index
      %get3A_363 = tpu.vector_load %arg6[%get3A_361, %get3A_362] {strides = array<i32>} : memref<8x256xf32, #tpu.memory_space<vmem>>, vector<16xf32>,
      %add3A_364 = arith.constant 1920 : i32
      %add3A_365 = vector.broadcast %add3A_364 : i32 to vector<16xi32>
      %add3A_366 = arith.addi %mul3A_5, %add3A_365 : vector<16xi32>
      tpu.vector_store_idx %arg10[%mul3A_271, %add3A_366], %get3A_363 : memref<8x2048xf32, #tpu.memory_space<vmem>>[vector<16xi32>, vector<16xi32>], vector<16xf32>,
      %scan3A_367 = arith.constant 0 : i32
      scf.yield %scan3A_367 : i32
    }
    %scan3A_99 = arith.constant 8 : i32
    %add3A_100 = arith.constant 16 : i32
    %add3A_101 = arith.addi %mul3A_2, %add3A_100 : i32
    %dma_start3A_102 = arith.constant 0 : i32
    %dma_start3A_103 = tpu.memref_slice %arg3[%add3A_101, %dma_start3A_102] : memref<16384x2048xf32, #tpu.memory_space<hbm>> -> memref<8x2048xf32, #tpu.memory_space<hbm>>
    %dma_start3A_104 = arith.constant 0 : i32
    %dma_start3A_105 = tpu.memref_slice %arg3[%add3A_101, %dma_start3A_104] : memref<16384x2048xf32, #tpu.memory_space<hbm>> -> memref<8x2048xf32, #tpu.memory_space<hbm>>
    tpu.enqueue_dma source(%arg10 : memref<8x2048xf32, #tpu.memory_space<vmem>>) target(%dma_start3A_105 : memref<8x2048xf32, #tpu.memory_space<hbm>>) target_semaphore(%arg18 : memref<!tpu.dma_semaphore, #tpu.memory_space<semaphore_mem>>)
    %add3A_106 = arith.constant 48 : i32
    %add3A_107 = arith.addi %mul3A_2, %add3A_106 : i32
    %dma_start3A_108 = arith.constant 0 : i32
    %dma_start3A_109 = tpu.memref_slice %arg2[%add3A_107, %dma_start3A_108] : memref<16384x256xf32, #tpu.memory_space<hbm>> -> memref<8x256xf32, #tpu.memory_space<hbm>>
    %dma_start3A_110 = arith.constant 0 : i32
    %dma_start3A_111 = tpu.memref_slice %arg2[%add3A_107, %dma_start3A_110] : memref<16384x256xf32, #tpu.memory_space<hbm>> -> memref<8x256xf32, #tpu.memory_space<hbm>>
    tpu.enqueue_dma source(%dma_start3A_111 : memref<8x256xf32, #tpu.memory_space<hbm>>) target(%arg6 : memref<8x256xf32, #tpu.memory_space<vmem>>) target_semaphore(%arg14 : memref<!tpu.dma_semaphore, #tpu.memory_space<semaphore_mem>>)
    %add3A_112 = arith.constant 24 : i32
    %add3A_113 = arith.addi %mul3A_2, %add3A_112 : i32
    %dma_wait3A_114 = arith.constant 0 : i32
    %dma_wait3A_115 = tpu.memref_slice %arg2[%add3A_113, %dma_wait3A_114] : memref<16384x256xf32, #tpu.memory_space<hbm>> -> memref<8x256xf32, #tpu.memory_space<hbm>>
    %dma_wait3A_116 = arith.constant 0 : i32
    %dma_wait3A_117 = tpu.memref_slice %arg2[%add3A_113, %dma_wait3A_116] : memref<16384x256xf32, #tpu.memory_space<hbm>> -> memref<8x256xf32, #tpu.memory_space<hbm>>
    tpu.wait_dma2 semaphore(%arg15 : memref<!tpu.dma_semaphore, #tpu.memory_space<semaphore_mem>>) src(%dma_wait3A_117 : memref<8x256xf32, #tpu.memory_space<hbm>>) dst(%arg7 : memref<8x256xf32, #tpu.memory_space<vmem>>)
    %scan3A_118 = arith.constant 0 : i32
    %scan3A_119 = arith.constant 0 : i32
    %scan3A_120 = arith.constant 8 : i32
    %scan3A_121 = arith.addi %scan3A_119, %scan3A_120 : i32
    %scan3A_122 = arith.constant 1 : i32
    %scan3A_123 = scf.for %scan3A_268 = %scan3A_119 to %scan3A_121 step %scan3A_122 iter_args(%scan3A_269 = %scan3A_118) -> (i32)  : i32 {
      %mul3A_270 = vector.broadcast %scan3A_268 : i32 to vector<16xi32>
      %mul3A_271 = arith.muli %broadcast_in_dim3A_6, %mul3A_270 : vector<16xi32>
      %get3A = arith.index_cast %scan3A_268 : i32 to index
      %get3A_272 = arith.constant 0 : index
      %get3A_273 = tpu.vector_load %arg7[%get3A, %get3A_272] {strides = array<i32>} : memref<8x256xf32, #tpu.memory_space<vmem>>, vector<16xf32>,
      %add3A_274 = arith.constant 0 : i32
      %add3A_275 = vector.broadcast %add3A_274 : i32 to vector<16xi32>
      %add3A_276 = arith.addi %mul3A_5, %add3A_275 : vector<16xi32>
      tpu.vector_store_idx %arg11[%mul3A_271, %add3A_276], %get3A_273 : memref<8x2048xf32, #tpu.memory_space<vmem>>[vector<16xi32>, vector<16xi32>], vector<16xf32>,
      %get3A_277 = arith.index_cast %scan3A_268 : i32 to index
      %get3A_278 = arith.constant 16 : index
      %get3A_279 = tpu.vector_load %arg7[%get3A_277, %get3A_278] {strides = array<i32>} : memref<8x256xf32, #tpu.memory_space<vmem>>, vector<16xf32>,
      %add3A_280 = arith.constant 128 : i32
      %add3A_281 = vector.broadcast %add3A_280 : i32 to vector<16xi32>
      %add3A_282 = arith.addi %mul3A_5, %add3A_281 : vector<16xi32>
      tpu.vector_store_idx %arg11[%mul3A_271, %add3A_282], %get3A_279 : memref<8x2048xf32, #tpu.memory_space<vmem>>[vector<16xi32>, vector<16xi32>], vector<16xf32>,
      %get3A_283 = arith.index_cast %scan3A_268 : i32 to index
      %get3A_284 = arith.constant 32 : index
      %get3A_285 = tpu.vector_load %arg7[%get3A_283, %get3A_284] {strides = array<i32>} : memref<8x256xf32, #tpu.memory_space<vmem>>, vector<16xf32>,
      %add3A_286 = arith.constant 256 : i32
      %add3A_287 = vector.broadcast %add3A_286 : i32 to vector<16xi32>
      %add3A_288 = arith.addi %mul3A_5, %add3A_287 : vector<16xi32>
      tpu.vector_store_idx %arg11[%mul3A_271, %add3A_288], %get3A_285 : memref<8x2048xf32, #tpu.memory_space<vmem>>[vector<16xi32>, vector<16xi32>], vector<16xf32>,
      %get3A_289 = arith.index_cast %scan3A_268 : i32 to index
      %get3A_290 = arith.constant 48 : index
      %get3A_291 = tpu.vector_load %arg7[%get3A_289, %get3A_290] {strides = array<i32>} : memref<8x256xf32, #tpu.memory_space<vmem>>, vector<16xf32>,
      %add3A_292 = arith.constant 384 : i32
      %add3A_293 = vector.broadcast %add3A_292 : i32 to vector<16xi32>
      %add3A_294 = arith.addi %mul3A_5, %add3A_293 : vector<16xi32>
      tpu.vector_store_idx %arg11[%mul3A_271, %add3A_294], %get3A_291 : memref<8x2048xf32, #tpu.memory_space<vmem>>[vector<16xi32>, vector<16xi32>], vector<16xf32>,
      %get3A_295 = arith.index_cast %scan3A_268 : i32 to index
      %get3A_296 = arith.constant 64 : index
      %get3A_297 = tpu.vector_load %arg7[%get3A_295, %get3A_296] {strides = array<i32>} : memref<8x256xf32, #tpu.memory_space<vmem>>, vector<16xf32>,
      %add3A_298 = arith.constant 512 : i32
      %add3A_299 = vector.broadcast %add3A_298 : i32 to vector<16xi32>
      %add3A_300 = arith.addi %mul3A_5, %add3A_299 : vector<16xi32>
      tpu.vector_store_idx %arg11[%mul3A_271, %add3A_300], %get3A_297 : memref<8x2048xf32, #tpu.memory_space<vmem>>[vector<16xi32>, vector<16xi32>], vector<16xf32>,
      %get3A_301 = arith.index_cast %scan3A_268 : i32 to index
      %get3A_302 = arith.constant 80 : index
      %get3A_303 = tpu.vector_load %arg7[%get3A_301, %get3A_302] {strides = array<i32>} : memref<8x256xf32, #tpu.memory_space<vmem>>, vector<16xf32>,
      %add3A_304 = arith.constant 640 : i32
      %add3A_305 = vector.broadcast %add3A_304 : i32 to vector<16xi32>
      %add3A_306 = arith.addi %mul3A_5, %add3A_305 : vector<16xi32>
      tpu.vector_store_idx %arg11[%mul3A_271, %add3A_306], %get3A_303 : memref<8x2048xf32, #tpu.memory_space<vmem>>[vector<16xi32>, vector<16xi32>], vector<16xf32>,
      %get3A_307 = arith.index_cast %scan3A_268 : i32 to index
      %get3A_308 = arith.constant 96 : index
      %get3A_309 = tpu.vector_load %arg7[%get3A_307, %get3A_308] {strides = array<i32>} : memref<8x256xf32, #tpu.memory_space<vmem>>, vector<16xf32>,
      %add3A_310 = arith.constant 768 : i32
      %add3A_311 = vector.broadcast %add3A_310 : i32 to vector<16xi32>
      %add3A_312 = arith.addi %mul3A_5, %add3A_311 : vector<16xi32>
      tpu.vector_store_idx %arg11[%mul3A_271, %add3A_312], %get3A_309 : memref<8x2048xf32, #tpu.memory_space<vmem>>[vector<16xi32>, vector<16xi32>], vector<16xf32>,
      %get3A_313 = arith.index_cast %scan3A_268 : i32 to index
      %get3A_314 = arith.constant 112 : index
      %get3A_315 = tpu.vector_load %arg7[%get3A_313, %get3A_314] {strides = array<i32>} : memref<8x256xf32, #tpu.memory_space<vmem>>, vector<16xf32>,
      %add3A_316 = arith.constant 896 : i32
      %add3A_317 = vector.broadcast %add3A_316 : i32 to vector<16xi32>
      %add3A_318 = arith.addi %mul3A_5, %add3A_317 : vector<16xi32>
      tpu.vector_store_idx %arg11[%mul3A_271, %add3A_318], %get3A_315 : memref<8x2048xf32, #tpu.memory_space<vmem>>[vector<16xi32>, vector<16xi32>], vector<16xf32>,
      %get3A_319 = arith.index_cast %scan3A_268 : i32 to index
      %get3A_320 = arith.constant 128 : index
      %get3A_321 = tpu.vector_load %arg7[%get3A_319, %get3A_320] {strides = array<i32>} : memref<8x256xf32, #tpu.memory_space<vmem>>, vector<16xf32>,
      %add3A_322 = arith.constant 1024 : i32
      %add3A_323 = vector.broadcast %add3A_322 : i32 to vector<16xi32>
      %add3A_324 = arith.addi %mul3A_5, %add3A_323 : vector<16xi32>
      tpu.vector_store_idx %arg11[%mul3A_271, %add3A_324], %get3A_321 : memref<8x2048xf32, #tpu.memory_space<vmem>>[vector<16xi32>, vector<16xi32>], vector<16xf32>,
      %get3A_325 = arith.index_cast %scan3A_268 : i32 to index
      %get3A_326 = arith.constant 144 : index
      %get3A_327 = tpu.vector_load %arg7[%get3A_325, %get3A_326] {strides = array<i32>} : memref<8x256xf32, #tpu.memory_space<vmem>>, vector<16xf32>,
      %add3A_328 = arith.constant 1152 : i32
      %add3A_329 = vector.broadcast %add3A_328 : i32 to vector<16xi32>
      %add3A_330 = arith.addi %mul3A_5, %add3A_329 : vector<16xi32>
      tpu.vector_store_idx %arg11[%mul3A_271, %add3A_330], %get3A_327 : memref<8x2048xf32, #tpu.memory_space<vmem>>[vector<16xi32>, vector<16xi32>], vector<16xf32>,
      %get3A_331 = arith.index_cast %scan3A_268 : i32 to index
      %get3A_332 = arith.constant 160 : index
      %get3A_333 = tpu.vector_load %arg7[%get3A_331, %get3A_332] {strides = array<i32>} : memref<8x256xf32, #tpu.memory_space<vmem>>, vector<16xf32>,
      %add3A_334 = arith.constant 1280 : i32
      %add3A_335 = vector.broadcast %add3A_334 : i32 to vector<16xi32>
      %add3A_336 = arith.addi %mul3A_5, %add3A_335 : vector<16xi32>
      tpu.vector_store_idx %arg11[%mul3A_271, %add3A_336], %get3A_333 : memref<8x2048xf32, #tpu.memory_space<vmem>>[vector<16xi32>, vector<16xi32>], vector<16xf32>,
      %get3A_337 = arith.index_cast %scan3A_268 : i32 to index
      %get3A_338 = arith.constant 176 : index
      %get3A_339 = tpu.vector_load %arg7[%get3A_337, %get3A_338] {strides = array<i32>} : memref<8x256xf32, #tpu.memory_space<vmem>>, vector<16xf32>,
      %add3A_340 = arith.constant 1408 : i32
      %add3A_341 = vector.broadcast %add3A_340 : i32 to vector<16xi32>
      %add3A_342 = arith.addi %mul3A_5, %add3A_341 : vector<16xi32>
      tpu.vector_store_idx %arg11[%mul3A_271, %add3A_342], %get3A_339 : memref<8x2048xf32, #tpu.memory_space<vmem>>[vector<16xi32>, vector<16xi32>], vector<16xf32>,
      %get3A_343 = arith.index_cast %scan3A_268 : i32 to index
      %get3A_344 = arith.constant 192 : index
      %get3A_345 = tpu.vector_load %arg7[%get3A_343, %get3A_344] {strides = array<i32>} : memref<8x256xf32, #tpu.memory_space<vmem>>, vector<16xf32>,
      %add3A_346 = arith.constant 1536 : i32
      %add3A_347 = vector.broadcast %add3A_346 : i32 to vector<16xi32>
      %add3A_348 = arith.addi %mul3A_5, %add3A_347 : vector<16xi32>
      tpu.vector_store_idx %arg11[%mul3A_271, %add3A_348], %get3A_345 : memref<8x2048xf32, #tpu.memory_space<vmem>>[vector<16xi32>, vector<16xi32>], vector<16xf32>,
      %get3A_349 = arith.index_cast %scan3A_268 : i32 to index
      %get3A_350 = arith.constant 208 : index
      %get3A_351 = tpu.vector_load %arg7[%get3A_349, %get3A_350] {strides = array<i32>} : memref<8x256xf32, #tpu.memory_space<vmem>>, vector<16xf32>,
      %add3A_352 = arith.constant 1664 : i32
      %add3A_353 = vector.broadcast %add3A_352 : i32 to vector<16xi32>
      %add3A_354 = arith.addi %mul3A_5, %add3A_353 : vector<16xi32>
      tpu.vector_store_idx %arg11[%mul3A_271, %add3A_354], %get3A_351 : memref<8x2048xf32, #tpu.memory_space<vmem>>[vector<16xi32>, vector<16xi32>], vector<16xf32>,
      %get3A_355 = arith.index_cast %scan3A_268 : i32 to index
      %get3A_356 = arith.constant 224 : index
      %get3A_357 = tpu.vector_load %arg7[%get3A_355, %get3A_356] {strides = array<i32>} : memref<8x256xf32, #tpu.memory_space<vmem>>, vector<16xf32>,
      %add3A_358 = arith.constant 1792 : i32
      %add3A_359 = vector.broadcast %add3A_358 : i32 to vector<16xi32>
      %add3A_360 = arith.addi %mul3A_5, %add3A_359 : vector<16xi32>
      tpu.vector_store_idx %arg11[%mul3A_271, %add3A_360], %get3A_357 : memref<8x2048xf32, #tpu.memory_space<vmem>>[vector<16xi32>, vector<16xi32>], vector<16xf32>,
      %get3A_361 = arith.index_cast %scan3A_268 : i32 to index
      %get3A_362 = arith.constant 240 : index
      %get3A_363 = tpu.vector_load %arg7[%get3A_361, %get3A_362] {strides = array<i32>} : memref<8x256xf32, #tpu.memory_space<vmem>>, vector<16xf32>,
      %add3A_364 = arith.constant 1920 : i32
      %add3A_365 = vector.broadcast %add3A_364 : i32 to vector<16xi32>
      %add3A_366 = arith.addi %mul3A_5, %add3A_365 : vector<16xi32>
      tpu.vector_store_idx %arg11[%mul3A_271, %add3A_366], %get3A_363 : memref<8x2048xf32, #tpu.memory_space<vmem>>[vector<16xi32>, vector<16xi32>], vector<16xf32>,
      %scan3A_367 = arith.constant 0 : i32
      scf.yield %scan3A_367 : i32
    }
    %scan3A_124 = arith.constant 8 : i32
    %add3A_125 = arith.constant 24 : i32
    %add3A_126 = arith.addi %mul3A_2, %add3A_125 : i32
    %dma_start3A_127 = arith.constant 0 : i32
    %dma_start3A_128 = tpu.memref_slice %arg3[%add3A_126, %dma_start3A_127] : memref<16384x2048xf32, #tpu.memory_space<hbm>> -> memref<8x2048xf32, #tpu.memory_space<hbm>>
    %dma_start3A_129 = arith.constant 0 : i32
    %dma_start3A_130 = tpu.memref_slice %arg3[%add3A_126, %dma_start3A_129] : memref<16384x2048xf32, #tpu.memory_space<hbm>> -> memref<8x2048xf32, #tpu.memory_space<hbm>>
    tpu.enqueue_dma source(%arg11 : memref<8x2048xf32, #tpu.memory_space<vmem>>) target(%dma_start3A_130 : memref<8x2048xf32, #tpu.memory_space<hbm>>) target_semaphore(%arg19 : memref<!tpu.dma_semaphore, #tpu.memory_space<semaphore_mem>>)
    %add3A_131 = arith.constant 56 : i32
    %add3A_132 = arith.addi %mul3A_2, %add3A_131 : i32
    %dma_start3A_133 = arith.constant 0 : i32
    %dma_start3A_134 = tpu.memref_slice %arg2[%add3A_132, %dma_start3A_133] : memref<16384x256xf32, #tpu.memory_space<hbm>> -> memref<8x256xf32, #tpu.memory_space<hbm>>
    %dma_start3A_135 = arith.constant 0 : i32
    %dma_start3A_136 = tpu.memref_slice %arg2[%add3A_132, %dma_start3A_135] : memref<16384x256xf32, #tpu.memory_space<hbm>> -> memref<8x256xf32, #tpu.memory_space<hbm>>
    tpu.enqueue_dma source(%dma_start3A_136 : memref<8x256xf32, #tpu.memory_space<hbm>>) target(%arg7 : memref<8x256xf32, #tpu.memory_space<vmem>>) target_semaphore(%arg15 : memref<!tpu.dma_semaphore, #tpu.memory_space<semaphore_mem>>)
    %scan3A_137 = arith.constant 0 : i32
    %scan3A_138 = arith.constant 1 : i32
    %scan3A_139 = arith.constant 14 : i32
    %scan3A_140 = arith.addi %scan3A_138, %scan3A_139 : i32
    %scan3A_141 = arith.constant 1 : i32
    %scan3A_142 = scf.for %scan3A_268 = %scan3A_138 to %scan3A_140 step %scan3A_141 iter_args(%scan3A_269 = %scan3A_137) -> (i32)  : i32 {
      %mul3A_270 = arith.constant 4 : i32
      %mul3A_271 = arith.muli %scan3A_268, %mul3A_270 : i32
      %add3A_272 = arith.constant 0 : i32
      %add3A_273 = arith.addi %mul3A_271, %add3A_272 : i32
      %mul3A_274 = arith.constant 8 : i32
      %mul3A_275 = arith.muli %add3A_273, %mul3A_274 : i32
      %add3A_276 = arith.addi %mul3A_2, %mul3A_275 : i32
      %dma_wait3A_277 = arith.constant 0 : i32
      %dma_wait3A_278 = tpu.memref_slice %arg2[%add3A_276, %dma_wait3A_277] : memref<16384x256xf32, #tpu.memory_space<hbm>> -> memref<8x256xf32, #tpu.memory_space<hbm>>
      %dma_wait3A_279 = arith.constant 0 : i32
      %dma_wait3A_280 = tpu.memref_slice %arg2[%add3A_276, %dma_wait3A_279] : memref<16384x256xf32, #tpu.memory_space<hbm>> -> memref<8x256xf32, #tpu.memory_space<hbm>>
      tpu.wait_dma2 semaphore(%arg12 : memref<!tpu.dma_semaphore, #tpu.memory_space<semaphore_mem>>) src(%dma_wait3A_280 : memref<8x256xf32, #tpu.memory_space<hbm>>) dst(%arg4 : memref<8x256xf32, #tpu.memory_space<vmem>>)
      %sub3A = arith.constant 4 : i32
      %sub3A_281 = arith.subi %add3A_273, %sub3A : i32
      %mul3A_282 = arith.constant 8 : i32
      %mul3A_283 = arith.muli %sub3A_281, %mul3A_282 : i32
      %add3A_284 = arith.addi %mul3A_2, %mul3A_283 : i32
      %dma_wait3A_285 = arith.constant 0 : i32
      %dma_wait3A_286 = tpu.memref_slice %arg3[%add3A_284, %dma_wait3A_285] : memref<16384x2048xf32, #tpu.memory_space<hbm>> -> memref<8x2048xf32, #tpu.memory_space<hbm>>
      %dma_wait3A_287 = arith.constant 0 : i32
      %dma_wait3A_288 = tpu.memref_slice %arg3[%add3A_284, %dma_wait3A_287] : memref<16384x2048xf32, #tpu.memory_space<hbm>> -> memref<8x2048xf32, #tpu.memory_space<hbm>>
      tpu.wait_dma2 semaphore(%arg16 : memref<!tpu.dma_semaphore, #tpu.memory_space<semaphore_mem>>) src(%arg8 : memref<8x2048xf32, #tpu.memory_space<vmem>>) dst(%dma_wait3A_288 : memref<8x2048xf32, #tpu.memory_space<hbm>>)
      %scan3A_289 = arith.constant 0 : i32
      %scan3A_290 = arith.constant 0 : i32
      %scan3A_291 = arith.constant 8 : i32
      %scan3A_292 = arith.addi %scan3A_290, %scan3A_291 : i32
      %scan3A_293 = arith.constant 1 : i32
      %scan3A_294 = scf.for %scan3A_436 = %scan3A_290 to %scan3A_292 step %scan3A_293 iter_args(%scan3A_437 = %scan3A_289) -> (i32)  : i32 {
        %mul3A_438 = vector.broadcast %scan3A_436 : i32 to vector<16xi32>
        %mul3A_439 = arith.muli %broadcast_in_dim3A_6, %mul3A_438 : vector<16xi32>
        %get3A = arith.index_cast %scan3A_436 : i32 to index
        %get3A_440 = arith.constant 0 : index
        %get3A_441 = tpu.vector_load %arg4[%get3A, %get3A_440] {strides = array<i32>} : memref<8x256xf32, #tpu.memory_space<vmem>>, vector<16xf32>,
        %add3A_442 = arith.constant 0 : i32
        %add3A_443 = vector.broadcast %add3A_442 : i32 to vector<16xi32>
        %add3A_444 = arith.addi %mul3A_5, %add3A_443 : vector<16xi32>
        tpu.vector_store_idx %arg8[%mul3A_439, %add3A_444], %get3A_441 : memref<8x2048xf32, #tpu.memory_space<vmem>>[vector<16xi32>, vector<16xi32>], vector<16xf32>,
        %get3A_445 = arith.index_cast %scan3A_436 : i32 to index
        %get3A_446 = arith.constant 16 : index
        %get3A_447 = tpu.vector_load %arg4[%get3A_445, %get3A_446] {strides = array<i32>} : memref<8x256xf32, #tpu.memory_space<vmem>>, vector<16xf32>,
        %add3A_448 = arith.constant 128 : i32
        %add3A_449 = vector.broadcast %add3A_448 : i32 to vector<16xi32>
        %add3A_450 = arith.addi %mul3A_5, %add3A_449 : vector<16xi32>
        tpu.vector_store_idx %arg8[%mul3A_439, %add3A_450], %get3A_447 : memref<8x2048xf32, #tpu.memory_space<vmem>>[vector<16xi32>, vector<16xi32>], vector<16xf32>,
        %get3A_451 = arith.index_cast %scan3A_436 : i32 to index
        %get3A_452 = arith.constant 32 : index
        %get3A_453 = tpu.vector_load %arg4[%get3A_451, %get3A_452] {strides = array<i32>} : memref<8x256xf32, #tpu.memory_space<vmem>>, vector<16xf32>,
        %add3A_454 = arith.constant 256 : i32
        %add3A_455 = vector.broadcast %add3A_454 : i32 to vector<16xi32>
        %add3A_456 = arith.addi %mul3A_5, %add3A_455 : vector<16xi32>
        tpu.vector_store_idx %arg8[%mul3A_439, %add3A_456], %get3A_453 : memref<8x2048xf32, #tpu.memory_space<vmem>>[vector<16xi32>, vector<16xi32>], vector<16xf32>,
        %get3A_457 = arith.index_cast %scan3A_436 : i32 to index
        %get3A_458 = arith.constant 48 : index
        %get3A_459 = tpu.vector_load %arg4[%get3A_457, %get3A_458] {strides = array<i32>} : memref<8x256xf32, #tpu.memory_space<vmem>>, vector<16xf32>,
        %add3A_460 = arith.constant 384 : i32
        %add3A_461 = vector.broadcast %add3A_460 : i32 to vector<16xi32>
        %add3A_462 = arith.addi %mul3A_5, %add3A_461 : vector<16xi32>
        tpu.vector_store_idx %arg8[%mul3A_439, %add3A_462], %get3A_459 : memref<8x2048xf32, #tpu.memory_space<vmem>>[vector<16xi32>, vector<16xi32>], vector<16xf32>,
        %get3A_463 = arith.index_cast %scan3A_436 : i32 to index
        %get3A_464 = arith.constant 64 : index
        %get3A_465 = tpu.vector_load %arg4[%get3A_463, %get3A_464] {strides = array<i32>} : memref<8x256xf32, #tpu.memory_space<vmem>>, vector<16xf32>,
        %add3A_466 = arith.constant 512 : i32
        %add3A_467 = vector.broadcast %add3A_466 : i32 to vector<16xi32>
        %add3A_468 = arith.addi %mul3A_5, %add3A_467 : vector<16xi32>
        tpu.vector_store_idx %arg8[%mul3A_439, %add3A_468], %get3A_465 : memref<8x2048xf32, #tpu.memory_space<vmem>>[vector<16xi32>, vector<16xi32>], vector<16xf32>,
        %get3A_469 = arith.index_cast %scan3A_436 : i32 to index
        %get3A_470 = arith.constant 80 : index
        %get3A_471 = tpu.vector_load %arg4[%get3A_469, %get3A_470] {strides = array<i32>} : memref<8x256xf32, #tpu.memory_space<vmem>>, vector<16xf32>,
        %add3A_472 = arith.constant 640 : i32
        %add3A_473 = vector.broadcast %add3A_472 : i32 to vector<16xi32>
        %add3A_474 = arith.addi %mul3A_5, %add3A_473 : vector<16xi32>
        tpu.vector_store_idx %arg8[%mul3A_439, %add3A_474], %get3A_471 : memref<8x2048xf32, #tpu.memory_space<vmem>>[vector<16xi32>, vector<16xi32>], vector<16xf32>,
        %get3A_475 = arith.index_cast %scan3A_436 : i32 to index
        %get3A_476 = arith.constant 96 : index
        %get3A_477 = tpu.vector_load %arg4[%get3A_475, %get3A_476] {strides = array<i32>} : memref<8x256xf32, #tpu.memory_space<vmem>>, vector<16xf32>,
        %add3A_478 = arith.constant 768 : i32
        %add3A_479 = vector.broadcast %add3A_478 : i32 to vector<16xi32>
        %add3A_480 = arith.addi %mul3A_5, %add3A_479 : vector<16xi32>
        tpu.vector_store_idx %arg8[%mul3A_439, %add3A_480], %get3A_477 : memref<8x2048xf32, #tpu.memory_space<vmem>>[vector<16xi32>, vector<16xi32>], vector<16xf32>,
        %get3A_481 = arith.index_cast %scan3A_436 : i32 to index
        %get3A_482 = arith.constant 112 : index
        %get3A_483 = tpu.vector_load %arg4[%get3A_481, %get3A_482] {strides = array<i32>} : memref<8x256xf32, #tpu.memory_space<vmem>>, vector<16xf32>,
        %add3A_484 = arith.constant 896 : i32
        %add3A_485 = vector.broadcast %add3A_484 : i32 to vector<16xi32>
        %add3A_486 = arith.addi %mul3A_5, %add3A_485 : vector<16xi32>
        tpu.vector_store_idx %arg8[%mul3A_439, %add3A_486], %get3A_483 : memref<8x2048xf32, #tpu.memory_space<vmem>>[vector<16xi32>, vector<16xi32>], vector<16xf32>,
        %get3A_487 = arith.index_cast %scan3A_436 : i32 to index
        %get3A_488 = arith.constant 128 : index
        %get3A_489 = tpu.vector_load %arg4[%get3A_487, %get3A_488] {strides = array<i32>} : memref<8x256xf32, #tpu.memory_space<vmem>>, vector<16xf32>,
        %add3A_490 = arith.constant 1024 : i32
        %add3A_491 = vector.broadcast %add3A_490 : i32 to vector<16xi32>
        %add3A_492 = arith.addi %mul3A_5, %add3A_491 : vector<16xi32>
        tpu.vector_store_idx %arg8[%mul3A_439, %add3A_492], %get3A_489 : memref<8x2048xf32, #tpu.memory_space<vmem>>[vector<16xi32>, vector<16xi32>], vector<16xf32>,
        %get3A_493 = arith.index_cast %scan3A_436 : i32 to index
        %get3A_494 = arith.constant 144 : index
        %get3A_495 = tpu.vector_load %arg4[%get3A_493, %get3A_494] {strides = array<i32>} : memref<8x256xf32, #tpu.memory_space<vmem>>, vector<16xf32>,
        %add3A_496 = arith.constant 1152 : i32
        %add3A_497 = vector.broadcast %add3A_496 : i32 to vector<16xi32>
        %add3A_498 = arith.addi %mul3A_5, %add3A_497 : vector<16xi32>
        tpu.vector_store_idx %arg8[%mul3A_439, %add3A_498], %get3A_495 : memref<8x2048xf32, #tpu.memory_space<vmem>>[vector<16xi32>, vector<16xi32>], vector<16xf32>,
        %get3A_499 = arith.index_cast %scan3A_436 : i32 to index
        %get3A_500 = arith.constant 160 : index
        %get3A_501 = tpu.vector_load %arg4[%get3A_499, %get3A_500] {strides = array<i32>} : memref<8x256xf32, #tpu.memory_space<vmem>>, vector<16xf32>,
        %add3A_502 = arith.constant 1280 : i32
        %add3A_503 = vector.broadcast %add3A_502 : i32 to vector<16xi32>
        %add3A_504 = arith.addi %mul3A_5, %add3A_503 : vector<16xi32>
        tpu.vector_store_idx %arg8[%mul3A_439, %add3A_504], %get3A_501 : memref<8x2048xf32, #tpu.memory_space<vmem>>[vector<16xi32>, vector<16xi32>], vector<16xf32>,
        %get3A_505 = arith.index_cast %scan3A_436 : i32 to index
        %get3A_506 = arith.constant 176 : index
        %get3A_507 = tpu.vector_load %arg4[%get3A_505, %get3A_506] {strides = array<i32>} : memref<8x256xf32, #tpu.memory_space<vmem>>, vector<16xf32>,
        %add3A_508 = arith.constant 1408 : i32
        %add3A_509 = vector.broadcast %add3A_508 : i32 to vector<16xi32>
        %add3A_510 = arith.addi %mul3A_5, %add3A_509 : vector<16xi32>
        tpu.vector_store_idx %arg8[%mul3A_439, %add3A_510], %get3A_507 : memref<8x2048xf32, #tpu.memory_space<vmem>>[vector<16xi32>, vector<16xi32>], vector<16xf32>,
        %get3A_511 = arith.index_cast %scan3A_436 : i32 to index
        %get3A_512 = arith.constant 192 : index
        %get3A_513 = tpu.vector_load %arg4[%get3A_511, %get3A_512] {strides = array<i32>} : memref<8x256xf32, #tpu.memory_space<vmem>>, vector<16xf32>,
        %add3A_514 = arith.constant 1536 : i32
        %add3A_515 = vector.broadcast %add3A_514 : i32 to vector<16xi32>
        %add3A_516 = arith.addi %mul3A_5, %add3A_515 : vector<16xi32>
        tpu.vector_store_idx %arg8[%mul3A_439, %add3A_516], %get3A_513 : memref<8x2048xf32, #tpu.memory_space<vmem>>[vector<16xi32>, vector<16xi32>], vector<16xf32>,
        %get3A_517 = arith.index_cast %scan3A_436 : i32 to index
        %get3A_518 = arith.constant 208 : index
        %get3A_519 = tpu.vector_load %arg4[%get3A_517, %get3A_518] {strides = array<i32>} : memref<8x256xf32, #tpu.memory_space<vmem>>, vector<16xf32>,
        %add3A_520 = arith.constant 1664 : i32
        %add3A_521 = vector.broadcast %add3A_520 : i32 to vector<16xi32>
        %add3A_522 = arith.addi %mul3A_5, %add3A_521 : vector<16xi32>
        tpu.vector_store_idx %arg8[%mul3A_439, %add3A_522], %get3A_519 : memref<8x2048xf32, #tpu.memory_space<vmem>>[vector<16xi32>, vector<16xi32>], vector<16xf32>,
        %get3A_523 = arith.index_cast %scan3A_436 : i32 to index
        %get3A_524 = arith.constant 224 : index
        %get3A_525 = tpu.vector_load %arg4[%get3A_523, %get3A_524] {strides = array<i32>} : memref<8x256xf32, #tpu.memory_space<vmem>>, vector<16xf32>,
        %add3A_526 = arith.constant 1792 : i32
        %add3A_527 = vector.broadcast %add3A_526 : i32 to vector<16xi32>
        %add3A_528 = arith.addi %mul3A_5, %add3A_527 : vector<16xi32>
        tpu.vector_store_idx %arg8[%mul3A_439, %add3A_528], %get3A_525 : memref<8x2048xf32, #tpu.memory_space<vmem>>[vector<16xi32>, vector<16xi32>], vector<16xf32>,
        %get3A_529 = arith.index_cast %scan3A_436 : i32 to index
        %get3A_530 = arith.constant 240 : index
        %get3A_531 = tpu.vector_load %arg4[%get3A_529, %get3A_530] {strides = array<i32>} : memref<8x256xf32, #tpu.memory_space<vmem>>, vector<16xf32>,
        %add3A_532 = arith.constant 1920 : i32
        %add3A_533 = vector.broadcast %add3A_532 : i32 to vector<16xi32>
        %add3A_534 = arith.addi %mul3A_5, %add3A_533 : vector<16xi32>
        tpu.vector_store_idx %arg8[%mul3A_439, %add3A_534], %get3A_531 : memref<8x2048xf32, #tpu.memory_space<vmem>>[vector<16xi32>, vector<16xi32>], vector<16xf32>,
        %scan3A_535 = arith.constant 0 : i32
        scf.yield %scan3A_535 : i32
      }
      %scan3A_295 = arith.constant 8 : i32
      %mul3A_296 = arith.constant 8 : i32
      %mul3A_297 = arith.muli %add3A_273, %mul3A_296 : i32
      %add3A_298 = arith.addi %mul3A_2, %mul3A_297 : i32
      %dma_start3A_299 = arith.constant 0 : i32
      %dma_start3A_300 = tpu.memref_slice %arg3[%add3A_298, %dma_start3A_299] : memref<16384x2048xf32, #tpu.memory_space<hbm>> -> memref<8x2048xf32, #tpu.memory_space<hbm>>
      %dma_start3A_301 = arith.constant 0 : i32
      %dma_start3A_302 = tpu.memref_slice %arg3[%add3A_298, %dma_start3A_301] : memref<16384x2048xf32, #tpu.memory_space<hbm>> -> memref<8x2048xf32, #tpu.memory_space<hbm>>
      tpu.enqueue_dma source(%arg8 : memref<8x2048xf32, #tpu.memory_space<vmem>>) target(%dma_start3A_302 : memref<8x2048xf32, #tpu.memory_space<hbm>>) target_semaphore(%arg16 : memref<!tpu.dma_semaphore, #tpu.memory_space<semaphore_mem>>)
      %add3A_303 = arith.constant 4 : i32
      %add3A_304 = arith.addi %add3A_273, %add3A_303 : i32
      %mul3A_305 = arith.constant 8 : i32
      %mul3A_306 = arith.muli %add3A_304, %mul3A_305 : i32
      %add3A_307 = arith.addi %mul3A_2, %mul3A_306 : i32
      %dma_start3A_308 = arith.constant 0 : i32
      %dma_start3A_309 = tpu.memref_slice %arg2[%add3A_307, %dma_start3A_308] : memref<16384x256xf32, #tpu.memory_space<hbm>> -> memref<8x256xf32, #tpu.memory_space<hbm>>
      %dma_start3A_310 = arith.constant 0 : i32
      %dma_start3A_311 = tpu.memref_slice %arg2[%add3A_307, %dma_start3A_310] : memref<16384x256xf32, #tpu.memory_space<hbm>> -> memref<8x256xf32, #tpu.memory_space<hbm>>
      tpu.enqueue_dma source(%dma_start3A_311 : memref<8x256xf32, #tpu.memory_space<hbm>>) target(%arg4 : memref<8x256xf32, #tpu.memory_space<vmem>>) target_semaphore(%arg12 : memref<!tpu.dma_semaphore, #tpu.memory_space<semaphore_mem>>)
      %add3A_312 = arith.constant 1 : i32
      %add3A_313 = arith.addi %mul3A_271, %add3A_312 : i32
      %mul3A_314 = arith.constant 8 : i32
      %mul3A_315 = arith.muli %add3A_313, %mul3A_314 : i32
      %add3A_316 = arith.addi %mul3A_2, %mul3A_315 : i32
      %dma_wait3A_317 = arith.constant 0 : i32
      %dma_wait3A_318 = tpu.memref_slice %arg2[%add3A_316, %dma_wait3A_317] : memref<16384x256xf32, #tpu.memory_space<hbm>> -> memref<8x256xf32, #tpu.memory_space<hbm>>
      %dma_wait3A_319 = arith.constant 0 : i32
      %dma_wait3A_320 = tpu.memref_slice %arg2[%add3A_316, %dma_wait3A_319] : memref<16384x256xf32, #tpu.memory_space<hbm>> -> memref<8x256xf32, #tpu.memory_space<hbm>>
      tpu.wait_dma2 semaphore(%arg13 : memref<!tpu.dma_semaphore, #tpu.memory_space<semaphore_mem>>) src(%dma_wait3A_320 : memref<8x256xf32, #tpu.memory_space<hbm>>) dst(%arg5 : memref<8x256xf32, #tpu.memory_space<vmem>>)
      %sub3A_321 = arith.constant 4 : i32
      %sub3A_322 = arith.subi %add3A_313, %sub3A_321 : i32
      %mul3A_323 = arith.constant 8 : i32
      %mul3A_324 = arith.muli %sub3A_322, %mul3A_323 : i32
      %add3A_325 = arith.addi %mul3A_2, %mul3A_324 : i32
      %dma_wait3A_326 = arith.constant 0 : i32
      %dma_wait3A_327 = tpu.memref_slice %arg3[%add3A_325, %dma_wait3A_326] : memref<16384x2048xf32, #tpu.memory_space<hbm>> -> memref<8x2048xf32, #tpu.memory_space<hbm>>
      %dma_wait3A_328 = arith.constant 0 : i32
      %dma_wait3A_329 = tpu.memref_slice %arg3[%add3A_325, %dma_wait3A_328] : memref<16384x2048xf32, #tpu.memory_space<hbm>> -> memref<8x2048xf32, #tpu.memory_space<hbm>>
      tpu.wait_dma2 semaphore(%arg17 : memref<!tpu.dma_semaphore, #tpu.memory_space<semaphore_mem>>) src(%arg9 : memref<8x2048xf32, #tpu.memory_space<vmem>>) dst(%dma_wait3A_329 : memref<8x2048xf32, #tpu.memory_space<hbm>>)
      %scan3A_330 = arith.constant 0 : i32
      %scan3A_331 = arith.constant 0 : i32
      %scan3A_332 = arith.constant 8 : i32
      %scan3A_333 = arith.addi %scan3A_331, %scan3A_332 : i32
      %scan3A_334 = arith.constant 1 : i32
      %scan3A_335 = scf.for %scan3A_436 = %scan3A_331 to %scan3A_333 step %scan3A_334 iter_args(%scan3A_437 = %scan3A_330) -> (i32)  : i32 {
        %mul3A_438 = vector.broadcast %scan3A_436 : i32 to vector<16xi32>
        %mul3A_439 = arith.muli %broadcast_in_dim3A_6, %mul3A_438 : vector<16xi32>
        %get3A = arith.index_cast %scan3A_436 : i32 to index
        %get3A_440 = arith.constant 0 : index
        %get3A_441 = tpu.vector_load %arg5[%get3A, %get3A_440] {strides = array<i32>} : memref<8x256xf32, #tpu.memory_space<vmem>>, vector<16xf32>,
        %add3A_442 = arith.constant 0 : i32
        %add3A_443 = vector.broadcast %add3A_442 : i32 to vector<16xi32>
        %add3A_444 = arith.addi %mul3A_5, %add3A_443 : vector<16xi32>
        tpu.vector_store_idx %arg9[%mul3A_439, %add3A_444], %get3A_441 : memref<8x2048xf32, #tpu.memory_space<vmem>>[vector<16xi32>, vector<16xi32>], vector<16xf32>,
        %get3A_445 = arith.index_cast %scan3A_436 : i32 to index
        %get3A_446 = arith.constant 16 : index
        %get3A_447 = tpu.vector_load %arg5[%get3A_445, %get3A_446] {strides = array<i32>} : memref<8x256xf32, #tpu.memory_space<vmem>>, vector<16xf32>,
        %add3A_448 = arith.constant 128 : i32
        %add3A_449 = vector.broadcast %add3A_448 : i32 to vector<16xi32>
        %add3A_450 = arith.addi %mul3A_5, %add3A_449 : vector<16xi32>
        tpu.vector_store_idx %arg9[%mul3A_439, %add3A_450], %get3A_447 : memref<8x2048xf32, #tpu.memory_space<vmem>>[vector<16xi32>, vector<16xi32>], vector<16xf32>,
        %get3A_451 = arith.index_cast %scan3A_436 : i32 to index
        %get3A_452 = arith.constant 32 : index
        %get3A_453 = tpu.vector_load %arg5[%get3A_451, %get3A_452] {strides = array<i32>} : memref<8x256xf32, #tpu.memory_space<vmem>>, vector<16xf32>,
        %add3A_454 = arith.constant 256 : i32
        %add3A_455 = vector.broadcast %add3A_454 : i32 to vector<16xi32>
        %add3A_456 = arith.addi %mul3A_5, %add3A_455 : vector<16xi32>
        tpu.vector_store_idx %arg9[%mul3A_439, %add3A_456], %get3A_453 : memref<8x2048xf32, #tpu.memory_space<vmem>>[vector<16xi32>, vector<16xi32>], vector<16xf32>,
        %get3A_457 = arith.index_cast %scan3A_436 : i32 to index
        %get3A_458 = arith.constant 48 : index
        %get3A_459 = tpu.vector_load %arg5[%get3A_457, %get3A_458] {strides = array<i32>} : memref<8x256xf32, #tpu.memory_space<vmem>>, vector<16xf32>,
        %add3A_460 = arith.constant 384 : i32
        %add3A_461 = vector.broadcast %add3A_460 : i32 to vector<16xi32>
        %add3A_462 = arith.addi %mul3A_5, %add3A_461 : vector<16xi32>
        tpu.vector_store_idx %arg9[%mul3A_439, %add3A_462], %get3A_459 : memref<8x2048xf32, #tpu.memory_space<vmem>>[vector<16xi32>, vector<16xi32>], vector<16xf32>,
        %get3A_463 = arith.index_cast %scan3A_436 : i32 to index
        %get3A_464 = arith.constant 64 : index
        %get3A_465 = tpu.vector_load %arg5[%get3A_463, %get3A_464] {strides = array<i32>} : memref<8x256xf32, #tpu.memory_space<vmem>>, vector<16xf32>,
        %add3A_466 = arith.constant 512 : i32
        %add3A_467 = vector.broadcast %add3A_466 : i32 to vector<16xi32>
        %add3A_468 = arith.addi %mul3A_5, %add3A_467 : vector<16xi32>
        tpu.vector_store_idx %arg9[%mul3A_439, %add3A_468], %get3A_465 : memref<8x2048xf32, #tpu.memory_space<vmem>>[vector<16xi32>, vector<16xi32>], vector<16xf32>,
        %get3A_469 = arith.index_cast %scan3A_436 : i32 to index
        %get3A_470 = arith.constant 80 : index
        %get3A_471 = tpu.vector_load %arg5[%get3A_469, %get3A_470] {strides = array<i32>} : memref<8x256xf32, #tpu.memory_space<vmem>>, vector<16xf32>,
        %add3A_472 = arith.constant 640 : i32
        %add3A_473 = vector.broadcast %add3A_472 : i32 to vector<16xi32>
        %add3A_474 = arith.addi %mul3A_5, %add3A_473 : vector<16xi32>
        tpu.vector_store_idx %arg9[%mul3A_439, %add3A_474], %get3A_471 : memref<8x2048xf32, #tpu.memory_space<vmem>>[vector<16xi32>, vector<16xi32>], vector<16xf32>,
        %get3A_475 = arith.index_cast %scan3A_436 : i32 to index
        %get3A_476 = arith.constant 96 : index
        %get3A_477 = tpu.vector_load %arg5[%get3A_475, %get3A_476] {strides = array<i32>} : memref<8x256xf32, #tpu.memory_space<vmem>>, vector<16xf32>,
        %add3A_478 = arith.constant 768 : i32
        %add3A_479 = vector.broadcast %add3A_478 : i32 to vector<16xi32>
        %add3A_480 = arith.addi %mul3A_5, %add3A_479 : vector<16xi32>
        tpu.vector_store_idx %arg9[%mul3A_439, %add3A_480], %get3A_477 : memref<8x2048xf32, #tpu.memory_space<vmem>>[vector<16xi32>, vector<16xi32>], vector<16xf32>,
        %get3A_481 = arith.index_cast %scan3A_436 : i32 to index
        %get3A_482 = arith.constant 112 : index
        %get3A_483 = tpu.vector_load %arg5[%get3A_481, %get3A_482] {strides = array<i32>} : memref<8x256xf32, #tpu.memory_space<vmem>>, vector<16xf32>,
        %add3A_484 = arith.constant 896 : i32
        %add3A_485 = vector.broadcast %add3A_484 : i32 to vector<16xi32>
        %add3A_486 = arith.addi %mul3A_5, %add3A_485 : vector<16xi32>
        tpu.vector_store_idx %arg9[%mul3A_439, %add3A_486], %get3A_483 : memref<8x2048xf32, #tpu.memory_space<vmem>>[vector<16xi32>, vector<16xi32>], vector<16xf32>,
        %get3A_487 = arith.index_cast %scan3A_436 : i32 to index
        %get3A_488 = arith.constant 128 : index
        %get3A_489 = tpu.vector_load %arg5[%get3A_487, %get3A_488] {strides = array<i32>} : memref<8x256xf32, #tpu.memory_space<vmem>>, vector<16xf32>,
        %add3A_490 = arith.constant 1024 : i32
        %add3A_491 = vector.broadcast %add3A_490 : i32 to vector<16xi32>
        %add3A_492 = arith.addi %mul3A_5, %add3A_491 : vector<16xi32>
        tpu.vector_store_idx %arg9[%mul3A_439, %add3A_492], %get3A_489 : memref<8x2048xf32, #tpu.memory_space<vmem>>[vector<16xi32>, vector<16xi32>], vector<16xf32>,
        %get3A_493 = arith.index_cast %scan3A_436 : i32 to index
        %get3A_494 = arith.constant 144 : index
        %get3A_495 = tpu.vector_load %arg5[%get3A_493, %get3A_494] {strides = array<i32>} : memref<8x256xf32, #tpu.memory_space<vmem>>, vector<16xf32>,
        %add3A_496 = arith.constant 1152 : i32
        %add3A_497 = vector.broadcast %add3A_496 : i32 to vector<16xi32>
        %add3A_498 = arith.addi %mul3A_5, %add3A_497 : vector<16xi32>
        tpu.vector_store_idx %arg9[%mul3A_439, %add3A_498], %get3A_495 : memref<8x2048xf32, #tpu.memory_space<vmem>>[vector<16xi32>, vector<16xi32>], vector<16xf32>,
        %get3A_499 = arith.index_cast %scan3A_436 : i32 to index
        %get3A_500 = arith.constant 160 : index
        %get3A_501 = tpu.vector_load %arg5[%get3A_499, %get3A_500] {strides = array<i32>} : memref<8x256xf32, #tpu.memory_space<vmem>>, vector<16xf32>,
        %add3A_502 = arith.constant 1280 : i32
        %add3A_503 = vector.broadcast %add3A_502 : i32 to vector<16xi32>
        %add3A_504 = arith.addi %mul3A_5, %add3A_503 : vector<16xi32>
        tpu.vector_store_idx %arg9[%mul3A_439, %add3A_504], %get3A_501 : memref<8x2048xf32, #tpu.memory_space<vmem>>[vector<16xi32>, vector<16xi32>], vector<16xf32>,
        %get3A_505 = arith.index_cast %scan3A_436 : i32 to index
        %get3A_506 = arith.constant 176 : index
        %get3A_507 = tpu.vector_load %arg5[%get3A_505, %get3A_506] {strides = array<i32>} : memref<8x256xf32, #tpu.memory_space<vmem>>, vector<16xf32>,
        %add3A_508 = arith.constant 1408 : i32
        %add3A_509 = vector.broadcast %add3A_508 : i32 to vector<16xi32>
        %add3A_510 = arith.addi %mul3A_5, %add3A_509 : vector<16xi32>
        tpu.vector_store_idx %arg9[%mul3A_439, %add3A_510], %get3A_507 : memref<8x2048xf32, #tpu.memory_space<vmem>>[vector<16xi32>, vector<16xi32>], vector<16xf32>,
        %get3A_511 = arith.index_cast %scan3A_436 : i32 to index
        %get3A_512 = arith.constant 192 : index
        %get3A_513 = tpu.vector_load %arg5[%get3A_511, %get3A_512] {strides = array<i32>} : memref<8x256xf32, #tpu.memory_space<vmem>>, vector<16xf32>,
        %add3A_514 = arith.constant 1536 : i32
        %add3A_515 = vector.broadcast %add3A_514 : i32 to vector<16xi32>
        %add3A_516 = arith.addi %mul3A_5, %add3A_515 : vector<16xi32>
        tpu.vector_store_idx %arg9[%mul3A_439, %add3A_516], %get3A_513 : memref<8x2048xf32, #tpu.memory_space<vmem>>[vector<16xi32>, vector<16xi32>], vector<16xf32>,
        %get3A_517 = arith.index_cast %scan3A_436 : i32 to index
        %get3A_518 = arith.constant 208 : index
        %get3A_519 = tpu.vector_load %arg5[%get3A_517, %get3A_518] {strides = array<i32>} : memref<8x256xf32, #tpu.memory_space<vmem>>, vector<16xf32>,
        %add3A_520 = arith.constant 1664 : i32
        %add3A_521 = vector.broadcast %add3A_520 : i32 to vector<16xi32>
        %add3A_522 = arith.addi %mul3A_5, %add3A_521 : vector<16xi32>
        tpu.vector_store_idx %arg9[%mul3A_439, %add3A_522], %get3A_519 : memref<8x2048xf32, #tpu.memory_space<vmem>>[vector<16xi32>, vector<16xi32>], vector<16xf32>,
        %get3A_523 = arith.index_cast %scan3A_436 : i32 to index
        %get3A_524 = arith.constant 224 : index
        %get3A_525 = tpu.vector_load %arg5[%get3A_523, %get3A_524] {strides = array<i32>} : memref<8x256xf32, #tpu.memory_space<vmem>>, vector<16xf32>,
        %add3A_526 = arith.constant 1792 : i32
        %add3A_527 = vector.broadcast %add3A_526 : i32 to vector<16xi32>
        %add3A_528 = arith.addi %mul3A_5, %add3A_527 : vector<16xi32>
        tpu.vector_store_idx %arg9[%mul3A_439, %add3A_528], %get3A_525 : memref<8x2048xf32, #tpu.memory_space<vmem>>[vector<16xi32>, vector<16xi32>], vector<16xf32>,
        %get3A_529 = arith.index_cast %scan3A_436 : i32 to index
        %get3A_530 = arith.constant 240 : index
        %get3A_531 = tpu.vector_load %arg5[%get3A_529, %get3A_530] {strides = array<i32>} : memref<8x256xf32, #tpu.memory_space<vmem>>, vector<16xf32>,
        %add3A_532 = arith.constant 1920 : i32
        %add3A_533 = vector.broadcast %add3A_532 : i32 to vector<16xi32>
        %add3A_534 = arith.addi %mul3A_5, %add3A_533 : vector<16xi32>
        tpu.vector_store_idx %arg9[%mul3A_439, %add3A_534], %get3A_531 : memref<8x2048xf32, #tpu.memory_space<vmem>>[vector<16xi32>, vector<16xi32>], vector<16xf32>,
        %scan3A_535 = arith.constant 0 : i32
        scf.yield %scan3A_535 : i32
      }
      %scan3A_336 = arith.constant 8 : i32
      %mul3A_337 = arith.constant 8 : i32
      %mul3A_338 = arith.muli %add3A_313, %mul3A_337 : i32
      %add3A_339 = arith.addi %mul3A_2, %mul3A_338 : i32
      %dma_start3A_340 = arith.constant 0 : i32
      %dma_start3A_341 = tpu.memref_slice %arg3[%add3A_339, %dma_start3A_340] : memref<16384x2048xf32, #tpu.memory_space<hbm>> -> memref<8x2048xf32, #tpu.memory_space<hbm>>
      %dma_start3A_342 = arith.constant 0 : i32
      %dma_start3A_343 = tpu.memref_slice %arg3[%add3A_339, %dma_start3A_342] : memref<16384x2048xf32, #tpu.memory_space<hbm>> -> memref<8x2048xf32, #tpu.memory_space<hbm>>
      tpu.enqueue_dma source(%arg9 : memref<8x2048xf32, #tpu.memory_space<vmem>>) target(%dma_start3A_343 : memref<8x2048xf32, #tpu.memory_space<hbm>>) target_semaphore(%arg17 : memref<!tpu.dma_semaphore, #tpu.memory_space<semaphore_mem>>)
      %add3A_344 = arith.constant 4 : i32
      %add3A_345 = arith.addi %add3A_313, %add3A_344 : i32
      %mul3A_346 = arith.constant 8 : i32
      %mul3A_347 = arith.muli %add3A_345, %mul3A_346 : i32
      %add3A_348 = arith.addi %mul3A_2, %mul3A_347 : i32
      %dma_start3A_349 = arith.constant 0 : i32
      %dma_start3A_350 = tpu.memref_slice %arg2[%add3A_348, %dma_start3A_349] : memref<16384x256xf32, #tpu.memory_space<hbm>> -> memref<8x256xf32, #tpu.memory_space<hbm>>
      %dma_start3A_351 = arith.constant 0 : i32
      %dma_start3A_352 = tpu.memref_slice %arg2[%add3A_348, %dma_start3A_351] : memref<16384x256xf32, #tpu.memory_space<hbm>> -> memref<8x256xf32, #tpu.memory_space<hbm>>
      tpu.enqueue_dma source(%dma_start3A_352 : memref<8x256xf32, #tpu.memory_space<hbm>>) target(%arg5 : memref<8x256xf32, #tpu.memory_space<vmem>>) target_semaphore(%arg13 : memref<!tpu.dma_semaphore, #tpu.memory_space<semaphore_mem>>)
      %add3A_353 = arith.constant 2 : i32
      %add3A_354 = arith.addi %mul3A_271, %add3A_353 : i32
      %mul3A_355 = arith.constant 8 : i32
      %mul3A_356 = arith.muli %add3A_354, %mul3A_355 : i32
      %add3A_357 = arith.addi %mul3A_2, %mul3A_356 : i32
      %dma_wait3A_358 = arith.constant 0 : i32
      %dma_wait3A_359 = tpu.memref_slice %arg2[%add3A_357, %dma_wait3A_358] : memref<16384x256xf32, #tpu.memory_space<hbm>> -> memref<8x256xf32, #tpu.memory_space<hbm>>
      %dma_wait3A_360 = arith.constant 0 : i32
      %dma_wait3A_361 = tpu.memref_slice %arg2[%add3A_357, %dma_wait3A_360] : memref<16384x256xf32, #tpu.memory_space<hbm>> -> memref<8x256xf32, #tpu.memory_space<hbm>>
      tpu.wait_dma2 semaphore(%arg14 : memref<!tpu.dma_semaphore, #tpu.memory_space<semaphore_mem>>) src(%dma_wait3A_361 : memref<8x256xf32, #tpu.memory_space<hbm>>) dst(%arg6 : memref<8x256xf32, #tpu.memory_space<vmem>>)
      %sub3A_362 = arith.constant 4 : i32
      %sub3A_363 = arith.subi %add3A_354, %sub3A_362 : i32
      %mul3A_364 = arith.constant 8 : i32
      %mul3A_365 = arith.muli %sub3A_363, %mul3A_364 : i32
      %add3A_366 = arith.addi %mul3A_2, %mul3A_365 : i32
      %dma_wait3A_367 = arith.constant 0 : i32
      %dma_wait3A_368 = tpu.memref_slice %arg3[%add3A_366, %dma_wait3A_367] : memref<16384x2048xf32, #tpu.memory_space<hbm>> -> memref<8x2048xf32, #tpu.memory_space<hbm>>
      %dma_wait3A_369 = arith.constant 0 : i32
      %dma_wait3A_370 = tpu.memref_slice %arg3[%add3A_366, %dma_wait3A_369] : memref<16384x2048xf32, #tpu.memory_space<hbm>> -> memref<8x2048xf32, #tpu.memory_space<hbm>>
      tpu.wait_dma2 semaphore(%arg18 : memref<!tpu.dma_semaphore, #tpu.memory_space<semaphore_mem>>) src(%arg10 : memref<8x2048xf32, #tpu.memory_space<vmem>>) dst(%dma_wait3A_370 : memref<8x2048xf32, #tpu.memory_space<hbm>>)
      %scan3A_371 = arith.constant 0 : i32
      %scan3A_372 = arith.constant 0 : i32
      %scan3A_373 = arith.constant 8 : i32
      %scan3A_374 = arith.addi %scan3A_372, %scan3A_373 : i32
      %scan3A_375 = arith.constant 1 : i32
      %scan3A_376 = scf.for %scan3A_436 = %scan3A_372 to %scan3A_374 step %scan3A_375 iter_args(%scan3A_437 = %scan3A_371) -> (i32)  : i32 {
        %mul3A_438 = vector.broadcast %scan3A_436 : i32 to vector<16xi32>
        %mul3A_439 = arith.muli %broadcast_in_dim3A_6, %mul3A_438 : vector<16xi32>
        %get3A = arith.index_cast %scan3A_436 : i32 to index
        %get3A_440 = arith.constant 0 : index
        %get3A_441 = tpu.vector_load %arg6[%get3A, %get3A_440] {strides = array<i32>} : memref<8x256xf32, #tpu.memory_space<vmem>>, vector<16xf32>,
        %add3A_442 = arith.constant 0 : i32
        %add3A_443 = vector.broadcast %add3A_442 : i32 to vector<16xi32>
        %add3A_444 = arith.addi %mul3A_5, %add3A_443 : vector<16xi32>
        tpu.vector_store_idx %arg10[%mul3A_439, %add3A_444], %get3A_441 : memref<8x2048xf32, #tpu.memory_space<vmem>>[vector<16xi32>, vector<16xi32>], vector<16xf32>,
        %get3A_445 = arith.index_cast %scan3A_436 : i32 to index
        %get3A_446 = arith.constant 16 : index
        %get3A_447 = tpu.vector_load %arg6[%get3A_445, %get3A_446] {strides = array<i32>} : memref<8x256xf32, #tpu.memory_space<vmem>>, vector<16xf32>,
        %add3A_448 = arith.constant 128 : i32
        %add3A_449 = vector.broadcast %add3A_448 : i32 to vector<16xi32>
        %add3A_450 = arith.addi %mul3A_5, %add3A_449 : vector<16xi32>
        tpu.vector_store_idx %arg10[%mul3A_439, %add3A_450], %get3A_447 : memref<8x2048xf32, #tpu.memory_space<vmem>>[vector<16xi32>, vector<16xi32>], vector<16xf32>,
        %get3A_451 = arith.index_cast %scan3A_436 : i32 to index
        %get3A_452 = arith.constant 32 : index
        %get3A_453 = tpu.vector_load %arg6[%get3A_451, %get3A_452] {strides = array<i32>} : memref<8x256xf32, #tpu.memory_space<vmem>>, vector<16xf32>,
        %add3A_454 = arith.constant 256 : i32
        %add3A_455 = vector.broadcast %add3A_454 : i32 to vector<16xi32>
        %add3A_456 = arith.addi %mul3A_5, %add3A_455 : vector<16xi32>
        tpu.vector_store_idx %arg10[%mul3A_439, %add3A_456], %get3A_453 : memref<8x2048xf32, #tpu.memory_space<vmem>>[vector<16xi32>, vector<16xi32>], vector<16xf32>,
        %get3A_457 = arith.index_cast %scan3A_436 : i32 to index
        %get3A_458 = arith.constant 48 : index
        %get3A_459 = tpu.vector_load %arg6[%get3A_457, %get3A_458] {strides = array<i32>} : memref<8x256xf32, #tpu.memory_space<vmem>>, vector<16xf32>,
        %add3A_460 = arith.constant 384 : i32
        %add3A_461 = vector.broadcast %add3A_460 : i32 to vector<16xi32>
        %add3A_462 = arith.addi %mul3A_5, %add3A_461 : vector<16xi32>
        tpu.vector_store_idx %arg10[%mul3A_439, %add3A_462], %get3A_459 : memref<8x2048xf32, #tpu.memory_space<vmem>>[vector<16xi32>, vector<16xi32>], vector<16xf32>,
        %get3A_463 = arith.index_cast %scan3A_436 : i32 to index
        %get3A_464 = arith.constant 64 : index
        %get3A_465 = tpu.vector_load %arg6[%get3A_463, %get3A_464] {strides = array<i32>} : memref<8x256xf32, #tpu.memory_space<vmem>>, vector<16xf32>,
        %add3A_466 = arith.constant 512 : i32
        %add3A_467 = vector.broadcast %add3A_466 : i32 to vector<16xi32>
        %add3A_468 = arith.addi %mul3A_5, %add3A_467 : vector<16xi32>
        tpu.vector_store_idx %arg10[%mul3A_439, %add3A_468], %get3A_465 : memref<8x2048xf32, #tpu.memory_space<vmem>>[vector<16xi32>, vector<16xi32>], vector<16xf32>,
        %get3A_469 = arith.index_cast %scan3A_436 : i32 to index
        %get3A_470 = arith.constant 80 : index
        %get3A_471 = tpu.vector_load %arg6[%get3A_469, %get3A_470] {strides = array<i32>} : memref<8x256xf32, #tpu.memory_space<vmem>>, vector<16xf32>,
        %add3A_472 = arith.constant 640 : i32
        %add3A_473 = vector.broadcast %add3A_472 : i32 to vector<16xi32>
        %add3A_474 = arith.addi %mul3A_5, %add3A_473 : vector<16xi32>
        tpu.vector_store_idx %arg10[%mul3A_439, %add3A_474], %get3A_471 : memref<8x2048xf32, #tpu.memory_space<vmem>>[vector<16xi32>, vector<16xi32>], vector<16xf32>,
        %get3A_475 = arith.index_cast %scan3A_436 : i32 to index
        %get3A_476 = arith.constant 96 : index
        %get3A_477 = tpu.vector_load %arg6[%get3A_475, %get3A_476] {strides = array<i32>} : memref<8x256xf32, #tpu.memory_space<vmem>>, vector<16xf32>,
        %add3A_478 = arith.constant 768 : i32
        %add3A_479 = vector.broadcast %add3A_478 : i32 to vector<16xi32>
        %add3A_480 = arith.addi %mul3A_5, %add3A_479 : vector<16xi32>
        tpu.vector_store_idx %arg10[%mul3A_439, %add3A_480], %get3A_477 : memref<8x2048xf32, #tpu.memory_space<vmem>>[vector<16xi32>, vector<16xi32>], vector<16xf32>,
        %get3A_481 = arith.index_cast %scan3A_436 : i32 to index
        %get3A_482 = arith.constant 112 : index
        %get3A_483 = tpu.vector_load %arg6[%get3A_481, %get3A_482] {strides = array<i32>} : memref<8x256xf32, #tpu.memory_space<vmem>>, vector<16xf32>,
        %add3A_484 = arith.constant 896 : i32
        %add3A_485 = vector.broadcast %add3A_484 : i32 to vector<16xi32>
        %add3A_486 = arith.addi %mul3A_5, %add3A_485 : vector<16xi32>
        tpu.vector_store_idx %arg10[%mul3A_439, %add3A_486], %get3A_483 : memref<8x2048xf32, #tpu.memory_space<vmem>>[vector<16xi32>, vector<16xi32>], vector<16xf32>,
        %get3A_487 = arith.index_cast %scan3A_436 : i32 to index
        %get3A_488 = arith.constant 128 : index
        %get3A_489 = tpu.vector_load %arg6[%get3A_487, %get3A_488] {strides = array<i32>} : memref<8x256xf32, #tpu.memory_space<vmem>>, vector<16xf32>,
        %add3A_490 = arith.constant 1024 : i32
        %add3A_491 = vector.broadcast %add3A_490 : i32 to vector<16xi32>
        %add3A_492 = arith.addi %mul3A_5, %add3A_491 : vector<16xi32>
        tpu.vector_store_idx %arg10[%mul3A_439, %add3A_492], %get3A_489 : memref<8x2048xf32, #tpu.memory_space<vmem>>[vector<16xi32>, vector<16xi32>], vector<16xf32>,
        %get3A_493 = arith.index_cast %scan3A_436 : i32 to index
        %get3A_494 = arith.constant 144 : index
        %get3A_495 = tpu.vector_load %arg6[%get3A_493, %get3A_494] {strides = array<i32>} : memref<8x256xf32, #tpu.memory_space<vmem>>, vector<16xf32>,
        %add3A_496 = arith.constant 1152 : i32
        %add3A_497 = vector.broadcast %add3A_496 : i32 to vector<16xi32>
        %add3A_498 = arith.addi %mul3A_5, %add3A_497 : vector<16xi32>
        tpu.vector_store_idx %arg10[%mul3A_439, %add3A_498], %get3A_495 : memref<8x2048xf32, #tpu.memory_space<vmem>>[vector<16xi32>, vector<16xi32>], vector<16xf32>,
        %get3A_499 = arith.index_cast %scan3A_436 : i32 to index
        %get3A_500 = arith.constant 160 : index
        %get3A_501 = tpu.vector_load %arg6[%get3A_499, %get3A_500] {strides = array<i32>} : memref<8x256xf32, #tpu.memory_space<vmem>>, vector<16xf32>,
        %add3A_502 = arith.constant 1280 : i32
        %add3A_503 = vector.broadcast %add3A_502 : i32 to vector<16xi32>
        %add3A_504 = arith.addi %mul3A_5, %add3A_503 : vector<16xi32>
        tpu.vector_store_idx %arg10[%mul3A_439, %add3A_504], %get3A_501 : memref<8x2048xf32, #tpu.memory_space<vmem>>[vector<16xi32>, vector<16xi32>], vector<16xf32>,
        %get3A_505 = arith.index_cast %scan3A_436 : i32 to index
        %get3A_506 = arith.constant 176 : index
        %get3A_507 = tpu.vector_load %arg6[%get3A_505, %get3A_506] {strides = array<i32>} : memref<8x256xf32, #tpu.memory_space<vmem>>, vector<16xf32>,
        %add3A_508 = arith.constant 1408 : i32
        %add3A_509 = vector.broadcast %add3A_508 : i32 to vector<16xi32>
        %add3A_510 = arith.addi %mul3A_5, %add3A_509 : vector<16xi32>
        tpu.vector_store_idx %arg10[%mul3A_439, %add3A_510], %get3A_507 : memref<8x2048xf32, #tpu.memory_space<vmem>>[vector<16xi32>, vector<16xi32>], vector<16xf32>,
        %get3A_511 = arith.index_cast %scan3A_436 : i32 to index
        %get3A_512 = arith.constant 192 : index
        %get3A_513 = tpu.vector_load %arg6[%get3A_511, %get3A_512] {strides = array<i32>} : memref<8x256xf32, #tpu.memory_space<vmem>>, vector<16xf32>,
        %add3A_514 = arith.constant 1536 : i32
        %add3A_515 = vector.broadcast %add3A_514 : i32 to vector<16xi32>
        %add3A_516 = arith.addi %mul3A_5, %add3A_515 : vector<16xi32>
        tpu.vector_store_idx %arg10[%mul3A_439, %add3A_516], %get3A_513 : memref<8x2048xf32, #tpu.memory_space<vmem>>[vector<16xi32>, vector<16xi32>], vector<16xf32>,
        %get3A_517 = arith.index_cast %scan3A_436 : i32 to index
        %get3A_518 = arith.constant 208 : index
        %get3A_519 = tpu.vector_load %arg6[%get3A_517, %get3A_518] {strides = array<i32>} : memref<8x256xf32, #tpu.memory_space<vmem>>, vector<16xf32>,
        %add3A_520 = arith.constant 1664 : i32
        %add3A_521 = vector.broadcast %add3A_520 : i32 to vector<16xi32>
        %add3A_522 = arith.addi %mul3A_5, %add3A_521 : vector<16xi32>
        tpu.vector_store_idx %arg10[%mul3A_439, %add3A_522], %get3A_519 : memref<8x2048xf32, #tpu.memory_space<vmem>>[vector<16xi32>, vector<16xi32>], vector<16xf32>,
        %get3A_523 = arith.index_cast %scan3A_436 : i32 to index
        %get3A_524 = arith.constant 224 : index
        %get3A_525 = tpu.vector_load %arg6[%get3A_523, %get3A_524] {strides = array<i32>} : memref<8x256xf32, #tpu.memory_space<vmem>>, vector<16xf32>,
        %add3A_526 = arith.constant 1792 : i32
        %add3A_527 = vector.broadcast %add3A_526 : i32 to vector<16xi32>
        %add3A_528 = arith.addi %mul3A_5, %add3A_527 : vector<16xi32>
        tpu.vector_store_idx %arg10[%mul3A_439, %add3A_528], %get3A_525 : memref<8x2048xf32, #tpu.memory_space<vmem>>[vector<16xi32>, vector<16xi32>], vector<16xf32>,
        %get3A_529 = arith.index_cast %scan3A_436 : i32 to index
        %get3A_530 = arith.constant 240 : index
        %get3A_531 = tpu.vector_load %arg6[%get3A_529, %get3A_530] {strides = array<i32>} : memref<8x256xf32, #tpu.memory_space<vmem>>, vector<16xf32>,
        %add3A_532 = arith.constant 1920 : i32
        %add3A_533 = vector.broadcast %add3A_532 : i32 to vector<16xi32>
        %add3A_534 = arith.addi %mul3A_5, %add3A_533 : vector<16xi32>
        tpu.vector_store_idx %arg10[%mul3A_439, %add3A_534], %get3A_531 : memref<8x2048xf32, #tpu.memory_space<vmem>>[vector<16xi32>, vector<16xi32>], vector<16xf32>,
        %scan3A_535 = arith.constant 0 : i32
        scf.yield %scan3A_535 : i32
      }
      %scan3A_377 = arith.constant 8 : i32
      %mul3A_378 = arith.constant 8 : i32
      %mul3A_379 = arith.muli %add3A_354, %mul3A_378 : i32
      %add3A_380 = arith.addi %mul3A_2, %mul3A_379 : i32
      %dma_start3A_381 = arith.constant 0 : i32
      %dma_start3A_382 = tpu.memref_slice %arg3[%add3A_380, %dma_start3A_381] : memref<16384x2048xf32, #tpu.memory_space<hbm>> -> memref<8x2048xf32, #tpu.memory_space<hbm>>
      %dma_start3A_383 = arith.constant 0 : i32
      %dma_start3A_384 = tpu.memref_slice %arg3[%add3A_380, %dma_start3A_383] : memref<16384x2048xf32, #tpu.memory_space<hbm>> -> memref<8x2048xf32, #tpu.memory_space<hbm>>
      tpu.enqueue_dma source(%arg10 : memref<8x2048xf32, #tpu.memory_space<vmem>>) target(%dma_start3A_384 : memref<8x2048xf32, #tpu.memory_space<hbm>>) target_semaphore(%arg18 : memref<!tpu.dma_semaphore, #tpu.memory_space<semaphore_mem>>)
      %add3A_385 = arith.constant 4 : i32
      %add3A_386 = arith.addi %add3A_354, %add3A_385 : i32
      %mul3A_387 = arith.constant 8 : i32
      %mul3A_388 = arith.muli %add3A_386, %mul3A_387 : i32
      %add3A_389 = arith.addi %mul3A_2, %mul3A_388 : i32
      %dma_start3A_390 = arith.constant 0 : i32
      %dma_start3A_391 = tpu.memref_slice %arg2[%add3A_389, %dma_start3A_390] : memref<16384x256xf32, #tpu.memory_space<hbm>> -> memref<8x256xf32, #tpu.memory_space<hbm>>
      %dma_start3A_392 = arith.constant 0 : i32
      %dma_start3A_393 = tpu.memref_slice %arg2[%add3A_389, %dma_start3A_392] : memref<16384x256xf32, #tpu.memory_space<hbm>> -> memref<8x256xf32, #tpu.memory_space<hbm>>
      tpu.enqueue_dma source(%dma_start3A_393 : memref<8x256xf32, #tpu.memory_space<hbm>>) target(%arg6 : memref<8x256xf32, #tpu.memory_space<vmem>>) target_semaphore(%arg14 : memref<!tpu.dma_semaphore, #tpu.memory_space<semaphore_mem>>)
      %add3A_394 = arith.constant 3 : i32
      %add3A_395 = arith.addi %mul3A_271, %add3A_394 : i32
      %mul3A_396 = arith.constant 8 : i32
      %mul3A_397 = arith.muli %add3A_395, %mul3A_396 : i32
      %add3A_398 = arith.addi %mul3A_2, %mul3A_397 : i32
      %dma_wait3A_399 = arith.constant 0 : i32
      %dma_wait3A_400 = tpu.memref_slice %arg2[%add3A_398, %dma_wait3A_399] : memref<16384x256xf32, #tpu.memory_space<hbm>> -> memref<8x256xf32, #tpu.memory_space<hbm>>
      %dma_wait3A_401 = arith.constant 0 : i32
      %dma_wait3A_402 = tpu.memref_slice %arg2[%add3A_398, %dma_wait3A_401] : memref<16384x256xf32, #tpu.memory_space<hbm>> -> memref<8x256xf32, #tpu.memory_space<hbm>>
      tpu.wait_dma2 semaphore(%arg15 : memref<!tpu.dma_semaphore, #tpu.memory_space<semaphore_mem>>) src(%dma_wait3A_402 : memref<8x256xf32, #tpu.memory_space<hbm>>) dst(%arg7 : memref<8x256xf32, #tpu.memory_space<vmem>>)
      %sub3A_403 = arith.constant 4 : i32
      %sub3A_404 = arith.subi %add3A_395, %sub3A_403 : i32
      %mul3A_405 = arith.constant 8 : i32
      %mul3A_406 = arith.muli %sub3A_404, %mul3A_405 : i32
      %add3A_407 = arith.addi %mul3A_2, %mul3A_406 : i32
      %dma_wait3A_408 = arith.constant 0 : i32
      %dma_wait3A_409 = tpu.memref_slice %arg3[%add3A_407, %dma_wait3A_408] : memref<16384x2048xf32, #tpu.memory_space<hbm>> -> memref<8x2048xf32, #tpu.memory_space<hbm>>
      %dma_wait3A_410 = arith.constant 0 : i32
      %dma_wait3A_411 = tpu.memref_slice %arg3[%add3A_407, %dma_wait3A_410] : memref<16384x2048xf32, #tpu.memory_space<hbm>> -> memref<8x2048xf32, #tpu.memory_space<hbm>>
      tpu.wait_dma2 semaphore(%arg19 : memref<!tpu.dma_semaphore, #tpu.memory_space<semaphore_mem>>) src(%arg11 : memref<8x2048xf32, #tpu.memory_space<vmem>>) dst(%dma_wait3A_411 : memref<8x2048xf32, #tpu.memory_space<hbm>>)
      %scan3A_412 = arith.constant 0 : i32
      %scan3A_413 = arith.constant 0 : i32
      %scan3A_414 = arith.constant 8 : i32
      %scan3A_415 = arith.addi %scan3A_413, %scan3A_414 : i32
      %scan3A_416 = arith.constant 1 : i32
      %scan3A_417 = scf.for %scan3A_436 = %scan3A_413 to %scan3A_415 step %scan3A_416 iter_args(%scan3A_437 = %scan3A_412) -> (i32)  : i32 {
        %mul3A_438 = vector.broadcast %scan3A_436 : i32 to vector<16xi32>
        %mul3A_439 = arith.muli %broadcast_in_dim3A_6, %mul3A_438 : vector<16xi32>
        %get3A = arith.index_cast %scan3A_436 : i32 to index
        %get3A_440 = arith.constant 0 : index
        %get3A_441 = tpu.vector_load %arg7[%get3A, %get3A_440] {strides = array<i32>} : memref<8x256xf32, #tpu.memory_space<vmem>>, vector<16xf32>,
        %add3A_442 = arith.constant 0 : i32
        %add3A_443 = vector.broadcast %add3A_442 : i32 to vector<16xi32>
        %add3A_444 = arith.addi %mul3A_5, %add3A_443 : vector<16xi32>
        tpu.vector_store_idx %arg11[%mul3A_439, %add3A_444], %get3A_441 : memref<8x2048xf32, #tpu.memory_space<vmem>>[vector<16xi32>, vector<16xi32>], vector<16xf32>,
        %get3A_445 = arith.index_cast %scan3A_436 : i32 to index
        %get3A_446 = arith.constant 16 : index
        %get3A_447 = tpu.vector_load %arg7[%get3A_445, %get3A_446] {strides = array<i32>} : memref<8x256xf32, #tpu.memory_space<vmem>>, vector<16xf32>,
        %add3A_448 = arith.constant 128 : i32
        %add3A_449 = vector.broadcast %add3A_448 : i32 to vector<16xi32>
        %add3A_450 = arith.addi %mul3A_5, %add3A_449 : vector<16xi32>
        tpu.vector_store_idx %arg11[%mul3A_439, %add3A_450], %get3A_447 : memref<8x2048xf32, #tpu.memory_space<vmem>>[vector<16xi32>, vector<16xi32>], vector<16xf32>,
        %get3A_451 = arith.index_cast %scan3A_436 : i32 to index
        %get3A_452 = arith.constant 32 : index
        %get3A_453 = tpu.vector_load %arg7[%get3A_451, %get3A_452] {strides = array<i32>} : memref<8x256xf32, #tpu.memory_space<vmem>>, vector<16xf32>,
        %add3A_454 = arith.constant 256 : i32
        %add3A_455 = vector.broadcast %add3A_454 : i32 to vector<16xi32>
        %add3A_456 = arith.addi %mul3A_5, %add3A_455 : vector<16xi32>
        tpu.vector_store_idx %arg11[%mul3A_439, %add3A_456], %get3A_453 : memref<8x2048xf32, #tpu.memory_space<vmem>>[vector<16xi32>, vector<16xi32>], vector<16xf32>,
        %get3A_457 = arith.index_cast %scan3A_436 : i32 to index
        %get3A_458 = arith.constant 48 : index
        %get3A_459 = tpu.vector_load %arg7[%get3A_457, %get3A_458] {strides = array<i32>} : memref<8x256xf32, #tpu.memory_space<vmem>>, vector<16xf32>,
        %add3A_460 = arith.constant 384 : i32
        %add3A_461 = vector.broadcast %add3A_460 : i32 to vector<16xi32>
        %add3A_462 = arith.addi %mul3A_5, %add3A_461 : vector<16xi32>
        tpu.vector_store_idx %arg11[%mul3A_439, %add3A_462], %get3A_459 : memref<8x2048xf32, #tpu.memory_space<vmem>>[vector<16xi32>, vector<16xi32>], vector<16xf32>,
        %get3A_463 = arith.index_cast %scan3A_436 : i32 to index
        %get3A_464 = arith.constant 64 : index
        %get3A_465 = tpu.vector_load %arg7[%get3A_463, %get3A_464] {strides = array<i32>} : memref<8x256xf32, #tpu.memory_space<vmem>>, vector<16xf32>,
        %add3A_466 = arith.constant 512 : i32
        %add3A_467 = vector.broadcast %add3A_466 : i32 to vector<16xi32>
        %add3A_468 = arith.addi %mul3A_5, %add3A_467 : vector<16xi32>
        tpu.vector_store_idx %arg11[%mul3A_439, %add3A_468], %get3A_465 : memref<8x2048xf32, #tpu.memory_space<vmem>>[vector<16xi32>, vector<16xi32>], vector<16xf32>,
        %get3A_469 = arith.index_cast %scan3A_436 : i32 to index
        %get3A_470 = arith.constant 80 : index
        %get3A_471 = tpu.vector_load %arg7[%get3A_469, %get3A_470] {strides = array<i32>} : memref<8x256xf32, #tpu.memory_space<vmem>>, vector<16xf32>,
        %add3A_472 = arith.constant 640 : i32
        %add3A_473 = vector.broadcast %add3A_472 : i32 to vector<16xi32>
        %add3A_474 = arith.addi %mul3A_5, %add3A_473 : vector<16xi32>
        tpu.vector_store_idx %arg11[%mul3A_439, %add3A_474], %get3A_471 : memref<8x2048xf32, #tpu.memory_space<vmem>>[vector<16xi32>, vector<16xi32>], vector<16xf32>,
        %get3A_475 = arith.index_cast %scan3A_436 : i32 to index
        %get3A_476 = arith.constant 96 : index
        %get3A_477 = tpu.vector_load %arg7[%get3A_475, %get3A_476] {strides = array<i32>} : memref<8x256xf32, #tpu.memory_space<vmem>>, vector<16xf32>,
        %add3A_478 = arith.constant 768 : i32
        %add3A_479 = vector.broadcast %add3A_478 : i32 to vector<16xi32>
        %add3A_480 = arith.addi %mul3A_5, %add3A_479 : vector<16xi32>
        tpu.vector_store_idx %arg11[%mul3A_439, %add3A_480], %get3A_477 : memref<8x2048xf32, #tpu.memory_space<vmem>>[vector<16xi32>, vector<16xi32>], vector<16xf32>,
        %get3A_481 = arith.index_cast %scan3A_436 : i32 to index
        %get3A_482 = arith.constant 112 : index
        %get3A_483 = tpu.vector_load %arg7[%get3A_481, %get3A_482] {strides = array<i32>} : memref<8x256xf32, #tpu.memory_space<vmem>>, vector<16xf32>,
        %add3A_484 = arith.constant 896 : i32
        %add3A_485 = vector.broadcast %add3A_484 : i32 to vector<16xi32>
        %add3A_486 = arith.addi %mul3A_5, %add3A_485 : vector<16xi32>
        tpu.vector_store_idx %arg11[%mul3A_439, %add3A_486], %get3A_483 : memref<8x2048xf32, #tpu.memory_space<vmem>>[vector<16xi32>, vector<16xi32>], vector<16xf32>,
        %get3A_487 = arith.index_cast %scan3A_436 : i32 to index
        %get3A_488 = arith.constant 128 : index
        %get3A_489 = tpu.vector_load %arg7[%get3A_487, %get3A_488] {strides = array<i32>} : memref<8x256xf32, #tpu.memory_space<vmem>>, vector<16xf32>,
        %add3A_490 = arith.constant 1024 : i32
        %add3A_491 = vector.broadcast %add3A_490 : i32 to vector<16xi32>
        %add3A_492 = arith.addi %mul3A_5, %add3A_491 : vector<16xi32>
        tpu.vector_store_idx %arg11[%mul3A_439, %add3A_492], %get3A_489 : memref<8x2048xf32, #tpu.memory_space<vmem>>[vector<16xi32>, vector<16xi32>], vector<16xf32>,
        %get3A_493 = arith.index_cast %scan3A_436 : i32 to index
        %get3A_494 = arith.constant 144 : index
        %get3A_495 = tpu.vector_load %arg7[%get3A_493, %get3A_494] {strides = array<i32>} : memref<8x256xf32, #tpu.memory_space<vmem>>, vector<16xf32>,
        %add3A_496 = arith.constant 1152 : i32
        %add3A_497 = vector.broadcast %add3A_496 : i32 to vector<16xi32>
        %add3A_498 = arith.addi %mul3A_5, %add3A_497 : vector<16xi32>
        tpu.vector_store_idx %arg11[%mul3A_439, %add3A_498], %get3A_495 : memref<8x2048xf32, #tpu.memory_space<vmem>>[vector<16xi32>, vector<16xi32>], vector<16xf32>,
        %get3A_499 = arith.index_cast %scan3A_436 : i32 to index
        %get3A_500 = arith.constant 160 : index
        %get3A_501 = tpu.vector_load %arg7[%get3A_499, %get3A_500] {strides = array<i32>} : memref<8x256xf32, #tpu.memory_space<vmem>>, vector<16xf32>,
        %add3A_502 = arith.constant 1280 : i32
        %add3A_503 = vector.broadcast %add3A_502 : i32 to vector<16xi32>
        %add3A_504 = arith.addi %mul3A_5, %add3A_503 : vector<16xi32>
        tpu.vector_store_idx %arg11[%mul3A_439, %add3A_504], %get3A_501 : memref<8x2048xf32, #tpu.memory_space<vmem>>[vector<16xi32>, vector<16xi32>], vector<16xf32>,
        %get3A_505 = arith.index_cast %scan3A_436 : i32 to index
        %get3A_506 = arith.constant 176 : index
        %get3A_507 = tpu.vector_load %arg7[%get3A_505, %get3A_506] {strides = array<i32>} : memref<8x256xf32, #tpu.memory_space<vmem>>, vector<16xf32>,
        %add3A_508 = arith.constant 1408 : i32
        %add3A_509 = vector.broadcast %add3A_508 : i32 to vector<16xi32>
        %add3A_510 = arith.addi %mul3A_5, %add3A_509 : vector<16xi32>
        tpu.vector_store_idx %arg11[%mul3A_439, %add3A_510], %get3A_507 : memref<8x2048xf32, #tpu.memory_space<vmem>>[vector<16xi32>, vector<16xi32>], vector<16xf32>,
        %get3A_511 = arith.index_cast %scan3A_436 : i32 to index
        %get3A_512 = arith.constant 192 : index
        %get3A_513 = tpu.vector_load %arg7[%get3A_511, %get3A_512] {strides = array<i32>} : memref<8x256xf32, #tpu.memory_space<vmem>>, vector<16xf32>,
        %add3A_514 = arith.constant 1536 : i32
        %add3A_515 = vector.broadcast %add3A_514 : i32 to vector<16xi32>
        %add3A_516 = arith.addi %mul3A_5, %add3A_515 : vector<16xi32>
        tpu.vector_store_idx %arg11[%mul3A_439, %add3A_516], %get3A_513 : memref<8x2048xf32, #tpu.memory_space<vmem>>[vector<16xi32>, vector<16xi32>], vector<16xf32>,
        %get3A_517 = arith.index_cast %scan3A_436 : i32 to index
        %get3A_518 = arith.constant 208 : index
        %get3A_519 = tpu.vector_load %arg7[%get3A_517, %get3A_518] {strides = array<i32>} : memref<8x256xf32, #tpu.memory_space<vmem>>, vector<16xf32>,
        %add3A_520 = arith.constant 1664 : i32
        %add3A_521 = vector.broadcast %add3A_520 : i32 to vector<16xi32>
        %add3A_522 = arith.addi %mul3A_5, %add3A_521 : vector<16xi32>
        tpu.vector_store_idx %arg11[%mul3A_439, %add3A_522], %get3A_519 : memref<8x2048xf32, #tpu.memory_space<vmem>>[vector<16xi32>, vector<16xi32>], vector<16xf32>,
        %get3A_523 = arith.index_cast %scan3A_436 : i32 to index
        %get3A_524 = arith.constant 224 : index
        %get3A_525 = tpu.vector_load %arg7[%get3A_523, %get3A_524] {strides = array<i32>} : memref<8x256xf32, #tpu.memory_space<vmem>>, vector<16xf32>,
        %add3A_526 = arith.constant 1792 : i32
        %add3A_527 = vector.broadcast %add3A_526 : i32 to vector<16xi32>
        %add3A_528 = arith.addi %mul3A_5, %add3A_527 : vector<16xi32>
        tpu.vector_store_idx %arg11[%mul3A_439, %add3A_528], %get3A_525 : memref<8x2048xf32, #tpu.memory_space<vmem>>[vector<16xi32>, vector<16xi32>], vector<16xf32>,
        %get3A_529 = arith.index_cast %scan3A_436 : i32 to index
        %get3A_530 = arith.constant 240 : index
        %get3A_531 = tpu.vector_load %arg7[%get3A_529, %get3A_530] {strides = array<i32>} : memref<8x256xf32, #tpu.memory_space<vmem>>, vector<16xf32>,
        %add3A_532 = arith.constant 1920 : i32
        %add3A_533 = vector.broadcast %add3A_532 : i32 to vector<16xi32>
        %add3A_534 = arith.addi %mul3A_5, %add3A_533 : vector<16xi32>
        tpu.vector_store_idx %arg11[%mul3A_439, %add3A_534], %get3A_531 : memref<8x2048xf32, #tpu.memory_space<vmem>>[vector<16xi32>, vector<16xi32>], vector<16xf32>,
        %scan3A_535 = arith.constant 0 : i32
        scf.yield %scan3A_535 : i32
      }
      %scan3A_418 = arith.constant 8 : i32
      %mul3A_419 = arith.constant 8 : i32
      %mul3A_420 = arith.muli %add3A_395, %mul3A_419 : i32
      %add3A_421 = arith.addi %mul3A_2, %mul3A_420 : i32
      %dma_start3A_422 = arith.constant 0 : i32
      %dma_start3A_423 = tpu.memref_slice %arg3[%add3A_421, %dma_start3A_422] : memref<16384x2048xf32, #tpu.memory_space<hbm>> -> memref<8x2048xf32, #tpu.memory_space<hbm>>
      %dma_start3A_424 = arith.constant 0 : i32
      %dma_start3A_425 = tpu.memref_slice %arg3[%add3A_421, %dma_start3A_424] : memref<16384x2048xf32, #tpu.memory_space<hbm>> -> memref<8x2048xf32, #tpu.memory_space<hbm>>
      tpu.enqueue_dma source(%arg11 : memref<8x2048xf32, #tpu.memory_space<vmem>>) target(%dma_start3A_425 : memref<8x2048xf32, #tpu.memory_space<hbm>>) target_semaphore(%arg19 : memref<!tpu.dma_semaphore, #tpu.memory_space<semaphore_mem>>)
      %add3A_426 = arith.constant 4 : i32
      %add3A_427 = arith.addi %add3A_395, %add3A_426 : i32
      %mul3A_428 = arith.constant 8 : i32
      %mul3A_429 = arith.muli %add3A_427, %mul3A_428 : i32
      %add3A_430 = arith.addi %mul3A_2, %mul3A_429 : i32
      %dma_start3A_431 = arith.constant 0 : i32
      %dma_start3A_432 = tpu.memref_slice %arg2[%add3A_430, %dma_start3A_431] : memref<16384x256xf32, #tpu.memory_space<hbm>> -> memref<8x256xf32, #tpu.memory_space<hbm>>
      %dma_start3A_433 = arith.constant 0 : i32
      %dma_start3A_434 = tpu.memref_slice %arg2[%add3A_430, %dma_start3A_433] : memref<16384x256xf32, #tpu.memory_space<hbm>> -> memref<8x256xf32, #tpu.memory_space<hbm>>
      tpu.enqueue_dma source(%dma_start3A_434 : memref<8x256xf32, #tpu.memory_space<hbm>>) target(%arg7 : memref<8x256xf32, #tpu.memory_space<vmem>>) target_semaphore(%arg15 : memref<!tpu.dma_semaphore, #tpu.memory_space<semaphore_mem>>)
      %scan3A_435 = arith.constant 0 : i32
      scf.yield %scan3A_435 : i32
    }
    %scan3A_143 = arith.constant 14 : i32
    %add3A_144 = arith.constant 480 : i32
    %add3A_145 = arith.addi %mul3A_2, %add3A_144 : i32
    %dma_wait3A_146 = arith.constant 0 : i32
    %dma_wait3A_147 = tpu.memref_slice %arg2[%add3A_145, %dma_wait3A_146] : memref<16384x256xf32, #tpu.memory_space<hbm>> -> memref<8x256xf32, #tpu.memory_space<hbm>>
    %dma_wait3A_148 = arith.constant 0 : i32
    %dma_wait3A_149 = tpu.memref_slice %arg2[%add3A_145, %dma_wait3A_148] : memref<16384x256xf32, #tpu.memory_space<hbm>> -> memref<8x256xf32, #tpu.memory_space<hbm>>
    tpu.wait_dma2 semaphore(%arg12 : memref<!tpu.dma_semaphore, #tpu.memory_space<semaphore_mem>>) src(%dma_wait3A_149 : memref<8x256xf32, #tpu.memory_space<hbm>>) dst(%arg4 : memref<8x256xf32, #tpu.memory_space<vmem>>)
    %add3A_150 = arith.constant 448 : i32
    %add3A_151 = arith.addi %mul3A_2, %add3A_150 : i32
    %dma_wait3A_152 = arith.constant 0 : i32
    %dma_wait3A_153 = tpu.memref_slice %arg3[%add3A_151, %dma_wait3A_152] : memref<16384x2048xf32, #tpu.memory_space<hbm>> -> memref<8x2048xf32, #tpu.memory_space<hbm>>
    %dma_wait3A_154 = arith.constant 0 : i32
    %dma_wait3A_155 = tpu.memref_slice %arg3[%add3A_151, %dma_wait3A_154] : memref<16384x2048xf32, #tpu.memory_space<hbm>> -> memref<8x2048xf32, #tpu.memory_space<hbm>>
    tpu.wait_dma2 semaphore(%arg16 : memref<!tpu.dma_semaphore, #tpu.memory_space<semaphore_mem>>) src(%arg8 : memref<8x2048xf32, #tpu.memory_space<vmem>>) dst(%dma_wait3A_155 : memref<8x2048xf32, #tpu.memory_space<hbm>>)
    %scan3A_156 = arith.constant 0 : i32
    %scan3A_157 = arith.constant 0 : i32
    %scan3A_158 = arith.constant 8 : i32
    %scan3A_159 = arith.addi %scan3A_157, %scan3A_158 : i32
    %scan3A_160 = arith.constant 1 : i32
    %scan3A_161 = scf.for %scan3A_268 = %scan3A_157 to %scan3A_159 step %scan3A_160 iter_args(%scan3A_269 = %scan3A_156) -> (i32)  : i32 {
      %mul3A_270 = vector.broadcast %scan3A_268 : i32 to vector<16xi32>
      %mul3A_271 = arith.muli %broadcast_in_dim3A_6, %mul3A_270 : vector<16xi32>
      %get3A = arith.index_cast %scan3A_268 : i32 to index
      %get3A_272 = arith.constant 0 : index
      %get3A_273 = tpu.vector_load %arg4[%get3A, %get3A_272] {strides = array<i32>} : memref<8x256xf32, #tpu.memory_space<vmem>>, vector<16xf32>,
      %add3A_274 = arith.constant 0 : i32
      %add3A_275 = vector.broadcast %add3A_274 : i32 to vector<16xi32>
      %add3A_276 = arith.addi %mul3A_5, %add3A_275 : vector<16xi32>
      tpu.vector_store_idx %arg8[%mul3A_271, %add3A_276], %get3A_273 : memref<8x2048xf32, #tpu.memory_space<vmem>>[vector<16xi32>, vector<16xi32>], vector<16xf32>,
      %get3A_277 = arith.index_cast %scan3A_268 : i32 to index
      %get3A_278 = arith.constant 16 : index
      %get3A_279 = tpu.vector_load %arg4[%get3A_277, %get3A_278] {strides = array<i32>} : memref<8x256xf32, #tpu.memory_space<vmem>>, vector<16xf32>,
      %add3A_280 = arith.constant 128 : i32
      %add3A_281 = vector.broadcast %add3A_280 : i32 to vector<16xi32>
      %add3A_282 = arith.addi %mul3A_5, %add3A_281 : vector<16xi32>
      tpu.vector_store_idx %arg8[%mul3A_271, %add3A_282], %get3A_279 : memref<8x2048xf32, #tpu.memory_space<vmem>>[vector<16xi32>, vector<16xi32>], vector<16xf32>,
      %get3A_283 = arith.index_cast %scan3A_268 : i32 to index
      %get3A_284 = arith.constant 32 : index
      %get3A_285 = tpu.vector_load %arg4[%get3A_283, %get3A_284] {strides = array<i32>} : memref<8x256xf32, #tpu.memory_space<vmem>>, vector<16xf32>,
      %add3A_286 = arith.constant 256 : i32
      %add3A_287 = vector.broadcast %add3A_286 : i32 to vector<16xi32>
      %add3A_288 = arith.addi %mul3A_5, %add3A_287 : vector<16xi32>
      tpu.vector_store_idx %arg8[%mul3A_271, %add3A_288], %get3A_285 : memref<8x2048xf32, #tpu.memory_space<vmem>>[vector<16xi32>, vector<16xi32>], vector<16xf32>,
      %get3A_289 = arith.index_cast %scan3A_268 : i32 to index
      %get3A_290 = arith.constant 48 : index
      %get3A_291 = tpu.vector_load %arg4[%get3A_289, %get3A_290] {strides = array<i32>} : memref<8x256xf32, #tpu.memory_space<vmem>>, vector<16xf32>,
      %add3A_292 = arith.constant 384 : i32
      %add3A_293 = vector.broadcast %add3A_292 : i32 to vector<16xi32>
      %add3A_294 = arith.addi %mul3A_5, %add3A_293 : vector<16xi32>
      tpu.vector_store_idx %arg8[%mul3A_271, %add3A_294], %get3A_291 : memref<8x2048xf32, #tpu.memory_space<vmem>>[vector<16xi32>, vector<16xi32>], vector<16xf32>,
      %get3A_295 = arith.index_cast %scan3A_268 : i32 to index
      %get3A_296 = arith.constant 64 : index
      %get3A_297 = tpu.vector_load %arg4[%get3A_295, %get3A_296] {strides = array<i32>} : memref<8x256xf32, #tpu.memory_space<vmem>>, vector<16xf32>,
      %add3A_298 = arith.constant 512 : i32
      %add3A_299 = vector.broadcast %add3A_298 : i32 to vector<16xi32>
      %add3A_300 = arith.addi %mul3A_5, %add3A_299 : vector<16xi32>
      tpu.vector_store_idx %arg8[%mul3A_271, %add3A_300], %get3A_297 : memref<8x2048xf32, #tpu.memory_space<vmem>>[vector<16xi32>, vector<16xi32>], vector<16xf32>,
      %get3A_301 = arith.index_cast %scan3A_268 : i32 to index
      %get3A_302 = arith.constant 80 : index
      %get3A_303 = tpu.vector_load %arg4[%get3A_301, %get3A_302] {strides = array<i32>} : memref<8x256xf32, #tpu.memory_space<vmem>>, vector<16xf32>,
      %add3A_304 = arith.constant 640 : i32
      %add3A_305 = vector.broadcast %add3A_304 : i32 to vector<16xi32>
      %add3A_306 = arith.addi %mul3A_5, %add3A_305 : vector<16xi32>
      tpu.vector_store_idx %arg8[%mul3A_271, %add3A_306], %get3A_303 : memref<8x2048xf32, #tpu.memory_space<vmem>>[vector<16xi32>, vector<16xi32>], vector<16xf32>,
      %get3A_307 = arith.index_cast %scan3A_268 : i32 to index
      %get3A_308 = arith.constant 96 : index
      %get3A_309 = tpu.vector_load %arg4[%get3A_307, %get3A_308] {strides = array<i32>} : memref<8x256xf32, #tpu.memory_space<vmem>>, vector<16xf32>,
      %add3A_310 = arith.constant 768 : i32
      %add3A_311 = vector.broadcast %add3A_310 : i32 to vector<16xi32>
      %add3A_312 = arith.addi %mul3A_5, %add3A_311 : vector<16xi32>
      tpu.vector_store_idx %arg8[%mul3A_271, %add3A_312], %get3A_309 : memref<8x2048xf32, #tpu.memory_space<vmem>>[vector<16xi32>, vector<16xi32>], vector<16xf32>,
      %get3A_313 = arith.index_cast %scan3A_268 : i32 to index
      %get3A_314 = arith.constant 112 : index
      %get3A_315 = tpu.vector_load %arg4[%get3A_313, %get3A_314] {strides = array<i32>} : memref<8x256xf32, #tpu.memory_space<vmem>>, vector<16xf32>,
      %add3A_316 = arith.constant 896 : i32
      %add3A_317 = vector.broadcast %add3A_316 : i32 to vector<16xi32>
      %add3A_318 = arith.addi %mul3A_5, %add3A_317 : vector<16xi32>
      tpu.vector_store_idx %arg8[%mul3A_271, %add3A_318], %get3A_315 : memref<8x2048xf32, #tpu.memory_space<vmem>>[vector<16xi32>, vector<16xi32>], vector<16xf32>,
      %get3A_319 = arith.index_cast %scan3A_268 : i32 to index
      %get3A_320 = arith.constant 128 : index
      %get3A_321 = tpu.vector_load %arg4[%get3A_319, %get3A_320] {strides = array<i32>} : memref<8x256xf32, #tpu.memory_space<vmem>>, vector<16xf32>,
      %add3A_322 = arith.constant 1024 : i32
      %add3A_323 = vector.broadcast %add3A_322 : i32 to vector<16xi32>
      %add3A_324 = arith.addi %mul3A_5, %add3A_323 : vector<16xi32>
      tpu.vector_store_idx %arg8[%mul3A_271, %add3A_324], %get3A_321 : memref<8x2048xf32, #tpu.memory_space<vmem>>[vector<16xi32>, vector<16xi32>], vector<16xf32>,
      %get3A_325 = arith.index_cast %scan3A_268 : i32 to index
      %get3A_326 = arith.constant 144 : index
      %get3A_327 = tpu.vector_load %arg4[%get3A_325, %get3A_326] {strides = array<i32>} : memref<8x256xf32, #tpu.memory_space<vmem>>, vector<16xf32>,
      %add3A_328 = arith.constant 1152 : i32
      %add3A_329 = vector.broadcast %add3A_328 : i32 to vector<16xi32>
      %add3A_330 = arith.addi %mul3A_5, %add3A_329 : vector<16xi32>
      tpu.vector_store_idx %arg8[%mul3A_271, %add3A_330], %get3A_327 : memref<8x2048xf32, #tpu.memory_space<vmem>>[vector<16xi32>, vector<16xi32>], vector<16xf32>,
      %get3A_331 = arith.index_cast %scan3A_268 : i32 to index
      %get3A_332 = arith.constant 160 : index
      %get3A_333 = tpu.vector_load %arg4[%get3A_331, %get3A_332] {strides = array<i32>} : memref<8x256xf32, #tpu.memory_space<vmem>>, vector<16xf32>,
      %add3A_334 = arith.constant 1280 : i32
      %add3A_335 = vector.broadcast %add3A_334 : i32 to vector<16xi32>
      %add3A_336 = arith.addi %mul3A_5, %add3A_335 : vector<16xi32>
      tpu.vector_store_idx %arg8[%mul3A_271, %add3A_336], %get3A_333 : memref<8x2048xf32, #tpu.memory_space<vmem>>[vector<16xi32>, vector<16xi32>], vector<16xf32>,
      %get3A_337 = arith.index_cast %scan3A_268 : i32 to index
      %get3A_338 = arith.constant 176 : index
      %get3A_339 = tpu.vector_load %arg4[%get3A_337, %get3A_338] {strides = array<i32>} : memref<8x256xf32, #tpu.memory_space<vmem>>, vector<16xf32>,
      %add3A_340 = arith.constant 1408 : i32
      %add3A_341 = vector.broadcast %add3A_340 : i32 to vector<16xi32>
      %add3A_342 = arith.addi %mul3A_5, %add3A_341 : vector<16xi32>
      tpu.vector_store_idx %arg8[%mul3A_271, %add3A_342], %get3A_339 : memref<8x2048xf32, #tpu.memory_space<vmem>>[vector<16xi32>, vector<16xi32>], vector<16xf32>,
      %get3A_343 = arith.index_cast %scan3A_268 : i32 to index
      %get3A_344 = arith.constant 192 : index
      %get3A_345 = tpu.vector_load %arg4[%get3A_343, %get3A_344] {strides = array<i32>} : memref<8x256xf32, #tpu.memory_space<vmem>>, vector<16xf32>,
      %add3A_346 = arith.constant 1536 : i32
      %add3A_347 = vector.broadcast %add3A_346 : i32 to vector<16xi32>
      %add3A_348 = arith.addi %mul3A_5, %add3A_347 : vector<16xi32>
      tpu.vector_store_idx %arg8[%mul3A_271, %add3A_348], %get3A_345 : memref<8x2048xf32, #tpu.memory_space<vmem>>[vector<16xi32>, vector<16xi32>], vector<16xf32>,
      %get3A_349 = arith.index_cast %scan3A_268 : i32 to index
      %get3A_350 = arith.constant 208 : index
      %get3A_351 = tpu.vector_load %arg4[%get3A_349, %get3A_350] {strides = array<i32>} : memref<8x256xf32, #tpu.memory_space<vmem>>, vector<16xf32>,
      %add3A_352 = arith.constant 1664 : i32
      %add3A_353 = vector.broadcast %add3A_352 : i32 to vector<16xi32>
      %add3A_354 = arith.addi %mul3A_5, %add3A_353 : vector<16xi32>
      tpu.vector_store_idx %arg8[%mul3A_271, %add3A_354], %get3A_351 : memref<8x2048xf32, #tpu.memory_space<vmem>>[vector<16xi32>, vector<16xi32>], vector<16xf32>,
      %get3A_355 = arith.index_cast %scan3A_268 : i32 to index
      %get3A_356 = arith.constant 224 : index
      %get3A_357 = tpu.vector_load %arg4[%get3A_355, %get3A_356] {strides = array<i32>} : memref<8x256xf32, #tpu.memory_space<vmem>>, vector<16xf32>,
      %add3A_358 = arith.constant 1792 : i32
      %add3A_359 = vector.broadcast %add3A_358 : i32 to vector<16xi32>
      %add3A_360 = arith.addi %mul3A_5, %add3A_359 : vector<16xi32>
      tpu.vector_store_idx %arg8[%mul3A_271, %add3A_360], %get3A_357 : memref<8x2048xf32, #tpu.memory_space<vmem>>[vector<16xi32>, vector<16xi32>], vector<16xf32>,
      %get3A_361 = arith.index_cast %scan3A_268 : i32 to index
      %get3A_362 = arith.constant 240 : index
      %get3A_363 = tpu.vector_load %arg4[%get3A_361, %get3A_362] {strides = array<i32>} : memref<8x256xf32, #tpu.memory_space<vmem>>, vector<16xf32>,
      %add3A_364 = arith.constant 1920 : i32
      %add3A_365 = vector.broadcast %add3A_364 : i32 to vector<16xi32>
      %add3A_366 = arith.addi %mul3A_5, %add3A_365 : vector<16xi32>
      tpu.vector_store_idx %arg8[%mul3A_271, %add3A_366], %get3A_363 : memref<8x2048xf32, #tpu.memory_space<vmem>>[vector<16xi32>, vector<16xi32>], vector<16xf32>,
      %scan3A_367 = arith.constant 0 : i32
      scf.yield %scan3A_367 : i32
    }
    %scan3A_162 = arith.constant 8 : i32
    %add3A_163 = arith.constant 480 : i32
    %add3A_164 = arith.addi %mul3A_2, %add3A_163 : i32
    %dma_start3A_165 = arith.constant 0 : i32
    %dma_start3A_166 = tpu.memref_slice %arg3[%add3A_164, %dma_start3A_165] : memref<16384x2048xf32, #tpu.memory_space<hbm>> -> memref<8x2048xf32, #tpu.memory_space<hbm>>
    %dma_start3A_167 = arith.constant 0 : i32
    %dma_start3A_168 = tpu.memref_slice %arg3[%add3A_164, %dma_start3A_167] : memref<16384x2048xf32, #tpu.memory_space<hbm>> -> memref<8x2048xf32, #tpu.memory_space<hbm>>
    tpu.enqueue_dma source(%arg8 : memref<8x2048xf32, #tpu.memory_space<vmem>>) target(%dma_start3A_168 : memref<8x2048xf32, #tpu.memory_space<hbm>>) target_semaphore(%arg16 : memref<!tpu.dma_semaphore, #tpu.memory_space<semaphore_mem>>)
    %add3A_169 = arith.constant 488 : i32
    %add3A_170 = arith.addi %mul3A_2, %add3A_169 : i32
    %dma_wait3A_171 = arith.constant 0 : i32
    %dma_wait3A_172 = tpu.memref_slice %arg2[%add3A_170, %dma_wait3A_171] : memref<16384x256xf32, #tpu.memory_space<hbm>> -> memref<8x256xf32, #tpu.memory_space<hbm>>
    %dma_wait3A_173 = arith.constant 0 : i32
    %dma_wait3A_174 = tpu.memref_slice %arg2[%add3A_170, %dma_wait3A_173] : memref<16384x256xf32, #tpu.memory_space<hbm>> -> memref<8x256xf32, #tpu.memory_space<hbm>>
    tpu.wait_dma2 semaphore(%arg13 : memref<!tpu.dma_semaphore, #tpu.memory_space<semaphore_mem>>) src(%dma_wait3A_174 : memref<8x256xf32, #tpu.memory_space<hbm>>) dst(%arg5 : memref<8x256xf32, #tpu.memory_space<vmem>>)
    %add3A_175 = arith.constant 456 : i32
    %add3A_176 = arith.addi %mul3A_2, %add3A_175 : i32
    %dma_wait3A_177 = arith.constant 0 : i32
    %dma_wait3A_178 = tpu.memref_slice %arg3[%add3A_176, %dma_wait3A_177] : memref<16384x2048xf32, #tpu.memory_space<hbm>> -> memref<8x2048xf32, #tpu.memory_space<hbm>>
    %dma_wait3A_179 = arith.constant 0 : i32
    %dma_wait3A_180 = tpu.memref_slice %arg3[%add3A_176, %dma_wait3A_179] : memref<16384x2048xf32, #tpu.memory_space<hbm>> -> memref<8x2048xf32, #tpu.memory_space<hbm>>
    tpu.wait_dma2 semaphore(%arg17 : memref<!tpu.dma_semaphore, #tpu.memory_space<semaphore_mem>>) src(%arg9 : memref<8x2048xf32, #tpu.memory_space<vmem>>) dst(%dma_wait3A_180 : memref<8x2048xf32, #tpu.memory_space<hbm>>)
    %scan3A_181 = arith.constant 0 : i32
    %scan3A_182 = arith.constant 0 : i32
    %scan3A_183 = arith.constant 8 : i32
    %scan3A_184 = arith.addi %scan3A_182, %scan3A_183 : i32
    %scan3A_185 = arith.constant 1 : i32
    %scan3A_186 = scf.for %scan3A_268 = %scan3A_182 to %scan3A_184 step %scan3A_185 iter_args(%scan3A_269 = %scan3A_181) -> (i32)  : i32 {
      %mul3A_270 = vector.broadcast %scan3A_268 : i32 to vector<16xi32>
      %mul3A_271 = arith.muli %broadcast_in_dim3A_6, %mul3A_270 : vector<16xi32>
      %get3A = arith.index_cast %scan3A_268 : i32 to index
      %get3A_272 = arith.constant 0 : index
      %get3A_273 = tpu.vector_load %arg5[%get3A, %get3A_272] {strides = array<i32>} : memref<8x256xf32, #tpu.memory_space<vmem>>, vector<16xf32>,
      %add3A_274 = arith.constant 0 : i32
      %add3A_275 = vector.broadcast %add3A_274 : i32 to vector<16xi32>
      %add3A_276 = arith.addi %mul3A_5, %add3A_275 : vector<16xi32>
      tpu.vector_store_idx %arg9[%mul3A_271, %add3A_276], %get3A_273 : memref<8x2048xf32, #tpu.memory_space<vmem>>[vector<16xi32>, vector<16xi32>], vector<16xf32>,
      %get3A_277 = arith.index_cast %scan3A_268 : i32 to index
      %get3A_278 = arith.constant 16 : index
      %get3A_279 = tpu.vector_load %arg5[%get3A_277, %get3A_278] {strides = array<i32>} : memref<8x256xf32, #tpu.memory_space<vmem>>, vector<16xf32>,
      %add3A_280 = arith.constant 128 : i32
      %add3A_281 = vector.broadcast %add3A_280 : i32 to vector<16xi32>
      %add3A_282 = arith.addi %mul3A_5, %add3A_281 : vector<16xi32>
      tpu.vector_store_idx %arg9[%mul3A_271, %add3A_282], %get3A_279 : memref<8x2048xf32, #tpu.memory_space<vmem>>[vector<16xi32>, vector<16xi32>], vector<16xf32>,
      %get3A_283 = arith.index_cast %scan3A_268 : i32 to index
      %get3A_284 = arith.constant 32 : index
      %get3A_285 = tpu.vector_load %arg5[%get3A_283, %get3A_284] {strides = array<i32>} : memref<8x256xf32, #tpu.memory_space<vmem>>, vector<16xf32>,
      %add3A_286 = arith.constant 256 : i32
      %add3A_287 = vector.broadcast %add3A_286 : i32 to vector<16xi32>
      %add3A_288 = arith.addi %mul3A_5, %add3A_287 : vector<16xi32>
      tpu.vector_store_idx %arg9[%mul3A_271, %add3A_288], %get3A_285 : memref<8x2048xf32, #tpu.memory_space<vmem>>[vector<16xi32>, vector<16xi32>], vector<16xf32>,
      %get3A_289 = arith.index_cast %scan3A_268 : i32 to index
      %get3A_290 = arith.constant 48 : index
      %get3A_291 = tpu.vector_load %arg5[%get3A_289, %get3A_290] {strides = array<i32>} : memref<8x256xf32, #tpu.memory_space<vmem>>, vector<16xf32>,
      %add3A_292 = arith.constant 384 : i32
      %add3A_293 = vector.broadcast %add3A_292 : i32 to vector<16xi32>
      %add3A_294 = arith.addi %mul3A_5, %add3A_293 : vector<16xi32>
      tpu.vector_store_idx %arg9[%mul3A_271, %add3A_294], %get3A_291 : memref<8x2048xf32, #tpu.memory_space<vmem>>[vector<16xi32>, vector<16xi32>], vector<16xf32>,
      %get3A_295 = arith.index_cast %scan3A_268 : i32 to index
      %get3A_296 = arith.constant 64 : index
      %get3A_297 = tpu.vector_load %arg5[%get3A_295, %get3A_296] {strides = array<i32>} : memref<8x256xf32, #tpu.memory_space<vmem>>, vector<16xf32>,
      %add3A_298 = arith.constant 512 : i32
      %add3A_299 = vector.broadcast %add3A_298 : i32 to vector<16xi32>
      %add3A_300 = arith.addi %mul3A_5, %add3A_299 : vector<16xi32>
      tpu.vector_store_idx %arg9[%mul3A_271, %add3A_300], %get3A_297 : memref<8x2048xf32, #tpu.memory_space<vmem>>[vector<16xi32>, vector<16xi32>], vector<16xf32>,
      %get3A_301 = arith.index_cast %scan3A_268 : i32 to index
      %get3A_302 = arith.constant 80 : index
      %get3A_303 = tpu.vector_load %arg5[%get3A_301, %get3A_302] {strides = array<i32>} : memref<8x256xf32, #tpu.memory_space<vmem>>, vector<16xf32>,
      %add3A_304 = arith.constant 640 : i32
      %add3A_305 = vector.broadcast %add3A_304 : i32 to vector<16xi32>
      %add3A_306 = arith.addi %mul3A_5, %add3A_305 : vector<16xi32>
      tpu.vector_store_idx %arg9[%mul3A_271, %add3A_306], %get3A_303 : memref<8x2048xf32, #tpu.memory_space<vmem>>[vector<16xi32>, vector<16xi32>], vector<16xf32>,
      %get3A_307 = arith.index_cast %scan3A_268 : i32 to index
      %get3A_308 = arith.constant 96 : index
      %get3A_309 = tpu.vector_load %arg5[%get3A_307, %get3A_308] {strides = array<i32>} : memref<8x256xf32, #tpu.memory_space<vmem>>, vector<16xf32>,
      %add3A_310 = arith.constant 768 : i32
      %add3A_311 = vector.broadcast %add3A_310 : i32 to vector<16xi32>
      %add3A_312 = arith.addi %mul3A_5, %add3A_311 : vector<16xi32>
      tpu.vector_store_idx %arg9[%mul3A_271, %add3A_312], %get3A_309 : memref<8x2048xf32, #tpu.memory_space<vmem>>[vector<16xi32>, vector<16xi32>], vector<16xf32>,
      %get3A_313 = arith.index_cast %scan3A_268 : i32 to index
      %get3A_314 = arith.constant 112 : index
      %get3A_315 = tpu.vector_load %arg5[%get3A_313, %get3A_314] {strides = array<i32>} : memref<8x256xf32, #tpu.memory_space<vmem>>, vector<16xf32>,
      %add3A_316 = arith.constant 896 : i32
      %add3A_317 = vector.broadcast %add3A_316 : i32 to vector<16xi32>
      %add3A_318 = arith.addi %mul3A_5, %add3A_317 : vector<16xi32>
      tpu.vector_store_idx %arg9[%mul3A_271, %add3A_318], %get3A_315 : memref<8x2048xf32, #tpu.memory_space<vmem>>[vector<16xi32>, vector<16xi32>], vector<16xf32>,
      %get3A_319 = arith.index_cast %scan3A_268 : i32 to index
      %get3A_320 = arith.constant 128 : index
      %get3A_321 = tpu.vector_load %arg5[%get3A_319, %get3A_320] {strides = array<i32>} : memref<8x256xf32, #tpu.memory_space<vmem>>, vector<16xf32>,
      %add3A_322 = arith.constant 1024 : i32
      %add3A_323 = vector.broadcast %add3A_322 : i32 to vector<16xi32>
      %add3A_324 = arith.addi %mul3A_5, %add3A_323 : vector<16xi32>
      tpu.vector_store_idx %arg9[%mul3A_271, %add3A_324], %get3A_321 : memref<8x2048xf32, #tpu.memory_space<vmem>>[vector<16xi32>, vector<16xi32>], vector<16xf32>,
      %get3A_325 = arith.index_cast %scan3A_268 : i32 to index
      %get3A_326 = arith.constant 144 : index
      %get3A_327 = tpu.vector_load %arg5[%get3A_325, %get3A_326] {strides = array<i32>} : memref<8x256xf32, #tpu.memory_space<vmem>>, vector<16xf32>,
      %add3A_328 = arith.constant 1152 : i32
      %add3A_329 = vector.broadcast %add3A_328 : i32 to vector<16xi32>
      %add3A_330 = arith.addi %mul3A_5, %add3A_329 : vector<16xi32>
      tpu.vector_store_idx %arg9[%mul3A_271, %add3A_330], %get3A_327 : memref<8x2048xf32, #tpu.memory_space<vmem>>[vector<16xi32>, vector<16xi32>], vector<16xf32>,
      %get3A_331 = arith.index_cast %scan3A_268 : i32 to index
      %get3A_332 = arith.constant 160 : index
      %get3A_333 = tpu.vector_load %arg5[%get3A_331, %get3A_332] {strides = array<i32>} : memref<8x256xf32, #tpu.memory_space<vmem>>, vector<16xf32>,
      %add3A_334 = arith.constant 1280 : i32
      %add3A_335 = vector.broadcast %add3A_334 : i32 to vector<16xi32>
      %add3A_336 = arith.addi %mul3A_5, %add3A_335 : vector<16xi32>
      tpu.vector_store_idx %arg9[%mul3A_271, %add3A_336], %get3A_333 : memref<8x2048xf32, #tpu.memory_space<vmem>>[vector<16xi32>, vector<16xi32>], vector<16xf32>,
      %get3A_337 = arith.index_cast %scan3A_268 : i32 to index
      %get3A_338 = arith.constant 176 : index
      %get3A_339 = tpu.vector_load %arg5[%get3A_337, %get3A_338] {strides = array<i32>} : memref<8x256xf32, #tpu.memory_space<vmem>>, vector<16xf32>,
      %add3A_340 = arith.constant 1408 : i32
      %add3A_341 = vector.broadcast %add3A_340 : i32 to vector<16xi32>
      %add3A_342 = arith.addi %mul3A_5, %add3A_341 : vector<16xi32>
      tpu.vector_store_idx %arg9[%mul3A_271, %add3A_342], %get3A_339 : memref<8x2048xf32, #tpu.memory_space<vmem>>[vector<16xi32>, vector<16xi32>], vector<16xf32>,
      %get3A_343 = arith.index_cast %scan3A_268 : i32 to index
      %get3A_344 = arith.constant 192 : index
      %get3A_345 = tpu.vector_load %arg5[%get3A_343, %get3A_344] {strides = array<i32>} : memref<8x256xf32, #tpu.memory_space<vmem>>, vector<16xf32>,
      %add3A_346 = arith.constant 1536 : i32
      %add3A_347 = vector.broadcast %add3A_346 : i32 to vector<16xi32>
      %add3A_348 = arith.addi %mul3A_5, %add3A_347 : vector<16xi32>
      tpu.vector_store_idx %arg9[%mul3A_271, %add3A_348], %get3A_345 : memref<8x2048xf32, #tpu.memory_space<vmem>>[vector<16xi32>, vector<16xi32>], vector<16xf32>,
      %get3A_349 = arith.index_cast %scan3A_268 : i32 to index
      %get3A_350 = arith.constant 208 : index
      %get3A_351 = tpu.vector_load %arg5[%get3A_349, %get3A_350] {strides = array<i32>} : memref<8x256xf32, #tpu.memory_space<vmem>>, vector<16xf32>,
      %add3A_352 = arith.constant 1664 : i32
      %add3A_353 = vector.broadcast %add3A_352 : i32 to vector<16xi32>
      %add3A_354 = arith.addi %mul3A_5, %add3A_353 : vector<16xi32>
      tpu.vector_store_idx %arg9[%mul3A_271, %add3A_354], %get3A_351 : memref<8x2048xf32, #tpu.memory_space<vmem>>[vector<16xi32>, vector<16xi32>], vector<16xf32>,
      %get3A_355 = arith.index_cast %scan3A_268 : i32 to index
      %get3A_356 = arith.constant 224 : index
      %get3A_357 = tpu.vector_load %arg5[%get3A_355, %get3A_356] {strides = array<i32>} : memref<8x256xf32, #tpu.memory_space<vmem>>, vector<16xf32>,
      %add3A_358 = arith.constant 1792 : i32
      %add3A_359 = vector.broadcast %add3A_358 : i32 to vector<16xi32>
      %add3A_360 = arith.addi %mul3A_5, %add3A_359 : vector<16xi32>
      tpu.vector_store_idx %arg9[%mul3A_271, %add3A_360], %get3A_357 : memref<8x2048xf32, #tpu.memory_space<vmem>>[vector<16xi32>, vector<16xi32>], vector<16xf32>,
      %get3A_361 = arith.index_cast %scan3A_268 : i32 to index
      %get3A_362 = arith.constant 240 : index
      %get3A_363 = tpu.vector_load %arg5[%get3A_361, %get3A_362] {strides = array<i32>} : memref<8x256xf32, #tpu.memory_space<vmem>>, vector<16xf32>,
      %add3A_364 = arith.constant 1920 : i32
      %add3A_365 = vector.broadcast %add3A_364 : i32 to vector<16xi32>
      %add3A_366 = arith.addi %mul3A_5, %add3A_365 : vector<16xi32>
      tpu.vector_store_idx %arg9[%mul3A_271, %add3A_366], %get3A_363 : memref<8x2048xf32, #tpu.memory_space<vmem>>[vector<16xi32>, vector<16xi32>], vector<16xf32>,
      %scan3A_367 = arith.constant 0 : i32
      scf.yield %scan3A_367 : i32
    }
    %scan3A_187 = arith.constant 8 : i32
    %add3A_188 = arith.constant 488 : i32
    %add3A_189 = arith.addi %mul3A_2, %add3A_188 : i32
    %dma_start3A_190 = arith.constant 0 : i32
    %dma_start3A_191 = tpu.memref_slice %arg3[%add3A_189, %dma_start3A_190] : memref<16384x2048xf32, #tpu.memory_space<hbm>> -> memref<8x2048xf32, #tpu.memory_space<hbm>>
    %dma_start3A_192 = arith.constant 0 : i32
    %dma_start3A_193 = tpu.memref_slice %arg3[%add3A_189, %dma_start3A_192] : memref<16384x2048xf32, #tpu.memory_space<hbm>> -> memref<8x2048xf32, #tpu.memory_space<hbm>>
    tpu.enqueue_dma source(%arg9 : memref<8x2048xf32, #tpu.memory_space<vmem>>) target(%dma_start3A_193 : memref<8x2048xf32, #tpu.memory_space<hbm>>) target_semaphore(%arg17 : memref<!tpu.dma_semaphore, #tpu.memory_space<semaphore_mem>>)
    %add3A_194 = arith.constant 496 : i32
    %add3A_195 = arith.addi %mul3A_2, %add3A_194 : i32
    %dma_wait3A_196 = arith.constant 0 : i32
    %dma_wait3A_197 = tpu.memref_slice %arg2[%add3A_195, %dma_wait3A_196] : memref<16384x256xf32, #tpu.memory_space<hbm>> -> memref<8x256xf32, #tpu.memory_space<hbm>>
    %dma_wait3A_198 = arith.constant 0 : i32
    %dma_wait3A_199 = tpu.memref_slice %arg2[%add3A_195, %dma_wait3A_198] : memref<16384x256xf32, #tpu.memory_space<hbm>> -> memref<8x256xf32, #tpu.memory_space<hbm>>
    tpu.wait_dma2 semaphore(%arg14 : memref<!tpu.dma_semaphore, #tpu.memory_space<semaphore_mem>>) src(%dma_wait3A_199 : memref<8x256xf32, #tpu.memory_space<hbm>>) dst(%arg6 : memref<8x256xf32, #tpu.memory_space<vmem>>)
    %add3A_200 = arith.constant 464 : i32
    %add3A_201 = arith.addi %mul3A_2, %add3A_200 : i32
    %dma_wait3A_202 = arith.constant 0 : i32
    %dma_wait3A_203 = tpu.memref_slice %arg3[%add3A_201, %dma_wait3A_202] : memref<16384x2048xf32, #tpu.memory_space<hbm>> -> memref<8x2048xf32, #tpu.memory_space<hbm>>
    %dma_wait3A_204 = arith.constant 0 : i32
    %dma_wait3A_205 = tpu.memref_slice %arg3[%add3A_201, %dma_wait3A_204] : memref<16384x2048xf32, #tpu.memory_space<hbm>> -> memref<8x2048xf32, #tpu.memory_space<hbm>>
    tpu.wait_dma2 semaphore(%arg18 : memref<!tpu.dma_semaphore, #tpu.memory_space<semaphore_mem>>) src(%arg10 : memref<8x2048xf32, #tpu.memory_space<vmem>>) dst(%dma_wait3A_205 : memref<8x2048xf32, #tpu.memory_space<hbm>>)
    %scan3A_206 = arith.constant 0 : i32
    %scan3A_207 = arith.constant 0 : i32
    %scan3A_208 = arith.constant 8 : i32
    %scan3A_209 = arith.addi %scan3A_207, %scan3A_208 : i32
    %scan3A_210 = arith.constant 1 : i32
    %scan3A_211 = scf.for %scan3A_268 = %scan3A_207 to %scan3A_209 step %scan3A_210 iter_args(%scan3A_269 = %scan3A_206) -> (i32)  : i32 {
      %mul3A_270 = vector.broadcast %scan3A_268 : i32 to vector<16xi32>
      %mul3A_271 = arith.muli %broadcast_in_dim3A_6, %mul3A_270 : vector<16xi32>
      %get3A = arith.index_cast %scan3A_268 : i32 to index
      %get3A_272 = arith.constant 0 : index
      %get3A_273 = tpu.vector_load %arg6[%get3A, %get3A_272] {strides = array<i32>} : memref<8x256xf32, #tpu.memory_space<vmem>>, vector<16xf32>,
      %add3A_274 = arith.constant 0 : i32
      %add3A_275 = vector.broadcast %add3A_274 : i32 to vector<16xi32>
      %add3A_276 = arith.addi %mul3A_5, %add3A_275 : vector<16xi32>
      tpu.vector_store_idx %arg10[%mul3A_271, %add3A_276], %get3A_273 : memref<8x2048xf32, #tpu.memory_space<vmem>>[vector<16xi32>, vector<16xi32>], vector<16xf32>,
      %get3A_277 = arith.index_cast %scan3A_268 : i32 to index
      %get3A_278 = arith.constant 16 : index
      %get3A_279 = tpu.vector_load %arg6[%get3A_277, %get3A_278] {strides = array<i32>} : memref<8x256xf32, #tpu.memory_space<vmem>>, vector<16xf32>,
      %add3A_280 = arith.constant 128 : i32
      %add3A_281 = vector.broadcast %add3A_280 : i32 to vector<16xi32>
      %add3A_282 = arith.addi %mul3A_5, %add3A_281 : vector<16xi32>
      tpu.vector_store_idx %arg10[%mul3A_271, %add3A_282], %get3A_279 : memref<8x2048xf32, #tpu.memory_space<vmem>>[vector<16xi32>, vector<16xi32>], vector<16xf32>,
      %get3A_283 = arith.index_cast %scan3A_268 : i32 to index
      %get3A_284 = arith.constant 32 : index
      %get3A_285 = tpu.vector_load %arg6[%get3A_283, %get3A_284] {strides = array<i32>} : memref<8x256xf32, #tpu.memory_space<vmem>>, vector<16xf32>,
      %add3A_286 = arith.constant 256 : i32
      %add3A_287 = vector.broadcast %add3A_286 : i32 to vector<16xi32>
      %add3A_288 = arith.addi %mul3A_5, %add3A_287 : vector<16xi32>
      tpu.vector_store_idx %arg10[%mul3A_271, %add3A_288], %get3A_285 : memref<8x2048xf32, #tpu.memory_space<vmem>>[vector<16xi32>, vector<16xi32>], vector<16xf32>,
      %get3A_289 = arith.index_cast %scan3A_268 : i32 to index
      %get3A_290 = arith.constant 48 : index
      %get3A_291 = tpu.vector_load %arg6[%get3A_289, %get3A_290] {strides = array<i32>} : memref<8x256xf32, #tpu.memory_space<vmem>>, vector<16xf32>,
      %add3A_292 = arith.constant 384 : i32
      %add3A_293 = vector.broadcast %add3A_292 : i32 to vector<16xi32>
      %add3A_294 = arith.addi %mul3A_5, %add3A_293 : vector<16xi32>
      tpu.vector_store_idx %arg10[%mul3A_271, %add3A_294], %get3A_291 : memref<8x2048xf32, #tpu.memory_space<vmem>>[vector<16xi32>, vector<16xi32>], vector<16xf32>,
      %get3A_295 = arith.index_cast %scan3A_268 : i32 to index
      %get3A_296 = arith.constant 64 : index
      %get3A_297 = tpu.vector_load %arg6[%get3A_295, %get3A_296] {strides = array<i32>} : memref<8x256xf32, #tpu.memory_space<vmem>>, vector<16xf32>,
      %add3A_298 = arith.constant 512 : i32
      %add3A_299 = vector.broadcast %add3A_298 : i32 to vector<16xi32>
      %add3A_300 = arith.addi %mul3A_5, %add3A_299 : vector<16xi32>
      tpu.vector_store_idx %arg10[%mul3A_271, %add3A_300], %get3A_297 : memref<8x2048xf32, #tpu.memory_space<vmem>>[vector<16xi32>, vector<16xi32>], vector<16xf32>,
      %get3A_301 = arith.index_cast %scan3A_268 : i32 to index
      %get3A_302 = arith.constant 80 : index
      %get3A_303 = tpu.vector_load %arg6[%get3A_301, %get3A_302] {strides = array<i32>} : memref<8x256xf32, #tpu.memory_space<vmem>>, vector<16xf32>,
      %add3A_304 = arith.constant 640 : i32
      %add3A_305 = vector.broadcast %add3A_304 : i32 to vector<16xi32>
      %add3A_306 = arith.addi %mul3A_5, %add3A_305 : vector<16xi32>
      tpu.vector_store_idx %arg10[%mul3A_271, %add3A_306], %get3A_303 : memref<8x2048xf32, #tpu.memory_space<vmem>>[vector<16xi32>, vector<16xi32>], vector<16xf32>,
      %get3A_307 = arith.index_cast %scan3A_268 : i32 to index
      %get3A_308 = arith.constant 96 : index
      %get3A_309 = tpu.vector_load %arg6[%get3A_307, %get3A_308] {strides = array<i32>} : memref<8x256xf32, #tpu.memory_space<vmem>>, vector<16xf32>,
      %add3A_310 = arith.constant 768 : i32
      %add3A_311 = vector.broadcast %add3A_310 : i32 to vector<16xi32>
      %add3A_312 = arith.addi %mul3A_5, %add3A_311 : vector<16xi32>
      tpu.vector_store_idx %arg10[%mul3A_271, %add3A_312], %get3A_309 : memref<8x2048xf32, #tpu.memory_space<vmem>>[vector<16xi32>, vector<16xi32>], vector<16xf32>,
      %get3A_313 = arith.index_cast %scan3A_268 : i32 to index
      %get3A_314 = arith.constant 112 : index
      %get3A_315 = tpu.vector_load %arg6[%get3A_313, %get3A_314] {strides = array<i32>} : memref<8x256xf32, #tpu.memory_space<vmem>>, vector<16xf32>,
      %add3A_316 = arith.constant 896 : i32
      %add3A_317 = vector.broadcast %add3A_316 : i32 to vector<16xi32>
      %add3A_318 = arith.addi %mul3A_5, %add3A_317 : vector<16xi32>
      tpu.vector_store_idx %arg10[%mul3A_271, %add3A_318], %get3A_315 : memref<8x2048xf32, #tpu.memory_space<vmem>>[vector<16xi32>, vector<16xi32>], vector<16xf32>,
      %get3A_319 = arith.index_cast %scan3A_268 : i32 to index
      %get3A_320 = arith.constant 128 : index
      %get3A_321 = tpu.vector_load %arg6[%get3A_319, %get3A_320] {strides = array<i32>} : memref<8x256xf32, #tpu.memory_space<vmem>>, vector<16xf32>,
      %add3A_322 = arith.constant 1024 : i32
      %add3A_323 = vector.broadcast %add3A_322 : i32 to vector<16xi32>
      %add3A_324 = arith.addi %mul3A_5, %add3A_323 : vector<16xi32>
      tpu.vector_store_idx %arg10[%mul3A_271, %add3A_324], %get3A_321 : memref<8x2048xf32, #tpu.memory_space<vmem>>[vector<16xi32>, vector<16xi32>], vector<16xf32>,
      %get3A_325 = arith.index_cast %scan3A_268 : i32 to index
      %get3A_326 = arith.constant 144 : index
      %get3A_327 = tpu.vector_load %arg6[%get3A_325, %get3A_326] {strides = array<i32>} : memref<8x256xf32, #tpu.memory_space<vmem>>, vector<16xf32>,
      %add3A_328 = arith.constant 1152 : i32
      %add3A_329 = vector.broadcast %add3A_328 : i32 to vector<16xi32>
      %add3A_330 = arith.addi %mul3A_5, %add3A_329 : vector<16xi32>
      tpu.vector_store_idx %arg10[%mul3A_271, %add3A_330], %get3A_327 : memref<8x2048xf32, #tpu.memory_space<vmem>>[vector<16xi32>, vector<16xi32>], vector<16xf32>,
      %get3A_331 = arith.index_cast %scan3A_268 : i32 to index
      %get3A_332 = arith.constant 160 : index
      %get3A_333 = tpu.vector_load %arg6[%get3A_331, %get3A_332] {strides = array<i32>} : memref<8x256xf32, #tpu.memory_space<vmem>>, vector<16xf32>,
      %add3A_334 = arith.constant 1280 : i32
      %add3A_335 = vector.broadcast %add3A_334 : i32 to vector<16xi32>
      %add3A_336 = arith.addi %mul3A_5, %add3A_335 : vector<16xi32>
      tpu.vector_store_idx %arg10[%mul3A_271, %add3A_336], %get3A_333 : memref<8x2048xf32, #tpu.memory_space<vmem>>[vector<16xi32>, vector<16xi32>], vector<16xf32>,
      %get3A_337 = arith.index_cast %scan3A_268 : i32 to index
      %get3A_338 = arith.constant 176 : index
      %get3A_339 = tpu.vector_load %arg6[%get3A_337, %get3A_338] {strides = array<i32>} : memref<8x256xf32, #tpu.memory_space<vmem>>, vector<16xf32>,
      %add3A_340 = arith.constant 1408 : i32
      %add3A_341 = vector.broadcast %add3A_340 : i32 to vector<16xi32>
      %add3A_342 = arith.addi %mul3A_5, %add3A_341 : vector<16xi32>
      tpu.vector_store_idx %arg10[%mul3A_271, %add3A_342], %get3A_339 : memref<8x2048xf32, #tpu.memory_space<vmem>>[vector<16xi32>, vector<16xi32>], vector<16xf32>,
      %get3A_343 = arith.index_cast %scan3A_268 : i32 to index
      %get3A_344 = arith.constant 192 : index
      %get3A_345 = tpu.vector_load %arg6[%get3A_343, %get3A_344] {strides = array<i32>} : memref<8x256xf32, #tpu.memory_space<vmem>>, vector<16xf32>,
      %add3A_346 = arith.constant 1536 : i32
      %add3A_347 = vector.broadcast %add3A_346 : i32 to vector<16xi32>
      %add3A_348 = arith.addi %mul3A_5, %add3A_347 : vector<16xi32>
      tpu.vector_store_idx %arg10[%mul3A_271, %add3A_348], %get3A_345 : memref<8x2048xf32, #tpu.memory_space<vmem>>[vector<16xi32>, vector<16xi32>], vector<16xf32>,
      %get3A_349 = arith.index_cast %scan3A_268 : i32 to index
      %get3A_350 = arith.constant 208 : index
      %get3A_351 = tpu.vector_load %arg6[%get3A_349, %get3A_350] {strides = array<i32>} : memref<8x256xf32, #tpu.memory_space<vmem>>, vector<16xf32>,
      %add3A_352 = arith.constant 1664 : i32
      %add3A_353 = vector.broadcast %add3A_352 : i32 to vector<16xi32>
      %add3A_354 = arith.addi %mul3A_5, %add3A_353 : vector<16xi32>
      tpu.vector_store_idx %arg10[%mul3A_271, %add3A_354], %get3A_351 : memref<8x2048xf32, #tpu.memory_space<vmem>>[vector<16xi32>, vector<16xi32>], vector<16xf32>,
      %get3A_355 = arith.index_cast %scan3A_268 : i32 to index
      %get3A_356 = arith.constant 224 : index
      %get3A_357 = tpu.vector_load %arg6[%get3A_355, %get3A_356] {strides = array<i32>} : memref<8x256xf32, #tpu.memory_space<vmem>>, vector<16xf32>,
      %add3A_358 = arith.constant 1792 : i32
      %add3A_359 = vector.broadcast %add3A_358 : i32 to vector<16xi32>
      %add3A_360 = arith.addi %mul3A_5, %add3A_359 : vector<16xi32>
      tpu.vector_store_idx %arg10[%mul3A_271, %add3A_360], %get3A_357 : memref<8x2048xf32, #tpu.memory_space<vmem>>[vector<16xi32>, vector<16xi32>], vector<16xf32>,
      %get3A_361 = arith.index_cast %scan3A_268 : i32 to index
      %get3A_362 = arith.constant 240 : index
      %get3A_363 = tpu.vector_load %arg6[%get3A_361, %get3A_362] {strides = array<i32>} : memref<8x256xf32, #tpu.memory_space<vmem>>, vector<16xf32>,
      %add3A_364 = arith.constant 1920 : i32
      %add3A_365 = vector.broadcast %add3A_364 : i32 to vector<16xi32>
      %add3A_366 = arith.addi %mul3A_5, %add3A_365 : vector<16xi32>
      tpu.vector_store_idx %arg10[%mul3A_271, %add3A_366], %get3A_363 : memref<8x2048xf32, #tpu.memory_space<vmem>>[vector<16xi32>, vector<16xi32>], vector<16xf32>,
      %scan3A_367 = arith.constant 0 : i32
      scf.yield %scan3A_367 : i32
    }
    %scan3A_212 = arith.constant 8 : i32
    %add3A_213 = arith.constant 496 : i32
    %add3A_214 = arith.addi %mul3A_2, %add3A_213 : i32
    %dma_start3A_215 = arith.constant 0 : i32
    %dma_start3A_216 = tpu.memref_slice %arg3[%add3A_214, %dma_start3A_215] : memref<16384x2048xf32, #tpu.memory_space<hbm>> -> memref<8x2048xf32, #tpu.memory_space<hbm>>
    %dma_start3A_217 = arith.constant 0 : i32
    %dma_start3A_218 = tpu.memref_slice %arg3[%add3A_214, %dma_start3A_217] : memref<16384x2048xf32, #tpu.memory_space<hbm>> -> memref<8x2048xf32, #tpu.memory_space<hbm>>
    tpu.enqueue_dma source(%arg10 : memref<8x2048xf32, #tpu.memory_space<vmem>>) target(%dma_start3A_218 : memref<8x2048xf32, #tpu.memory_space<hbm>>) target_semaphore(%arg18 : memref<!tpu.dma_semaphore, #tpu.memory_space<semaphore_mem>>)
    %add3A_219 = arith.constant 504 : i32
    %add3A_220 = arith.addi %mul3A_2, %add3A_219 : i32
    %dma_wait3A_221 = arith.constant 0 : i32
    %dma_wait3A_222 = tpu.memref_slice %arg2[%add3A_220, %dma_wait3A_221] : memref<16384x256xf32, #tpu.memory_space<hbm>> -> memref<8x256xf32, #tpu.memory_space<hbm>>
    %dma_wait3A_223 = arith.constant 0 : i32
    %dma_wait3A_224 = tpu.memref_slice %arg2[%add3A_220, %dma_wait3A_223] : memref<16384x256xf32, #tpu.memory_space<hbm>> -> memref<8x256xf32, #tpu.memory_space<hbm>>
    tpu.wait_dma2 semaphore(%arg15 : memref<!tpu.dma_semaphore, #tpu.memory_space<semaphore_mem>>) src(%dma_wait3A_224 : memref<8x256xf32, #tpu.memory_space<hbm>>) dst(%arg7 : memref<8x256xf32, #tpu.memory_space<vmem>>)
    %add3A_225 = arith.constant 472 : i32
    %add3A_226 = arith.addi %mul3A_2, %add3A_225 : i32
    %dma_wait3A_227 = arith.constant 0 : i32
    %dma_wait3A_228 = tpu.memref_slice %arg3[%add3A_226, %dma_wait3A_227] : memref<16384x2048xf32, #tpu.memory_space<hbm>> -> memref<8x2048xf32, #tpu.memory_space<hbm>>
    %dma_wait3A_229 = arith.constant 0 : i32
    %dma_wait3A_230 = tpu.memref_slice %arg3[%add3A_226, %dma_wait3A_229] : memref<16384x2048xf32, #tpu.memory_space<hbm>> -> memref<8x2048xf32, #tpu.memory_space<hbm>>
    tpu.wait_dma2 semaphore(%arg19 : memref<!tpu.dma_semaphore, #tpu.memory_space<semaphore_mem>>) src(%arg11 : memref<8x2048xf32, #tpu.memory_space<vmem>>) dst(%dma_wait3A_230 : memref<8x2048xf32, #tpu.memory_space<hbm>>)
    %scan3A_231 = arith.constant 0 : i32
    %scan3A_232 = arith.constant 0 : i32
    %scan3A_233 = arith.constant 8 : i32
    %scan3A_234 = arith.addi %scan3A_232, %scan3A_233 : i32
    %scan3A_235 = arith.constant 1 : i32
    %scan3A_236 = scf.for %scan3A_268 = %scan3A_232 to %scan3A_234 step %scan3A_235 iter_args(%scan3A_269 = %scan3A_231) -> (i32)  : i32 {
      %mul3A_270 = vector.broadcast %scan3A_268 : i32 to vector<16xi32>
      %mul3A_271 = arith.muli %broadcast_in_dim3A_6, %mul3A_270 : vector<16xi32>
      %get3A = arith.index_cast %scan3A_268 : i32 to index
      %get3A_272 = arith.constant 0 : index
      %get3A_273 = tpu.vector_load %arg7[%get3A, %get3A_272] {strides = array<i32>} : memref<8x256xf32, #tpu.memory_space<vmem>>, vector<16xf32>,
      %add3A_274 = arith.constant 0 : i32
      %add3A_275 = vector.broadcast %add3A_274 : i32 to vector<16xi32>
      %add3A_276 = arith.addi %mul3A_5, %add3A_275 : vector<16xi32>
      tpu.vector_store_idx %arg11[%mul3A_271, %add3A_276], %get3A_273 : memref<8x2048xf32, #tpu.memory_space<vmem>>[vector<16xi32>, vector<16xi32>], vector<16xf32>,
      %get3A_277 = arith.index_cast %scan3A_268 : i32 to index
      %get3A_278 = arith.constant 16 : index
      %get3A_279 = tpu.vector_load %arg7[%get3A_277, %get3A_278] {strides = array<i32>} : memref<8x256xf32, #tpu.memory_space<vmem>>, vector<16xf32>,
      %add3A_280 = arith.constant 128 : i32
      %add3A_281 = vector.broadcast %add3A_280 : i32 to vector<16xi32>
      %add3A_282 = arith.addi %mul3A_5, %add3A_281 : vector<16xi32>
      tpu.vector_store_idx %arg11[%mul3A_271, %add3A_282], %get3A_279 : memref<8x2048xf32, #tpu.memory_space<vmem>>[vector<16xi32>, vector<16xi32>], vector<16xf32>,
      %get3A_283 = arith.index_cast %scan3A_268 : i32 to index
      %get3A_284 = arith.constant 32 : index
      %get3A_285 = tpu.vector_load %arg7[%get3A_283, %get3A_284] {strides = array<i32>} : memref<8x256xf32, #tpu.memory_space<vmem>>, vector<16xf32>,
      %add3A_286 = arith.constant 256 : i32
      %add3A_287 = vector.broadcast %add3A_286 : i32 to vector<16xi32>
      %add3A_288 = arith.addi %mul3A_5, %add3A_287 : vector<16xi32>
      tpu.vector_store_idx %arg11[%mul3A_271, %add3A_288], %get3A_285 : memref<8x2048xf32, #tpu.memory_space<vmem>>[vector<16xi32>, vector<16xi32>], vector<16xf32>,
      %get3A_289 = arith.index_cast %scan3A_268 : i32 to index
      %get3A_290 = arith.constant 48 : index
      %get3A_291 = tpu.vector_load %arg7[%get3A_289, %get3A_290] {strides = array<i32>} : memref<8x256xf32, #tpu.memory_space<vmem>>, vector<16xf32>,
      %add3A_292 = arith.constant 384 : i32
      %add3A_293 = vector.broadcast %add3A_292 : i32 to vector<16xi32>
      %add3A_294 = arith.addi %mul3A_5, %add3A_293 : vector<16xi32>
      tpu.vector_store_idx %arg11[%mul3A_271, %add3A_294], %get3A_291 : memref<8x2048xf32, #tpu.memory_space<vmem>>[vector<16xi32>, vector<16xi32>], vector<16xf32>,
      %get3A_295 = arith.index_cast %scan3A_268 : i32 to index
      %get3A_296 = arith.constant 64 : index
      %get3A_297 = tpu.vector_load %arg7[%get3A_295, %get3A_296] {strides = array<i32>} : memref<8x256xf32, #tpu.memory_space<vmem>>, vector<16xf32>,
      %add3A_298 = arith.constant 512 : i32
      %add3A_299 = vector.broadcast %add3A_298 : i32 to vector<16xi32>
      %add3A_300 = arith.addi %mul3A_5, %add3A_299 : vector<16xi32>
      tpu.vector_store_idx %arg11[%mul3A_271, %add3A_300], %get3A_297 : memref<8x2048xf32, #tpu.memory_space<vmem>>[vector<16xi32>, vector<16xi32>], vector<16xf32>,
      %get3A_301 = arith.index_cast %scan3A_268 : i32 to index
      %get3A_302 = arith.constant 80 : index
      %get3A_303 = tpu.vector_load %arg7[%get3A_301, %get3A_302] {strides = array<i32>} : memref<8x256xf32, #tpu.memory_space<vmem>>, vector<16xf32>,
      %add3A_304 = arith.constant 640 : i32
      %add3A_305 = vector.broadcast %add3A_304 : i32 to vector<16xi32>
      %add3A_306 = arith.addi %mul3A_5, %add3A_305 : vector<16xi32>
      tpu.vector_store_idx %arg11[%mul3A_271, %add3A_306], %get3A_303 : memref<8x2048xf32, #tpu.memory_space<vmem>>[vector<16xi32>, vector<16xi32>], vector<16xf32>,
      %get3A_307 = arith.index_cast %scan3A_268 : i32 to index
      %get3A_308 = arith.constant 96 : index
      %get3A_309 = tpu.vector_load %arg7[%get3A_307, %get3A_308] {strides = array<i32>} : memref<8x256xf32, #tpu.memory_space<vmem>>, vector<16xf32>,
      %add3A_310 = arith.constant 768 : i32
      %add3A_311 = vector.broadcast %add3A_310 : i32 to vector<16xi32>
      %add3A_312 = arith.addi %mul3A_5, %add3A_311 : vector<16xi32>
      tpu.vector_store_idx %arg11[%mul3A_271, %add3A_312], %get3A_309 : memref<8x2048xf32, #tpu.memory_space<vmem>>[vector<16xi32>, vector<16xi32>], vector<16xf32>,
      %get3A_313 = arith.index_cast %scan3A_268 : i32 to index
      %get3A_314 = arith.constant 112 : index
      %get3A_315 = tpu.vector_load %arg7[%get3A_313, %get3A_314] {strides = array<i32>} : memref<8x256xf32, #tpu.memory_space<vmem>>, vector<16xf32>,
      %add3A_316 = arith.constant 896 : i32
      %add3A_317 = vector.broadcast %add3A_316 : i32 to vector<16xi32>
      %add3A_318 = arith.addi %mul3A_5, %add3A_317 : vector<16xi32>
      tpu.vector_store_idx %arg11[%mul3A_271, %add3A_318], %get3A_315 : memref<8x2048xf32, #tpu.memory_space<vmem>>[vector<16xi32>, vector<16xi32>], vector<16xf32>,
      %get3A_319 = arith.index_cast %scan3A_268 : i32 to index
      %get3A_320 = arith.constant 128 : index
      %get3A_321 = tpu.vector_load %arg7[%get3A_319, %get3A_320] {strides = array<i32>} : memref<8x256xf32, #tpu.memory_space<vmem>>, vector<16xf32>,
      %add3A_322 = arith.constant 1024 : i32
      %add3A_323 = vector.broadcast %add3A_322 : i32 to vector<16xi32>
      %add3A_324 = arith.addi %mul3A_5, %add3A_323 : vector<16xi32>
      tpu.vector_store_idx %arg11[%mul3A_271, %add3A_324], %get3A_321 : memref<8x2048xf32, #tpu.memory_space<vmem>>[vector<16xi32>, vector<16xi32>], vector<16xf32>,
      %get3A_325 = arith.index_cast %scan3A_268 : i32 to index
      %get3A_326 = arith.constant 144 : index
      %get3A_327 = tpu.vector_load %arg7[%get3A_325, %get3A_326] {strides = array<i32>} : memref<8x256xf32, #tpu.memory_space<vmem>>, vector<16xf32>,
      %add3A_328 = arith.constant 1152 : i32
      %add3A_329 = vector.broadcast %add3A_328 : i32 to vector<16xi32>
      %add3A_330 = arith.addi %mul3A_5, %add3A_329 : vector<16xi32>
      tpu.vector_store_idx %arg11[%mul3A_271, %add3A_330], %get3A_327 : memref<8x2048xf32, #tpu.memory_space<vmem>>[vector<16xi32>, vector<16xi32>], vector<16xf32>,
      %get3A_331 = arith.index_cast %scan3A_268 : i32 to index
      %get3A_332 = arith.constant 160 : index
      %get3A_333 = tpu.vector_load %arg7[%get3A_331, %get3A_332] {strides = array<i32>} : memref<8x256xf32, #tpu.memory_space<vmem>>, vector<16xf32>,
      %add3A_334 = arith.constant 1280 : i32
      %add3A_335 = vector.broadcast %add3A_334 : i32 to vector<16xi32>
      %add3A_336 = arith.addi %mul3A_5, %add3A_335 : vector<16xi32>
      tpu.vector_store_idx %arg11[%mul3A_271, %add3A_336], %get3A_333 : memref<8x2048xf32, #tpu.memory_space<vmem>>[vector<16xi32>, vector<16xi32>], vector<16xf32>,
      %get3A_337 = arith.index_cast %scan3A_268 : i32 to index
      %get3A_338 = arith.constant 176 : index
      %get3A_339 = tpu.vector_load %arg7[%get3A_337, %get3A_338] {strides = array<i32>} : memref<8x256xf32, #tpu.memory_space<vmem>>, vector<16xf32>,
      %add3A_340 = arith.constant 1408 : i32
      %add3A_341 = vector.broadcast %add3A_340 : i32 to vector<16xi32>
      %add3A_342 = arith.addi %mul3A_5, %add3A_341 : vector<16xi32>
      tpu.vector_store_idx %arg11[%mul3A_271, %add3A_342], %get3A_339 : memref<8x2048xf32, #tpu.memory_space<vmem>>[vector<16xi32>, vector<16xi32>], vector<16xf32>,
      %get3A_343 = arith.index_cast %scan3A_268 : i32 to index
      %get3A_344 = arith.constant 192 : index
      %get3A_345 = tpu.vector_load %arg7[%get3A_343, %get3A_344] {strides = array<i32>} : memref<8x256xf32, #tpu.memory_space<vmem>>, vector<16xf32>,
      %add3A_346 = arith.constant 1536 : i32
      %add3A_347 = vector.broadcast %add3A_346 : i32 to vector<16xi32>
      %add3A_348 = arith.addi %mul3A_5, %add3A_347 : vector<16xi32>
      tpu.vector_store_idx %arg11[%mul3A_271, %add3A_348], %get3A_345 : memref<8x2048xf32, #tpu.memory_space<vmem>>[vector<16xi32>, vector<16xi32>], vector<16xf32>,
      %get3A_349 = arith.index_cast %scan3A_268 : i32 to index
      %get3A_350 = arith.constant 208 : index
      %get3A_351 = tpu.vector_load %arg7[%get3A_349, %get3A_350] {strides = array<i32>} : memref<8x256xf32, #tpu.memory_space<vmem>>, vector<16xf32>,
      %add3A_352 = arith.constant 1664 : i32
      %add3A_353 = vector.broadcast %add3A_352 : i32 to vector<16xi32>
      %add3A_354 = arith.addi %mul3A_5, %add3A_353 : vector<16xi32>
      tpu.vector_store_idx %arg11[%mul3A_271, %add3A_354], %get3A_351 : memref<8x2048xf32, #tpu.memory_space<vmem>>[vector<16xi32>, vector<16xi32>], vector<16xf32>,
      %get3A_355 = arith.index_cast %scan3A_268 : i32 to index
      %get3A_356 = arith.constant 224 : index
      %get3A_357 = tpu.vector_load %arg7[%get3A_355, %get3A_356] {strides = array<i32>} : memref<8x256xf32, #tpu.memory_space<vmem>>, vector<16xf32>,
      %add3A_358 = arith.constant 1792 : i32
      %add3A_359 = vector.broadcast %add3A_358 : i32 to vector<16xi32>
      %add3A_360 = arith.addi %mul3A_5, %add3A_359 : vector<16xi32>
      tpu.vector_store_idx %arg11[%mul3A_271, %add3A_360], %get3A_357 : memref<8x2048xf32, #tpu.memory_space<vmem>>[vector<16xi32>, vector<16xi32>], vector<16xf32>,
      %get3A_361 = arith.index_cast %scan3A_268 : i32 to index
      %get3A_362 = arith.constant 240 : index
      %get3A_363 = tpu.vector_load %arg7[%get3A_361, %get3A_362] {strides = array<i32>} : memref<8x256xf32, #tpu.memory_space<vmem>>, vector<16xf32>,
      %add3A_364 = arith.constant 1920 : i32
      %add3A_365 = vector.broadcast %add3A_364 : i32 to vector<16xi32>
      %add3A_366 = arith.addi %mul3A_5, %add3A_365 : vector<16xi32>
      tpu.vector_store_idx %arg11[%mul3A_271, %add3A_366], %get3A_363 : memref<8x2048xf32, #tpu.memory_space<vmem>>[vector<16xi32>, vector<16xi32>], vector<16xf32>,
      %scan3A_367 = arith.constant 0 : i32
      scf.yield %scan3A_367 : i32
    }
    %scan3A_237 = arith.constant 8 : i32
    %add3A_238 = arith.constant 504 : i32
    %add3A_239 = arith.addi %mul3A_2, %add3A_238 : i32
    %dma_start3A_240 = arith.constant 0 : i32
    %dma_start3A_241 = tpu.memref_slice %arg3[%add3A_239, %dma_start3A_240] : memref<16384x2048xf32, #tpu.memory_space<hbm>> -> memref<8x2048xf32, #tpu.memory_space<hbm>>
    %dma_start3A_242 = arith.constant 0 : i32
    %dma_start3A_243 = tpu.memref_slice %arg3[%add3A_239, %dma_start3A_242] : memref<16384x2048xf32, #tpu.memory_space<hbm>> -> memref<8x2048xf32, #tpu.memory_space<hbm>>
    tpu.enqueue_dma source(%arg11 : memref<8x2048xf32, #tpu.memory_space<vmem>>) target(%dma_start3A_243 : memref<8x2048xf32, #tpu.memory_space<hbm>>) target_semaphore(%arg19 : memref<!tpu.dma_semaphore, #tpu.memory_space<semaphore_mem>>)
    %add3A_244 = arith.constant 480 : i32
    %add3A_245 = arith.addi %mul3A_2, %add3A_244 : i32
    %dma_wait3A_246 = arith.constant 0 : i32
    %dma_wait3A_247 = tpu.memref_slice %arg3[%add3A_245, %dma_wait3A_246] : memref<16384x2048xf32, #tpu.memory_space<hbm>> -> memref<8x2048xf32, #tpu.memory_space<hbm>>
    %dma_wait3A_248 = arith.constant 0 : i32
    %dma_wait3A_249 = tpu.memref_slice %arg3[%add3A_245, %dma_wait3A_248] : memref<16384x2048xf32, #tpu.memory_space<hbm>> -> memref<8x2048xf32, #tpu.memory_space<hbm>>
    tpu.wait_dma2 semaphore(%arg16 : memref<!tpu.dma_semaphore, #tpu.memory_space<semaphore_mem>>) src(%arg8 : memref<8x2048xf32, #tpu.memory_space<vmem>>) dst(%dma_wait3A_249 : memref<8x2048xf32, #tpu.memory_space<hbm>>)
    %add3A_250 = arith.constant 488 : i32
    %add3A_251 = arith.addi %mul3A_2, %add3A_250 : i32
    %dma_wait3A_252 = arith.constant 0 : i32
    %dma_wait3A_253 = tpu.memref_slice %arg3[%add3A_251, %dma_wait3A_252] : memref<16384x2048xf32, #tpu.memory_space<hbm>> -> memref<8x2048xf32, #tpu.memory_space<hbm>>
    %dma_wait3A_254 = arith.constant 0 : i32
    %dma_wait3A_255 = tpu.memref_slice %arg3[%add3A_251, %dma_wait3A_254] : memref<16384x2048xf32, #tpu.memory_space<hbm>> -> memref<8x2048xf32, #tpu.memory_space<hbm>>
    tpu.wait_dma2 semaphore(%arg17 : memref<!tpu.dma_semaphore, #tpu.memory_space<semaphore_mem>>) src(%arg9 : memref<8x2048xf32, #tpu.memory_space<vmem>>) dst(%dma_wait3A_255 : memref<8x2048xf32, #tpu.memory_space<hbm>>)
    %add3A_256 = arith.constant 496 : i32
    %add3A_257 = arith.addi %mul3A_2, %add3A_256 : i32
    %dma_wait3A_258 = arith.constant 0 : i32
    %dma_wait3A_259 = tpu.memref_slice %arg3[%add3A_257, %dma_wait3A_258] : memref<16384x2048xf32, #tpu.memory_space<hbm>> -> memref<8x2048xf32, #tpu.memory_space<hbm>>
    %dma_wait3A_260 = arith.constant 0 : i32
    %dma_wait3A_261 = tpu.memref_slice %arg3[%add3A_257, %dma_wait3A_260] : memref<16384x2048xf32, #tpu.memory_space<hbm>> -> memref<8x2048xf32, #tpu.memory_space<hbm>>
    tpu.wait_dma2 semaphore(%arg18 : memref<!tpu.dma_semaphore, #tpu.memory_space<semaphore_mem>>) src(%arg10 : memref<8x2048xf32, #tpu.memory_space<vmem>>) dst(%dma_wait3A_261 : memref<8x2048xf32, #tpu.memory_space<hbm>>)
    %add3A_262 = arith.constant 504 : i32
    %add3A_263 = arith.addi %mul3A_2, %add3A_262 : i32
    %dma_wait3A_264 = arith.constant 0 : i32
    %dma_wait3A_265 = tpu.memref_slice %arg3[%add3A_263, %dma_wait3A_264] : memref<16384x2048xf32, #tpu.memory_space<hbm>> -> memref<8x2048xf32, #tpu.memory_space<hbm>>
    %dma_wait3A_266 = arith.constant 0 : i32
    %dma_wait3A_267 = tpu.memref_slice %arg3[%add3A_263, %dma_wait3A_266] : memref<16384x2048xf32, #tpu.memory_space<hbm>> -> memref<8x2048xf32, #tpu.memory_space<hbm>>
    tpu.wait_dma2 semaphore(%arg19 : memref<!tpu.dma_semaphore, #tpu.memory_space<semaphore_mem>>) src(%arg11 : memref<8x2048xf32, #tpu.memory_space<vmem>>) dst(%dma_wait3A_267 : memref<8x2048xf32, #tpu.memory_space<hbm>>)
    return
  }
}

</mosaic_0001>

<sc_bundles>
// kernel: _up_sample.3.cloned.1.call-start
scs
__scs_entry_jumppad:
0x0: {  	(pc) =	sbr.rel $0x88, $3  }
0x1: {  	(tag) =	ssettag $0x0;
	lr =	simm.s32 $0x1  }
0x2: {  	[smem:$0x3FA0] =	sst lr;
	_ =	strace $0xD0000000  }
0x3: {  	_ = 	snop  }
0x4: {  	_ = 	snop  }
0x5: {  	_ = 	snop  }
0x6: {  	_ = 	snop  }
0x7: {  	_ = 	snop  }
__scs_overlays_trampoline_lowered:
0x8: {  	[smem:$0x3FAF] =	sst s0  }
0x9: {  	[smem:$0x3FB0] =	sst s1  }
0xa: {  	[smem:$0x3FB1] =	sst s2  }
0xb: {  	[smem:$0x3FB2] =	sst s3  }
0xc: {  	[smem:$0x3FB3] =	sst s4  }
0xd: {  	[smem:$0x3FB4] =	sst s5  }
0xe: {  	[smem:$0x3FB5] =	sst s6  }
0xf: {  	[smem:$0x3FB6] =	sst s7  }
0x10: {  	[smem:$0x3FB7] =	sst s8  }
0x11: {  	[smem:$0x3FB8] =	sst s9;
	s0 =	simm.s32 @!p0 $0x0  }
0x12: {  	s1 =	sld [smem:$0x3F9E];
	s0 =	simm.s32 @p0 $0x1  }
0x13: {  	[smem:$0x3FB9] =	sst s0;
	s0 =	simm.s32 @!p1 $0x0  }
0x14: {  	s2 =	sld [smem:$0x3F9D];
	s0 =	simm.s32 @p1 $0x1  }
0x15: {  	[smem:$0x3FBA] =	sst s0;
	s0 =	simm.s32 @!p2 $0x0  }
0x16: {  	s3 =	sld [smem:$0x3FDB];
	s0 =	simm.s32 @p2 $0x1  }
0x17: {  	s4 =	simm.s32 $0x1BF5;
	[smem:$0x3FBC] =	sst s0  }
0x18: {  	s0 =	sld [smem:$0x3F9F];
	_ =	swait.ge [sflag:s4], $0x0  }
0x19: {  	s7 =	sld [smem:$0x3FA0]  }
0x1a: {  	s8 =	sadd.s32 $0xFFFFE003, lr  }
0x1b: {  	s9 =	sadd.s32 $0xFFFFFEF7, lr;
	s5 =	simm.s32 $0xFFFFFFFF;
	p2 =	slt.u32 s8, $0xFFFFF086  }
0x1c: {  	p1 =	slt.u32 s9, $0xF7A;
	s5 =	simm.s32 @!p2 $0x0  }
0x1d: {  	s5 =	simm.s32 @p1 $0x1;
	p0 =	seq.s32 s7, s2  }
0x1e: {  	s7 =	smul.u32 @!p0 $0xF7A, s2;
	p2 =	seq.s32 @!p0 s5, $0x0  }
0x1f: {  	s9 =	smul.u32 $0xF7A, s1;
	s8 =	simm.s32 @!p0 $0x1BF5;
	p2 =	por !p2, p0  }
0x20: {  	[sflag:s8] =	ssyncset.s32 @!p0 $0xFFFFF086;
	s6 =	sadd.s32 @!p0 s3, s7;
	s7 =	simm.s32 @!p0 $0x108  }
0x21: {  	s3 =	sadd.s32 s3, s9;
	s6 =	sadd.s32 @!p0 $0x88, s6;
	s7 =	simm.s32 @p2 $0x1082  }
0x22: {  	[simem:s7], [sflag:s8] =	dma.local @!p0 [hbm:s6], $0xF7A  }
0x23: {  	s9 =	sor.u32 $0xD0000000, s2;
	s6 =	simm.s32 $0x108;
	_ =	swait.ge @!p0 [sflag:s8], $0x0  }
0x24: {  	s3 =	sadd.s32 $0x88, s3;
	s6 =	simm.s32 @!p1 $0x1082;
	[sflag:s4] =	ssyncset.s32 $0xFFFFF086  }
0x25: {  	[simem:s6], [sflag:s4] =	dma.local [hbm:s3], $0xF7A  }
0x26: {  	[smem:$0x3FA0] =	sst s1;
	(tag) =	ssettag s2;
	_ =	strace s9  }
0x27: {  	s1 =	sld [smem:$0x3FB0]  }
0x28: {  	s2 =	sld [smem:$0x3FB1]  }
0x29: {  	s4 =	sld [smem:$0x3FB3]  }
0x2a: {  	p0 =	seq.s32 s5, $0x0;
	s5 =	sld [smem:$0x3FB4]  }
0x2b: {  	s6 =	sld [smem:$0x3FB5]  }
0x2c: {  	s7 =	sld [smem:$0x3FB6]  }
0x2d: {  	s3 =	simm.s32 $0x108;
	s8 =	sld [smem:$0x3FB7]  }
0x2e: {  	s3 =	simm.s32 @!p0 $0x1082;
	s9 =	sld [smem:$0x3FB8]  }
0x2f: {  	lr =	sadd.s32 s0, s3;
	s0 =	sld [smem:$0x3FAF]  }
0x30: {  	s3 =	sld [smem:$0x3FB2]  }
0x31: {  	[smem:$0x3FBB] =	sst s10  }
0x32: {  	s10 =	sld [smem:$0x3FB9];
	_ =	sdelay $0x3  }
0x33: {  	p0 =	seq.s32 s10, $0x1;
	s10 =	sld [smem:$0x3FBB];
	_ =	sdelay $0x3  }
0x34: {  	[smem:$0x3FBB] =	sst s10  }
0x35: {  	s10 =	sld [smem:$0x3FBA];
	_ =	sdelay $0x3  }
0x36: {  	p1 =	seq.s32 s10, $0x1;
	s10 =	sld [smem:$0x3FBB];
	_ =	sdelay $0x3  }
0x37: {  	[smem:$0x3FBB] =	sst s10  }
0x38: {  	s10 =	sld [smem:$0x3FBC]  }
0x39: {  	_ = 	snop;
	(pc) =	sbr.ind lr, $3  }
0x3a: {  	_ = 	snop  }
0x3b: {  	_ = 	snop  }
0x3c: {  	p2 =	seq.s32 s10, $0x1;
	s10 =	sld [smem:$0x3FBB]  }
0x3d: {  	_ =	shalt  }
0x3e: {  	_ =	shalt  }
0x3f: {  	_ =	shalt  }
0x40: {  	_ =	shalt  }
0x41: {  	_ =	shalt  }
0x42: {  	_ =	shalt  }
0x43: {  	_ =	shalt  }
0x44: {  	_ =	shalt  }
0x45: {  	_ =	shalt  }
0x46: {  	_ =	shalt  }
0x47: {  	_ =	shalt  }
0x48: {  	_ =	shalt  }
0x49: {  	_ =	shalt  }
0x4a: {  	_ =	shalt  }
0x4b: {  	_ =	shalt  }
0x4c: {  	_ =	shalt  }
0x4d: {  	_ =	shalt  }
0x4e: {  	_ =	shalt  }
0x4f: {  	_ =	shalt  }
0x50: {  	_ =	shalt  }
0x51: {  	_ =	shalt  }
0x52: {  	_ =	shalt  }
0x53: {  	_ =	shalt  }
0x54: {  	_ =	shalt  }
0x55: {  	_ =	shalt  }
0x56: {  	_ =	shalt  }
0x57: {  	_ =	shalt  }
0x58: {  	_ =	shalt  }
0x59: {  	_ =	shalt  }
0x5a: {  	_ =	shalt  }
0x5b: {  	_ =	shalt  }
0x5c: {  	_ =	shalt  }
0x5d: {  	_ =	shalt  }
0x5e: {  	_ =	shalt  }
0x5f: {  	_ =	shalt  }
0x60: {  	_ =	shalt  }
0x61: {  	_ =	shalt  }
0x62: {  	_ =	shalt  }
0x63: {  	_ =	shalt  }
0x64: {  	_ =	shalt  }
0x65: {  	_ =	shalt  }
0x66: {  	_ =	shalt  }
0x67: {  	_ =	shalt  }
0x68: {  	_ =	shalt  }
0x69: {  	_ =	shalt  }
0x6a: {  	_ =	shalt  }
0x6b: {  	_ =	shalt  }
0x6c: {  	_ =	shalt  }
0x6d: {  	_ =	shalt  }
0x6e: {  	_ =	shalt  }
0x6f: {  	_ =	shalt  }
0x70: {  	_ =	shalt  }
0x71: {  	_ =	shalt  }
0x72: {  	_ =	shalt  }
0x73: {  	_ =	shalt  }
0x74: {  	_ =	shalt  }
0x75: {  	_ =	shalt  }
0x76: {  	_ =	shalt  }
0x77: {  	_ =	shalt  }
0x78: {  	_ =	shalt  }
0x79: {  	_ =	shalt  }
0x7a: {  	_ =	shalt  }
0x7b: {  	_ =	shalt  }
0x7c: {  	_ =	shalt  }
0x7d: {  	_ =	shalt  }
0x7e: {  	_ =	shalt  }
0x7f: {  	_ =	shalt  }
0x80: {  	_ =	shalt  }
0x81: {  	_ =	shalt  }
0x82: {  	_ =	shalt  }
0x83: {  	_ =	shalt  }
0x84: {  	_ =	shalt  }
0x85: {  	_ =	shalt  }
0x86: {  	_ =	shalt  }
0x87: {  	_ =	shalt  }
.Lfunc_end0:
.L_simem_size_0:
called_computation_lowered:
.L_overlay_start_0:
0x88: {  	s2 =	sld [smem:$0x3FD9]  }
0x89: {  	s3 =	sld [smem:$0x3FFE];
	_ =	sdelay $0x1  }
0x8a: {  	s1 =	srdreg.scid  }
0x8b: {  	s0 =	sand.u32 $0x1, s1  }
0x8c: {  	s18 =	sshll.u32 s0, $0xA;
	s2 =	sadd.s32 s3, s2  }
0x8d: {  	s2 =	sadd.s32 s2, s18  }
0x8e: {  	[smem:$0x3FC7] =	sst s2  }
0x8f: {  	_ = 	snop  }
0x90: {  	s2 =	sld [smem:$0x3FC9]  }
0x91: {  	s19 =	sld [smem:$0x3FD0];
	(tm) =	ssettm $0x1  }
0x92: {  	s4 =	sld [smem:$0x3FFB];
	_ =	sdelay $0x3  }
0x93: {  	_ =	strace s4  }
0x94: {  	s4 =	sld [smem:$0x3FFC];
	_ =	sdelay $0x3  }
0x95: {  	_ =	strace s4  }
0x96: {  	s4 =	sld [smem:$0x3FFD];
	_ =	sdelay $0x3  }
0x97: {  	_ =	strace s4  }
0x98: {  	_ =	strace $0x8FFFFFFF  }
0x99: {  	s20 =	sld [smem:$0x3FDB];
	_ =	sdelay $0x1  }
0x9a: {  	s5 =	simm.s32 $_scs_section_size  }
0x9b: {  	s6 =	simm.s32 $_size__tile_overlayer_lowered;
	s7 =	simm.s32 $_tile_overlayer_lowered  }
0x9c: {  	s23 =	simm.s32 $0x1BFF;
	s22 =	sshll.u32 s7, $0x1;
	s4 =	sadd.s32 s5, s20  }
0x9d: {  	s8 =	simm.s32 $0x0;
	s21 =	sshll.u32 s6, $0x1;
	s6 =	sadd.s32 s22, s4  }
0x9e: {  	[timem:s8], [sflag:s23] =	dma.local [hbm:s6], s21  }
0x9f: {  	_ =	swait.ge [sflag:s23], s21  }
0xa0: {  	s5 =	ssub.s32 $0x0, s21;
	[sflag:s23] =	ssyncset.done $0x0  }
0xa1: {  	[sflag:s23] =	ssyncadd.s32 s5;
	_ =	sdelay $0x1  }
0xa2: {  	s24 =	simm.s32 $0x1B8B  }
0xa3: {  	_ =	swait.ge [sflag:s24], $0x1  }
0xa4: {  	[sflag:s24] =	ssyncset.done $0x0  }
0xa5: {  	s25 =	simm.s32 $0x1B8E;
	[sflag:s24] =	ssyncadd.s32 $0xFFFFFFFF  }
0xa6: {  	s26 =	simm.s32 $execute0_lowered;
	[smem:$0x3FD2] =	sst s25  }
0xa7: {  	s5 =	sshll.u32 s26, $0x1;
	_ =	strace $0x80000046;
	[dreg:$0x1] =	wrdreg $0xFFFFFFFF  }
0xa8: {  	s28 =	simm.s32 $_size_execute0_lowered;
	s4 =	sadd.s32 s4, s5;
	[dreg:$0x0] =	wrdreg $0x0  }
0xa9: {  	s5 =	sshll.u32 s28, $0x1;
	[dreg:$0x2] =	wrdreg s4  }
0xaa: {  	[dreg:$0x3] =	wrdreg s5  }
0xab: {  	[dreg:$0x4] =	wrdreg $0xC0  }
0xac: {  	_ =	task [dreg:s8], $0x5FFFF  }
0xad: {  	[dreg:$0x1] =	wrdreg $0xFFFFFFFF  }
0xae: {  	[dreg:$0x0] =	wrdreg $0x60  }
0xaf: {  	[dreg:$0x2] =	wrdreg s2  }
0xb0: {  	[dreg:$0x3] =	wrdreg s19  }
0xb1: {  	[dreg:$0x4] =	wrdreg $0x9  }
0xb2: {  	_ =	task.clear_ibuf [dreg:s8], $0x5FFFF;
	_ =	strace $0x90000046  }
0xb3: {  	s29 =	simm.s32 $0x9;
	_ =	strace $0x80000048  }
0xb4: {  	_ =	swait.ge [sflag:s29], $0x1  }
0xb5: {  	[sflag:s29] =	ssyncadd.s32 $0xFFFFFFFF  }
0xb6: {  	_ =	strace $0x90000048  }
0xb7: {  	_ =	sfence  }
0xb8: {  	s30 =	sld [smem:$0x0];
	_ =	sdelay $0x2  }
0xb9: {  	s31 =	sshll.u32 s1, $0xD;
	s1 =	sshrl.u32 s1, $0x2  }
0xba: {  	s3 =	sand.u32 $0x4000, s31;
	s1 =	sadd.s32 s1, s30  }
0xbb: {  	s0 =	sor.u32 s3, s0;
	s1 =	sshll.u32 s1, $0x11  }
0xbc: {  	s0 =	sor.u32 s1, s0  }
0xbd: {  	s0 =	sadd.s32 $0x8F2B, s0  }
0xbe: {  	[sflag:s0] =	ssyncadd.remote.s32 $0x1  }
0xbf: {  	_ =	sfence.sel $0xFFFF  }
0xc0: {  	[dreg:$0x0] =	wrdreg $0xFFFFFFFF;
	(pc) =	sbr.abs _section_cstart, $3  }
0xc1: {  	[dreg:$0x1] =	wrdreg $0xFFFFFFFF  }
0xc2: {  	_ =	task.clear_ibuf [dreg:s8], $0x2FFFF;
	_ =	strace $0x9FFFFFFF  }
0xc3: {  	(tm) =	ssettm $0x7FFFFFFF  }
tec
execute0_lowered:
.L_overlay_start_1:
0x0: {  	(tag) =	ssettag $0x1  }
0x1: {  	s1 =	rddreg [dreg:$0x0]  }
0x2: {  	s3 =	rddreg [dreg:$0x1];
	s0 =	srdreg.scid;
	s4 =	simm.s32 $0x0  }
0x3: {  	s2 =	stileid.u32;
	s28 =	simm.s32 $0x800;
	s29 =	simm.s32 $0x1000  }
0x4: {  	s30 =	simm.s32 $0x1800;
	s31 =	simm.s32 $0x1;
	s0 =	sand.u32 $0x1, s0  }
0x5: {  	s11 =	simm.s32 $0x4;
	s2 =	sshll.u32 s2, $0xA;
	s5 =	sshll.u32 s0, $0x9  }
0x6: {  	[smem:$0x7FF] =	sst s4;
	s0 =	ssub.s32 $0x2, s0;
	s5 =	sor.u32 s5, s2  }
0x7: {  	_ =	strace $0x80000047;
	s12 =	sshrl.u32 s0, $0x1;
	s6 =	sshll.u32 s5, $0x5  }
0x8: {  	s7 =	sshrl.u32 s5, $0x3;
	s0 =	ssub.s32 s0, s12;
	s16 =	sshll.u32 s5, $0x8  }
0x9: {  	s12 =	simm.s32 $0xE000;
	s6 =	sadd.s32 s1, s6;
	s13 =	sor.u32 $0x1, s7  }
0xa: {  	s9 =	sor.u32 $0x2, s7;
	s7 =	sor.u32 $0x3, s7;
	s0 =	smax.u32 s0, $0x1  }
0xb: {  	s8 =	sshll.u32 s13, $0x8;
	s14 =	sshll.u32 s9, $0x8;
	s10 =	sshll.u32 s7, $0x8  }
0xc: {  	s17 =	sadd.s32 $0x400, s6;
	s2 =	sshll.u32 s13, $0xB;
	[dreg:$0x3] =	wrdreg s6  }
0xd: {  	s18 =	sadd.s32 $0x500, s6;
	s19 =	sshll.u32 s9, $0xB;
	[dreg:$0x11] =	wrdreg s0  }
0xe: {  	s20 =	sadd.s32 $0x600, s6;
	s21 =	sshll.u32 s7, $0xB;
	[dreg:$0x7] =	wrdreg s17  }
0xf: {  	s22 =	sadd.s32 $0x700, s6;
	s0 =	simm.s32 $0x2000;
	[dreg:$0x9] =	wrdreg s18  }
0x10: {  	s7 =	simm.s32 $0x6000;
	s9 =	simm.s32 $0xA000;
	[dreg:$0xb] =	wrdreg s20  }
0x11: {  	s13 =	simm.s32 $0x5;
	s8 =	sadd.s32 s1, s8;
	[dreg:$0xd] =	wrdreg s22  }
0x12: {  	s15 =	sadd.s32 s1, s10;
	s10 =	sadd.s32 s3, s16;
	[dreg:$0x4] =	wrdreg s8  }
0x13: {  	s2 =	sadd.s32 s3, s2;
	s18 =	sor.u32 $0x20, s5;
	[dreg:$0x6] =	wrdreg s15  }
0x14: {  	v0 =	vlaneseq.u32;
	s20 =	sor.u32 $0x30, s5;
	s8 =	sadd.s32 s1, s14;
	[dreg:$0x8] =	wrdreg s2  }
0x15: {  	v0 =	vmul.u32 $0x8, v0;
	s16 =	simm.s32 $0x8;
	s2 =	sadd.s32 s3, s19;
	[dreg:$0x5] =	wrdreg s8  }
0x16: {  	v1 =	vimm.f32 $0.0e+00;
	s17 =	simm.s32 $0x0;
	s23 =	sadd.s32 $0x1E000, s10;
	[dreg:$0xa] =	wrdreg s2  }
0x17: {  	v2 =	vor.u32 $0x400, v0;
	v3 =	vor.u32 $0x800, v0;
	v4 =	vor.u32 $0xC00, v0;
	s19 =	sor.u32 $0x28, s5;
	s24 =	sadd.s32 $0x1E800, s10;
	[dreg:$0xe] =	wrdreg s23  }
0x18: {  	v5 =	vor.u32 $0x1000, v0;
	v6 =	vor.u32 $0x1400, v0;
	v7 =	vor.u32 $0x1800, v0;
	s25 =	sadd.s32 $0x1F000, s10;
	s26 =	sadd.s32 $0x1F800, s10;
	[dreg:$0xf] =	wrdreg s24  }
0x19: {  	v8 =	vor.u32 $0x1C00, v0;
	v9 =	vor.u32 $0x2000, v0;
	v10 =	vor.u32 $0x2400, v0;
	s14 =	simm.s32 $0x6;
	s15 =	simm.s32 $0x7;
	[dreg:$0x10] =	wrdreg s25  }
0x1a: {  	v11 =	vor.u32 $0x2800, v0;
	v12 =	vor.u32 $0x2C00, v0;
	v13 =	vor.u32 $0x3000, v0;
	s2 =	sadd.s32 s3, s21;
	s21 =	sor.u32 $0x38, s5;
	[dreg:$0x12] =	wrdreg s26  }
0x1b: {  	v14 =	vor.u32 $0x3400, v0;
	v15 =	vor.u32 $0x3800, v0;
	v16 =	vor.u32 $0x3C00, v0;
	s8 =	simm.s32 $0x3;
	[dreg:$0xc] =	wrdreg s2;
	s2 =	simm.s32 $0x2  }
.LBB2_1:
0x1c: {  	s6 =	rddreg [dreg:$0x3]  }
0x1d: {  	[tilespmem:s4], [sflag:$0x1] =	stream.linear.gather [hbm4b:s6+s4], $0x800, $0x38;
	[tilespmem:$0x12000] =	vst v63  }
0x1e: {  	s24 =	rddreg [dreg:$0x4];
	s22 =	sand.u32 $0x380, s4;
	s23 =	sand.u32 $0x3C00, s4  }
0x1f: {  	[tilespmem:s28], [sflag:$0x2] =	stream.linear.gather [hbm4b:s24+s4], $0x800, $0x38;
	[tilespmem:$0x12000] =	vst v63  }
0x20: {  	s25 =	rddreg [dreg:$0x5];
	s22 =	sor.u32 s22, s23;
	s24 =	sand.u32 $0x70, s4  }
0x21: {  	[tilespmem:s29], [sflag:$0x3] =	stream.linear.gather [hbm4b:s25+s4], $0x800, $0x38;
	[tilespmem:$0x12000] =	vst v63  }
0x22: {  	s26 =	rddreg [dreg:$0x6];
	s22 =	sor.u32 s24, s22  }
0x23: {  	[tilespmem:s30], [sflag:$0x4] =	stream.linear.gather [hbm4b:s26+s4], $0x800, $0x38;
	[tilespmem:$0x12000] =	vst v63  }
0x24: {  	[tilespmem:s22+$0xE000] =	vst v1  }
0x25: {  	s23 =	simm.s32 $0x1;
	s24 =	simm.s32 $0x0;
	s25 =	simm.s32 $0x0;
	[tilespmem:s22+$0x2000] =	vst v1  }
.LBB2_2:
0x26: {  	s26 =	sand.u32 $0x380, s23  }
0x27: {  	[tilespmem:s22+$0x6000] =	vst v1;
	s24 =	sadd.s32 $0x80, s24;
	s25 =	sadd.s32 $0x10, s25;
	p0 =	sne.s32 s23, $0x3FF  }
.Ltmp0:
0x28: {  	s23 =	sadd.s32 $0x1, s23;
	s6 =	sand.u32 $0x3C00, s24;
	[tilespmem:s22+$0xA000] =	vst v1;
	(pc) =	sbr.rel @p0 .LBB2_2-.Ltmp0, $4  }
0x29: {  	s22 =	sand.u32 $0x70, s25;
	s6 =	sor.u32 s26, s6  }
0x2a: {  	s22 =	sor.u32 s22, s6  }
0x2b: {  	[tilespmem:s22+$0xE000] =	vst v1  }
0x2c: {  	[tilespmem:s22+$0x2000] =	vst v1  }
0x2d: {  	[tilespmem:s22+$0x6000] =	vst v1;
	s6 =	simm.s32 $0x0  }
0x2e: {  	[tilespmem:s22+$0xA000] =	vst v1;
	v17 =	vmov s6  }
0x2f: {  	_ =	swait.ge [sflag:s31], $0x800;
	v17 =	vshll.u32 v17, $0x7  }
0x30: {  	[sflag:s31] =	ssyncset.done $0x0;
	v17 =	vbroadcast v17, $0x0  }
0x31: {  	s22 =	simm.s32 $0x400;
	[sflag:s31] =	ssyncadd.s32 $0xFFFFF800  }
0x32: {  	v18 =	vld [tilespmem:s22+$0xFFFFFC00];
	v19 =	vor.u32 v0, v17;
	_ =	sdelay $0x4  }
0x33: {  	[tilespmem:v19+s0+$0x0] =	vst.idx.msk $0xffff, v18  }
0x34: {  	v19 =	vor.u32 v2, v17;
	v18 =	vld [tilespmem:s22+$0xFFFFFC10];
	_ =	sdelay $0x4  }
0x35: {  	[tilespmem:v19+s0+$0x0] =	vst.idx.msk $0xffff, v18  }
0x36: {  	v19 =	vor.u32 v3, v17;
	v18 =	vld [tilespmem:s22+$0xFFFFFC20];
	_ =	sdelay $0x4  }
0x37: {  	[tilespmem:v19+s0+$0x0] =	vst.idx.msk $0xffff, v18  }
0x38: {  	v19 =	vor.u32 v4, v17;
	v18 =	vld [tilespmem:s22+$0xFFFFFC30];
	_ =	sdelay $0x4  }
0x39: {  	[tilespmem:v19+s0+$0x0] =	vst.idx.msk $0xffff, v18  }
0x3a: {  	v19 =	vor.u32 v5, v17;
	v18 =	vld [tilespmem:s22+$0xFFFFFC40];
	_ =	sdelay $0x4  }
0x3b: {  	[tilespmem:v19+s0+$0x0] =	vst.idx.msk $0xffff, v18  }
0x3c: {  	v19 =	vor.u32 v6, v17;
	v18 =	vld [tilespmem:s22+$0xFFFFFC50];
	_ =	sdelay $0x4  }
0x3d: {  	[tilespmem:v19+s0+$0x0] =	vst.idx.msk $0xffff, v18  }
0x3e: {  	v19 =	vor.u32 v7, v17;
	v18 =	vld [tilespmem:s22+$0xFFFFFC60];
	_ =	sdelay $0x4  }
0x3f: {  	[tilespmem:v19+s0+$0x0] =	vst.idx.msk $0xffff, v18  }
0x40: {  	v19 =	vor.u32 v8, v17;
	v18 =	vld [tilespmem:s22+$0xFFFFFC70];
	_ =	sdelay $0x4  }
0x41: {  	[tilespmem:v19+s0+$0x0] =	vst.idx.msk $0xffff, v18  }
0x42: {  	v19 =	vor.u32 v9, v17;
	v18 =	vld [tilespmem:s22+$0x0];
	_ =	sdelay $0x4  }
0x43: {  	[tilespmem:v19+s0+$0x0] =	vst.idx.msk $0xffff, v18  }
0x44: {  	v19 =	vor.u32 v10, v17;
	v18 =	vld [tilespmem:s22+$0x10];
	_ =	sdelay $0x4  }
0x45: {  	[tilespmem:v19+s0+$0x0] =	vst.idx.msk $0xffff, v18  }
0x46: {  	v19 =	vor.u32 v11, v17;
	v18 =	vld [tilespmem:s22+$0x20];
	_ =	sdelay $0x4  }
0x47: {  	[tilespmem:v19+s0+$0x0] =	vst.idx.msk $0xffff, v18  }
0x48: {  	v19 =	vor.u32 v12, v17;
	v18 =	vld [tilespmem:s22+$0x30];
	_ =	sdelay $0x4  }
0x49: {  	[tilespmem:v19+s0+$0x0] =	vst.idx.msk $0xffff, v18  }
0x4a: {  	v19 =	vor.u32 v13, v17;
	v18 =	vld [tilespmem:s22+$0x40];
	_ =	sdelay $0x4  }
0x4b: {  	[tilespmem:v19+s0+$0x0] =	vst.idx.msk $0xffff, v18  }
0x4c: {  	v19 =	vor.u32 v14, v17;
	v18 =	vld [tilespmem:s22+$0x50];
	_ =	sdelay $0x4  }
0x4d: {  	[tilespmem:v19+s0+$0x0] =	vst.idx.msk $0xffff, v18  }
0x4e: {  	v19 =	vor.u32 v15, v17;
	v18 =	vld [tilespmem:s22+$0x60];
	_ =	sdelay $0x4  }
0x4f: {  	[tilespmem:v19+s0+$0x0] =	vst.idx.msk $0xffff, v18  }
0x50: {  	v19 =	vor.u32 v16, v17;
	v18 =	vld [tilespmem:s22+$0x70]  }
0x51: {  	s26 =	simm.s32 $0x1  }
0x52: {  	s23 =	simm.s32 $0x2;
	v17 =	vmov s26  }
.LBB2_4:
0x53: {  	p0 =	sne.s32 s23, $0x7;
	v17 =	vshll.u32 v17, $0x7  }
0x54: {  	v17 =	vbroadcast v17, $0x0  }
0x55: {  	s22 =	sadd.s32 $0x80, s22;
	[tilespmem:v19+s0+$0x0] =	vst.idx.msk $0xffff, v18  }
0x56: {  	v18 =	vld [tilespmem:s22+$0xFFFFFC00];
	v19 =	vor.u32 v0, v17;
	_ =	sdelay $0x4  }
0x57: {  	[tilespmem:v19+s0+$0x0] =	vst.idx.msk $0xffff, v18  }
0x58: {  	v19 =	vor.u32 v2, v17;
	v18 =	vld [tilespmem:s22+$0xFFFFFC10];
	_ =	sdelay $0x4  }
0x59: {  	[tilespmem:v19+s0+$0x0] =	vst.idx.msk $0xffff, v18  }
0x5a: {  	v19 =	vor.u32 v3, v17;
	v18 =	vld [tilespmem:s22+$0xFFFFFC20];
	_ =	sdelay $0x4  }
0x5b: {  	[tilespmem:v19+s0+$0x0] =	vst.idx.msk $0xffff, v18  }
0x5c: {  	v19 =	vor.u32 v4, v17;
	v18 =	vld [tilespmem:s22+$0xFFFFFC30];
	_ =	sdelay $0x4  }
0x5d: {  	[tilespmem:v19+s0+$0x0] =	vst.idx.msk $0xffff, v18  }
0x5e: {  	v19 =	vor.u32 v5, v17;
	v18 =	vld [tilespmem:s22+$0xFFFFFC40];
	_ =	sdelay $0x4  }
0x5f: {  	[tilespmem:v19+s0+$0x0] =	vst.idx.msk $0xffff, v18  }
0x60: {  	v19 =	vor.u32 v6, v17;
	v18 =	vld [tilespmem:s22+$0xFFFFFC50];
	_ =	sdelay $0x4  }
0x61: {  	[tilespmem:v19+s0+$0x0] =	vst.idx.msk $0xffff, v18  }
0x62: {  	v19 =	vor.u32 v7, v17;
	v18 =	vld [tilespmem:s22+$0xFFFFFC60];
	_ =	sdelay $0x4  }
0x63: {  	[tilespmem:v19+s0+$0x0] =	vst.idx.msk $0xffff, v18  }
0x64: {  	v19 =	vor.u32 v8, v17;
	v18 =	vld [tilespmem:s22+$0xFFFFFC70];
	_ =	sdelay $0x4  }
0x65: {  	[tilespmem:v19+s0+$0x0] =	vst.idx.msk $0xffff, v18  }
0x66: {  	v19 =	vor.u32 v9, v17;
	v18 =	vld [tilespmem:s22+$0x0];
	_ =	sdelay $0x4  }
0x67: {  	[tilespmem:v19+s0+$0x0] =	vst.idx.msk $0xffff, v18  }
0x68: {  	v19 =	vor.u32 v10, v17;
	v18 =	vld [tilespmem:s22+$0x10];
	_ =	sdelay $0x4  }
0x69: {  	[tilespmem:v19+s0+$0x0] =	vst.idx.msk $0xffff, v18  }
0x6a: {  	v19 =	vor.u32 v11, v17;
	v18 =	vld [tilespmem:s22+$0x20];
	_ =	sdelay $0x4  }
0x6b: {  	[tilespmem:v19+s0+$0x0] =	vst.idx.msk $0xffff, v18  }
0x6c: {  	v19 =	vor.u32 v12, v17;
	v18 =	vld [tilespmem:s22+$0x30];
	_ =	sdelay $0x4  }
0x6d: {  	[tilespmem:v19+s0+$0x0] =	vst.idx.msk $0xffff, v18  }
0x6e: {  	v19 =	vor.u32 v13, v17;
	v18 =	vld [tilespmem:s22+$0x40];
	_ =	sdelay $0x4  }
0x6f: {  	[tilespmem:v19+s0+$0x0] =	vst.idx.msk $0xffff, v18  }
0x70: {  	v19 =	vor.u32 v14, v17;
	v18 =	vld [tilespmem:s22+$0x50];
	_ =	sdelay $0x4  }
0x71: {  	[tilespmem:v19+s0+$0x0] =	vst.idx.msk $0xffff, v18  }
0x72: {  	v19 =	vor.u32 v15, v17;
	v18 =	vld [tilespmem:s22+$0x60];
	_ =	sdelay $0x3  }
.Ltmp1:
0x73: {  	(pc) =	sbr.rel @p0 .LBB2_4-.Ltmp1, $3  }
0x74: {  	[tilespmem:v19+s0+$0x0] =	vst.idx.msk $0xffff, v18  }
0x75: {  	v19 =	vor.u32 v16, v17;
	v18 =	vld [tilespmem:s22+$0x70];
	_ =	sdelay $0x1  }
0x76: {  	v17 =	vmov s23;
	s23 =	sadd.s32 $0x1, s23  }
0x77: {  	_ =	sdelay $0x1  }
0x78: {  	v17 =	vshll.u32 v17, $0x7  }
0x79: {  	v17 =	vbroadcast v17, $0x0  }
0x7a: {  	s6 =	sadd.s32 $0x80, s22;
	[tilespmem:v19+s0+$0x0] =	vst.idx.msk $0xffff, v18  }
0x7b: {  	v18 =	vld [tilespmem:s6+$0xFFFFFC00];
	v19 =	vor.u32 v0, v17;
	_ =	sdelay $0x4  }
0x7c: {  	[tilespmem:v19+s0+$0x0] =	vst.idx.msk $0xffff, v18  }
0x7d: {  	v19 =	vor.u32 v2, v17;
	v18 =	vld [tilespmem:s6+$0xFFFFFC10];
	_ =	sdelay $0x4  }
0x7e: {  	[tilespmem:v19+s0+$0x0] =	vst.idx.msk $0xffff, v18  }
0x7f: {  	v19 =	vor.u32 v3, v17;
	v18 =	vld [tilespmem:s6+$0xFFFFFC20];
	_ =	sdelay $0x4  }
0x80: {  	[tilespmem:v19+s0+$0x0] =	vst.idx.msk $0xffff, v18  }
0x81: {  	v19 =	vor.u32 v4, v17;
	v18 =	vld [tilespmem:s6+$0xFFFFFC30];
	_ =	sdelay $0x4  }
0x82: {  	[tilespmem:v19+s0+$0x0] =	vst.idx.msk $0xffff, v18  }
0x83: {  	v19 =	vor.u32 v5, v17;
	v18 =	vld [tilespmem:s6+$0xFFFFFC40];
	_ =	sdelay $0x4  }
0x84: {  	[tilespmem:v19+s0+$0x0] =	vst.idx.msk $0xffff, v18  }
0x85: {  	v19 =	vor.u32 v6, v17;
	v18 =	vld [tilespmem:s6+$0xFFFFFC50];
	_ =	sdelay $0x4  }
0x86: {  	[tilespmem:v19+s0+$0x0] =	vst.idx.msk $0xffff, v18  }
0x87: {  	v19 =	vor.u32 v7, v17;
	v18 =	vld [tilespmem:s6+$0xFFFFFC60];
	_ =	sdelay $0x4  }
0x88: {  	[tilespmem:v19+s0+$0x0] =	vst.idx.msk $0xffff, v18  }
0x89: {  	v19 =	vor.u32 v8, v17;
	v18 =	vld [tilespmem:s6+$0xFFFFFC70];
	_ =	sdelay $0x4  }
0x8a: {  	[tilespmem:v19+s0+$0x0] =	vst.idx.msk $0xffff, v18  }
0x8b: {  	v19 =	vor.u32 v9, v17;
	v18 =	vld [tilespmem:s6+$0x0];
	_ =	sdelay $0x4  }
0x8c: {  	[tilespmem:v19+s0+$0x0] =	vst.idx.msk $0xffff, v18  }
0x8d: {  	v19 =	vor.u32 v10, v17;
	v18 =	vld [tilespmem:s6+$0x10];
	_ =	sdelay $0x4  }
0x8e: {  	[tilespmem:v19+s0+$0x0] =	vst.idx.msk $0xffff, v18  }
0x8f: {  	v19 =	vor.u32 v11, v17;
	v18 =	vld [tilespmem:s6+$0x20];
	_ =	sdelay $0x4  }
0x90: {  	[tilespmem:v19+s0+$0x0] =	vst.idx.msk $0xffff, v18  }
0x91: {  	v19 =	vor.u32 v12, v17;
	v18 =	vld [tilespmem:s6+$0x30];
	_ =	sdelay $0x4  }
0x92: {  	[tilespmem:v19+s0+$0x0] =	vst.idx.msk $0xffff, v18  }
0x93: {  	v19 =	vor.u32 v13, v17;
	v18 =	vld [tilespmem:s6+$0x40];
	_ =	sdelay $0x4  }
0x94: {  	[tilespmem:v19+s0+$0x0] =	vst.idx.msk $0xffff, v18  }
0x95: {  	v19 =	vor.u32 v14, v17;
	v18 =	vld [tilespmem:s6+$0x50];
	_ =	sdelay $0x4  }
0x96: {  	[tilespmem:v19+s0+$0x0] =	vst.idx.msk $0xffff, v18  }
0x97: {  	v19 =	vor.u32 v15, v17;
	v18 =	vld [tilespmem:s6+$0x60];
	_ =	sdelay $0x4  }
0x98: {  	[tilespmem:v19+s0+$0x0] =	vst.idx.msk $0xffff, v18  }
0x99: {  	v17 =	vor.u32 v16, v17;
	v18 =	vld [tilespmem:s6+$0x70];
	_ =	sdelay $0x4  }
0x9a: {  	s24 =	simm.s32 $0x0;
	[tilespmem:v17+s0+$0x0] =	vst.idx.msk $0xffff, v18  }
0x9b: {  	[hbm4b:s10+s24] =	stream.linear.scatter [tilespmem:s0], [sflag:$0x5], $0x4000, $0x38;
	[tilespmem:$0x12000] =	vst v63  }
0x9c: {  	s25 =	rddreg [dreg:$0x7]  }
0x9d: {  	v17 =	vmov s24;
	[tilespmem:s24], [sflag:$0x1] =	stream.linear.gather [hbm4b:s25+s24], $0x800, $0x38;
	[tilespmem:$0x12000] =	vst v63  }
0x9e: {  	v17 =	vshll.u32 v17, $0x7;
	_ =	swait.ge [sflag:s2], $0x800  }
0x9f: {  	v17 =	vbroadcast v17, $0x0;
	[sflag:s2] =	ssyncset.done $0x0  }
0xa0: {  	s22 =	simm.s32 $0xC00;
	[sflag:s2] =	ssyncadd.s32 $0xFFFFF800  }
0xa1: {  	v19 =	vor.u32 v0, v17;
	v18 =	vld [tilespmem:s22+$0xFFFFFC00];
	_ =	sdelay $0x4  }
0xa2: {  	[tilespmem:v19+s7+$0x0] =	vst.idx.msk $0xffff, v18  }
0xa3: {  	v19 =	vor.u32 v2, v17;
	v18 =	vld [tilespmem:s22+$0xFFFFFC10];
	_ =	sdelay $0x4  }
0xa4: {  	[tilespmem:v19+s7+$0x0] =	vst.idx.msk $0xffff, v18  }
0xa5: {  	v19 =	vor.u32 v3, v17;
	v18 =	vld [tilespmem:s22+$0xFFFFFC20];
	_ =	sdelay $0x4  }
0xa6: {  	[tilespmem:v19+s7+$0x0] =	vst.idx.msk $0xffff, v18  }
0xa7: {  	v19 =	vor.u32 v4, v17;
	v18 =	vld [tilespmem:s22+$0xFFFFFC30];
	_ =	sdelay $0x4  }
0xa8: {  	[tilespmem:v19+s7+$0x0] =	vst.idx.msk $0xffff, v18  }
0xa9: {  	v19 =	vor.u32 v5, v17;
	v18 =	vld [tilespmem:s22+$0xFFFFFC40];
	_ =	sdelay $0x4  }
0xaa: {  	[tilespmem:v19+s7+$0x0] =	vst.idx.msk $0xffff, v18  }
0xab: {  	v19 =	vor.u32 v6, v17;
	v18 =	vld [tilespmem:s22+$0xFFFFFC50];
	_ =	sdelay $0x4  }
0xac: {  	[tilespmem:v19+s7+$0x0] =	vst.idx.msk $0xffff, v18  }
0xad: {  	v19 =	vor.u32 v7, v17;
	v18 =	vld [tilespmem:s22+$0xFFFFFC60];
	_ =	sdelay $0x4  }
0xae: {  	[tilespmem:v19+s7+$0x0] =	vst.idx.msk $0xffff, v18  }
0xaf: {  	v19 =	vor.u32 v8, v17;
	v18 =	vld [tilespmem:s22+$0xFFFFFC70];
	_ =	sdelay $0x4  }
0xb0: {  	[tilespmem:v19+s7+$0x0] =	vst.idx.msk $0xffff, v18  }
0xb1: {  	v19 =	vor.u32 v9, v17;
	v18 =	vld [tilespmem:s22+$0x0];
	_ =	sdelay $0x4  }
0xb2: {  	[tilespmem:v19+s7+$0x0] =	vst.idx.msk $0xffff, v18  }
0xb3: {  	v19 =	vor.u32 v10, v17;
	v18 =	vld [tilespmem:s22+$0x10];
	_ =	sdelay $0x4  }
0xb4: {  	[tilespmem:v19+s7+$0x0] =	vst.idx.msk $0xffff, v18  }
0xb5: {  	v19 =	vor.u32 v11, v17;
	v18 =	vld [tilespmem:s22+$0x20];
	_ =	sdelay $0x4  }
0xb6: {  	[tilespmem:v19+s7+$0x0] =	vst.idx.msk $0xffff, v18  }
0xb7: {  	v19 =	vor.u32 v12, v17;
	v18 =	vld [tilespmem:s22+$0x30];
	_ =	sdelay $0x4  }
0xb8: {  	[tilespmem:v19+s7+$0x0] =	vst.idx.msk $0xffff, v18  }
0xb9: {  	v19 =	vor.u32 v13, v17;
	v18 =	vld [tilespmem:s22+$0x40];
	_ =	sdelay $0x4  }
0xba: {  	[tilespmem:v19+s7+$0x0] =	vst.idx.msk $0xffff, v18  }
0xbb: {  	v19 =	vor.u32 v14, v17;
	v18 =	vld [tilespmem:s22+$0x50];
	_ =	sdelay $0x4  }
0xbc: {  	[tilespmem:v19+s7+$0x0] =	vst.idx.msk $0xffff, v18  }
0xbd: {  	v19 =	vor.u32 v15, v17;
	v18 =	vld [tilespmem:s22+$0x60];
	_ =	sdelay $0x4  }
0xbe: {  	[tilespmem:v19+s7+$0x0] =	vst.idx.msk $0xffff, v18  }
0xbf: {  	v19 =	vor.u32 v16, v17;
	v18 =	vld [tilespmem:s22+$0x70]  }
0xc0: {  	s26 =	simm.s32 $0x1  }
0xc1: {  	s23 =	simm.s32 $0x2;
	v17 =	vmov s26  }
.LBB2_6:
0xc2: {  	p0 =	sne.s32 s23, $0x7;
	v17 =	vshll.u32 v17, $0x7  }
0xc3: {  	v17 =	vbroadcast v17, $0x0  }
0xc4: {  	s22 =	sadd.s32 $0x80, s22;
	[tilespmem:v19+s7+$0x0] =	vst.idx.msk $0xffff, v18  }
0xc5: {  	v18 =	vld [tilespmem:s22+$0xFFFFFC00];
	v19 =	vor.u32 v0, v17;
	_ =	sdelay $0x4  }
0xc6: {  	[tilespmem:v19+s7+$0x0] =	vst.idx.msk $0xffff, v18  }
0xc7: {  	v19 =	vor.u32 v2, v17;
	v18 =	vld [tilespmem:s22+$0xFFFFFC10];
	_ =	sdelay $0x4  }
0xc8: {  	[tilespmem:v19+s7+$0x0] =	vst.idx.msk $0xffff, v18  }
0xc9: {  	v19 =	vor.u32 v3, v17;
	v18 =	vld [tilespmem:s22+$0xFFFFFC20];
	_ =	sdelay $0x4  }
0xca: {  	[tilespmem:v19+s7+$0x0] =	vst.idx.msk $0xffff, v18  }
0xcb: {  	v19 =	vor.u32 v4, v17;
	v18 =	vld [tilespmem:s22+$0xFFFFFC30];
	_ =	sdelay $0x4  }
0xcc: {  	[tilespmem:v19+s7+$0x0] =	vst.idx.msk $0xffff, v18  }
0xcd: {  	v19 =	vor.u32 v5, v17;
	v18 =	vld [tilespmem:s22+$0xFFFFFC40];
	_ =	sdelay $0x4  }
0xce: {  	[tilespmem:v19+s7+$0x0] =	vst.idx.msk $0xffff, v18  }
0xcf: {  	v19 =	vor.u32 v6, v17;
	v18 =	vld [tilespmem:s22+$0xFFFFFC50];
	_ =	sdelay $0x4  }
0xd0: {  	[tilespmem:v19+s7+$0x0] =	vst.idx.msk $0xffff, v18  }
0xd1: {  	v19 =	vor.u32 v7, v17;
	v18 =	vld [tilespmem:s22+$0xFFFFFC60];
	_ =	sdelay $0x4  }
0xd2: {  	[tilespmem:v19+s7+$0x0] =	vst.idx.msk $0xffff, v18  }
0xd3: {  	v19 =	vor.u32 v8, v17;
	v18 =	vld [tilespmem:s22+$0xFFFFFC70];
	_ =	sdelay $0x4  }
0xd4: {  	[tilespmem:v19+s7+$0x0] =	vst.idx.msk $0xffff, v18  }
0xd5: {  	v19 =	vor.u32 v9, v17;
	v18 =	vld [tilespmem:s22+$0x0];
	_ =	sdelay $0x4  }
0xd6: {  	[tilespmem:v19+s7+$0x0] =	vst.idx.msk $0xffff, v18  }
0xd7: {  	v19 =	vor.u32 v10, v17;
	v18 =	vld [tilespmem:s22+$0x10];
	_ =	sdelay $0x4  }
0xd8: {  	[tilespmem:v19+s7+$0x0] =	vst.idx.msk $0xffff, v18  }
0xd9: {  	v19 =	vor.u32 v11, v17;
	v18 =	vld [tilespmem:s22+$0x20];
	_ =	sdelay $0x4  }
0xda: {  	[tilespmem:v19+s7+$0x0] =	vst.idx.msk $0xffff, v18  }
0xdb: {  	v19 =	vor.u32 v12, v17;
	v18 =	vld [tilespmem:s22+$0x30];
	_ =	sdelay $0x4  }
0xdc: {  	[tilespmem:v19+s7+$0x0] =	vst.idx.msk $0xffff, v18  }
0xdd: {  	v19 =	vor.u32 v13, v17;
	v18 =	vld [tilespmem:s22+$0x40];
	_ =	sdelay $0x4  }
0xde: {  	[tilespmem:v19+s7+$0x0] =	vst.idx.msk $0xffff, v18  }
0xdf: {  	v19 =	vor.u32 v14, v17;
	v18 =	vld [tilespmem:s22+$0x50];
	_ =	sdelay $0x4  }
0xe0: {  	[tilespmem:v19+s7+$0x0] =	vst.idx.msk $0xffff, v18  }
0xe1: {  	v19 =	vor.u32 v15, v17;
	v18 =	vld [tilespmem:s22+$0x60];
	_ =	sdelay $0x3  }
.Ltmp2:
0xe2: {  	(pc) =	sbr.rel @p0 .LBB2_6-.Ltmp2, $3  }
0xe3: {  	[tilespmem:v19+s7+$0x0] =	vst.idx.msk $0xffff, v18  }
0xe4: {  	v19 =	vor.u32 v16, v17;
	v18 =	vld [tilespmem:s22+$0x70];
	_ =	sdelay $0x1  }
0xe5: {  	v17 =	vmov s23;
	s23 =	sadd.s32 $0x1, s23  }
0xe6: {  	_ =	sdelay $0x1  }
0xe7: {  	v17 =	vshll.u32 v17, $0x7  }
0xe8: {  	v17 =	vbroadcast v17, $0x0  }
0xe9: {  	s6 =	sadd.s32 $0x80, s22;
	[tilespmem:v19+s7+$0x0] =	vst.idx.msk $0xffff, v18  }
0xea: {  	v18 =	vld [tilespmem:s6+$0xFFFFFC00];
	v19 =	vor.u32 v0, v17;
	_ =	sdelay $0x4  }
0xeb: {  	[tilespmem:v19+s7+$0x0] =	vst.idx.msk $0xffff, v18  }
0xec: {  	v19 =	vor.u32 v2, v17;
	v18 =	vld [tilespmem:s6+$0xFFFFFC10];
	_ =	sdelay $0x4  }
0xed: {  	[tilespmem:v19+s7+$0x0] =	vst.idx.msk $0xffff, v18  }
0xee: {  	v19 =	vor.u32 v3, v17;
	v18 =	vld [tilespmem:s6+$0xFFFFFC20];
	_ =	sdelay $0x4  }
0xef: {  	[tilespmem:v19+s7+$0x0] =	vst.idx.msk $0xffff, v18  }
0xf0: {  	v19 =	vor.u32 v4, v17;
	v18 =	vld [tilespmem:s6+$0xFFFFFC30];
	_ =	sdelay $0x4  }
0xf1: {  	[tilespmem:v19+s7+$0x0] =	vst.idx.msk $0xffff, v18  }
0xf2: {  	v19 =	vor.u32 v5, v17;
	v18 =	vld [tilespmem:s6+$0xFFFFFC40];
	_ =	sdelay $0x4  }
0xf3: {  	[tilespmem:v19+s7+$0x0] =	vst.idx.msk $0xffff, v18  }
0xf4: {  	v19 =	vor.u32 v6, v17;
	v18 =	vld [tilespmem:s6+$0xFFFFFC50];
	_ =	sdelay $0x4  }
0xf5: {  	[tilespmem:v19+s7+$0x0] =	vst.idx.msk $0xffff, v18  }
0xf6: {  	v19 =	vor.u32 v7, v17;
	v18 =	vld [tilespmem:s6+$0xFFFFFC60];
	_ =	sdelay $0x4  }
0xf7: {  	[tilespmem:v19+s7+$0x0] =	vst.idx.msk $0xffff, v18  }
0xf8: {  	v19 =	vor.u32 v8, v17;
	v18 =	vld [tilespmem:s6+$0xFFFFFC70];
	_ =	sdelay $0x4  }
0xf9: {  	[tilespmem:v19+s7+$0x0] =	vst.idx.msk $0xffff, v18  }
0xfa: {  	v19 =	vor.u32 v9, v17;
	v18 =	vld [tilespmem:s6+$0x0];
	_ =	sdelay $0x4  }
0xfb: {  	[tilespmem:v19+s7+$0x0] =	vst.idx.msk $0xffff, v18  }
0xfc: {  	v19 =	vor.u32 v10, v17;
	v18 =	vld [tilespmem:s6+$0x10];
	_ =	sdelay $0x4  }
0xfd: {  	[tilespmem:v19+s7+$0x0] =	vst.idx.msk $0xffff, v18  }
0xfe: {  	v19 =	vor.u32 v11, v17;
	v18 =	vld [tilespmem:s6+$0x20];
	_ =	sdelay $0x4  }
0xff: {  	[tilespmem:v19+s7+$0x0] =	vst.idx.msk $0xffff, v18  }
0x100: {  	v19 =	vor.u32 v12, v17;
	v18 =	vld [tilespmem:s6+$0x30];
	_ =	sdelay $0x4  }
0x101: {  	[tilespmem:v19+s7+$0x0] =	vst.idx.msk $0xffff, v18  }
0x102: {  	v19 =	vor.u32 v13, v17;
	v18 =	vld [tilespmem:s6+$0x40];
	_ =	sdelay $0x4  }
0x103: {  	[tilespmem:v19+s7+$0x0] =	vst.idx.msk $0xffff, v18  }
0x104: {  	v19 =	vor.u32 v14, v17;
	v18 =	vld [tilespmem:s6+$0x50];
	_ =	sdelay $0x4  }
0x105: {  	[tilespmem:v19+s7+$0x0] =	vst.idx.msk $0xffff, v18  }
0x106: {  	v19 =	vor.u32 v15, v17;
	v18 =	vld [tilespmem:s6+$0x60];
	_ =	sdelay $0x4  }
0x107: {  	[tilespmem:v19+s7+$0x0] =	vst.idx.msk $0xffff, v18  }
0x108: {  	v17 =	vor.u32 v16, v17;
	v18 =	vld [tilespmem:s6+$0x70];
	_ =	sdelay $0x4  }
0x109: {  	s23 =	simm.s32 $0x0;
	s24 =	rddreg [dreg:$0x8];
	[tilespmem:v17+s7+$0x0] =	vst.idx.msk $0xffff, v18  }
0x10a: {  	[hbm4b:s24+s23] =	stream.linear.scatter [tilespmem:s7], [sflag:$0x6], $0x4000, $0x38;
	[tilespmem:$0x12000] =	vst v63  }
0x10b: {  	s25 =	rddreg [dreg:$0x9]  }
0x10c: {  	v17 =	vmov s23;
	[tilespmem:s28], [sflag:$0x2] =	stream.linear.gather [hbm4b:s25+s23], $0x800, $0x38;
	[tilespmem:$0x12000] =	vst v63  }
0x10d: {  	v17 =	vshll.u32 v17, $0x7;
	_ =	swait.ge [sflag:s8], $0x800  }
0x10e: {  	v17 =	vbroadcast v17, $0x0;
	[sflag:s8] =	ssyncset.done $0x0  }
0x10f: {  	s22 =	simm.s32 $0x1400;
	[sflag:s8] =	ssyncadd.s32 $0xFFFFF800  }
0x110: {  	v19 =	vor.u32 v0, v17;
	v18 =	vld [tilespmem:s22+$0xFFFFFC00];
	_ =	sdelay $0x4  }
0x111: {  	[tilespmem:v19+s9+$0x0] =	vst.idx.msk $0xffff, v18  }
0x112: {  	v19 =	vor.u32 v2, v17;
	v18 =	vld [tilespmem:s22+$0xFFFFFC10];
	_ =	sdelay $0x4  }
0x113: {  	[tilespmem:v19+s9+$0x0] =	vst.idx.msk $0xffff, v18  }
0x114: {  	v19 =	vor.u32 v3, v17;
	v18 =	vld [tilespmem:s22+$0xFFFFFC20];
	_ =	sdelay $0x4  }
0x115: {  	[tilespmem:v19+s9+$0x0] =	vst.idx.msk $0xffff, v18  }
0x116: {  	v19 =	vor.u32 v4, v17;
	v18 =	vld [tilespmem:s22+$0xFFFFFC30];
	_ =	sdelay $0x4  }
0x117: {  	[tilespmem:v19+s9+$0x0] =	vst.idx.msk $0xffff, v18  }
0x118: {  	v19 =	vor.u32 v5, v17;
	v18 =	vld [tilespmem:s22+$0xFFFFFC40];
	_ =	sdelay $0x4  }
0x119: {  	[tilespmem:v19+s9+$0x0] =	vst.idx.msk $0xffff, v18  }
0x11a: {  	v19 =	vor.u32 v6, v17;
	v18 =	vld [tilespmem:s22+$0xFFFFFC50];
	_ =	sdelay $0x4  }
0x11b: {  	[tilespmem:v19+s9+$0x0] =	vst.idx.msk $0xffff, v18  }
0x11c: {  	v19 =	vor.u32 v7, v17;
	v18 =	vld [tilespmem:s22+$0xFFFFFC60];
	_ =	sdelay $0x4  }
0x11d: {  	[tilespmem:v19+s9+$0x0] =	vst.idx.msk $0xffff, v18  }
0x11e: {  	v19 =	vor.u32 v8, v17;
	v18 =	vld [tilespmem:s22+$0xFFFFFC70];
	_ =	sdelay $0x4  }
0x11f: {  	[tilespmem:v19+s9+$0x0] =	vst.idx.msk $0xffff, v18  }
0x120: {  	v19 =	vor.u32 v9, v17;
	v18 =	vld [tilespmem:s22+$0x0];
	_ =	sdelay $0x4  }
0x121: {  	[tilespmem:v19+s9+$0x0] =	vst.idx.msk $0xffff, v18  }
0x122: {  	v19 =	vor.u32 v10, v17;
	v18 =	vld [tilespmem:s22+$0x10];
	_ =	sdelay $0x4  }
0x123: {  	[tilespmem:v19+s9+$0x0] =	vst.idx.msk $0xffff, v18  }
0x124: {  	v19 =	vor.u32 v11, v17;
	v18 =	vld [tilespmem:s22+$0x20];
	_ =	sdelay $0x4  }
0x125: {  	[tilespmem:v19+s9+$0x0] =	vst.idx.msk $0xffff, v18  }
0x126: {  	v19 =	vor.u32 v12, v17;
	v18 =	vld [tilespmem:s22+$0x30];
	_ =	sdelay $0x4  }
0x127: {  	[tilespmem:v19+s9+$0x0] =	vst.idx.msk $0xffff, v18  }
0x128: {  	v19 =	vor.u32 v13, v17;
	v18 =	vld [tilespmem:s22+$0x40];
	_ =	sdelay $0x4  }
0x129: {  	[tilespmem:v19+s9+$0x0] =	vst.idx.msk $0xffff, v18  }
0x12a: {  	v19 =	vor.u32 v14, v17;
	v18 =	vld [tilespmem:s22+$0x50];
	_ =	sdelay $0x4  }
0x12b: {  	[tilespmem:v19+s9+$0x0] =	vst.idx.msk $0xffff, v18  }
0x12c: {  	v19 =	vor.u32 v15, v17;
	v18 =	vld [tilespmem:s22+$0x60];
	_ =	sdelay $0x4  }
0x12d: {  	[tilespmem:v19+s9+$0x0] =	vst.idx.msk $0xffff, v18  }
0x12e: {  	v19 =	vor.u32 v16, v17;
	v18 =	vld [tilespmem:s22+$0x70]  }
0x12f: {  	s26 =	simm.s32 $0x1  }
0x130: {  	s23 =	simm.s32 $0x2;
	v17 =	vmov s26  }
.LBB2_8:
0x131: {  	p0 =	sne.s32 s23, $0x7;
	v17 =	vshll.u32 v17, $0x7  }
0x132: {  	v17 =	vbroadcast v17, $0x0  }
0x133: {  	s22 =	sadd.s32 $0x80, s22;
	[tilespmem:v19+s9+$0x0] =	vst.idx.msk $0xffff, v18  }
0x134: {  	v18 =	vld [tilespmem:s22+$0xFFFFFC00];
	v19 =	vor.u32 v0, v17;
	_ =	sdelay $0x4  }
0x135: {  	[tilespmem:v19+s9+$0x0] =	vst.idx.msk $0xffff, v18  }
0x136: {  	v19 =	vor.u32 v2, v17;
	v18 =	vld [tilespmem:s22+$0xFFFFFC10];
	_ =	sdelay $0x4  }
0x137: {  	[tilespmem:v19+s9+$0x0] =	vst.idx.msk $0xffff, v18  }
0x138: {  	v19 =	vor.u32 v3, v17;
	v18 =	vld [tilespmem:s22+$0xFFFFFC20];
	_ =	sdelay $0x4  }
0x139: {  	[tilespmem:v19+s9+$0x0] =	vst.idx.msk $0xffff, v18  }
0x13a: {  	v19 =	vor.u32 v4, v17;
	v18 =	vld [tilespmem:s22+$0xFFFFFC30];
	_ =	sdelay $0x4  }
0x13b: {  	[tilespmem:v19+s9+$0x0] =	vst.idx.msk $0xffff, v18  }
0x13c: {  	v19 =	vor.u32 v5, v17;
	v18 =	vld [tilespmem:s22+$0xFFFFFC40];
	_ =	sdelay $0x4  }
0x13d: {  	[tilespmem:v19+s9+$0x0] =	vst.idx.msk $0xffff, v18  }
0x13e: {  	v19 =	vor.u32 v6, v17;
	v18 =	vld [tilespmem:s22+$0xFFFFFC50];
	_ =	sdelay $0x4  }
0x13f: {  	[tilespmem:v19+s9+$0x0] =	vst.idx.msk $0xffff, v18  }
0x140: {  	v19 =	vor.u32 v7, v17;
	v18 =	vld [tilespmem:s22+$0xFFFFFC60];
	_ =	sdelay $0x4  }
0x141: {  	[tilespmem:v19+s9+$0x0] =	vst.idx.msk $0xffff, v18  }
0x142: {  	v19 =	vor.u32 v8, v17;
	v18 =	vld [tilespmem:s22+$0xFFFFFC70];
	_ =	sdelay $0x4  }
0x143: {  	[tilespmem:v19+s9+$0x0] =	vst.idx.msk $0xffff, v18  }
0x144: {  	v19 =	vor.u32 v9, v17;
	v18 =	vld [tilespmem:s22+$0x0];
	_ =	sdelay $0x4  }
0x145: {  	[tilespmem:v19+s9+$0x0] =	vst.idx.msk $0xffff, v18  }
0x146: {  	v19 =	vor.u32 v10, v17;
	v18 =	vld [tilespmem:s22+$0x10];
	_ =	sdelay $0x4  }
0x147: {  	[tilespmem:v19+s9+$0x0] =	vst.idx.msk $0xffff, v18  }
0x148: {  	v19 =	vor.u32 v11, v17;
	v18 =	vld [tilespmem:s22+$0x20];
	_ =	sdelay $0x4  }
0x149: {  	[tilespmem:v19+s9+$0x0] =	vst.idx.msk $0xffff, v18  }
0x14a: {  	v19 =	vor.u32 v12, v17;
	v18 =	vld [tilespmem:s22+$0x30];
	_ =	sdelay $0x4  }
0x14b: {  	[tilespmem:v19+s9+$0x0] =	vst.idx.msk $0xffff, v18  }
0x14c: {  	v19 =	vor.u32 v13, v17;
	v18 =	vld [tilespmem:s22+$0x40];
	_ =	sdelay $0x4  }
0x14d: {  	[tilespmem:v19+s9+$0x0] =	vst.idx.msk $0xffff, v18  }
0x14e: {  	v19 =	vor.u32 v14, v17;
	v18 =	vld [tilespmem:s22+$0x50];
	_ =	sdelay $0x4  }
0x14f: {  	[tilespmem:v19+s9+$0x0] =	vst.idx.msk $0xffff, v18  }
0x150: {  	v19 =	vor.u32 v15, v17;
	v18 =	vld [tilespmem:s22+$0x60];
	_ =	sdelay $0x3  }
.Ltmp3:
0x151: {  	(pc) =	sbr.rel @p0 .LBB2_8-.Ltmp3, $3  }
0x152: {  	[tilespmem:v19+s9+$0x0] =	vst.idx.msk $0xffff, v18  }
0x153: {  	v19 =	vor.u32 v16, v17;
	v18 =	vld [tilespmem:s22+$0x70];
	_ =	sdelay $0x1  }
0x154: {  	v17 =	vmov s23;
	s23 =	sadd.s32 $0x1, s23  }
0x155: {  	_ =	sdelay $0x1  }
0x156: {  	v17 =	vshll.u32 v17, $0x7  }
0x157: {  	v17 =	vbroadcast v17, $0x0  }
0x158: {  	s6 =	sadd.s32 $0x80, s22;
	[tilespmem:v19+s9+$0x0] =	vst.idx.msk $0xffff, v18  }
0x159: {  	v18 =	vld [tilespmem:s6+$0xFFFFFC00];
	v19 =	vor.u32 v0, v17;
	_ =	sdelay $0x4  }
0x15a: {  	[tilespmem:v19+s9+$0x0] =	vst.idx.msk $0xffff, v18  }
0x15b: {  	v19 =	vor.u32 v2, v17;
	v18 =	vld [tilespmem:s6+$0xFFFFFC10];
	_ =	sdelay $0x4  }
0x15c: {  	[tilespmem:v19+s9+$0x0] =	vst.idx.msk $0xffff, v18  }
0x15d: {  	v19 =	vor.u32 v3, v17;
	v18 =	vld [tilespmem:s6+$0xFFFFFC20];
	_ =	sdelay $0x4  }
0x15e: {  	[tilespmem:v19+s9+$0x0] =	vst.idx.msk $0xffff, v18  }
0x15f: {  	v19 =	vor.u32 v4, v17;
	v18 =	vld [tilespmem:s6+$0xFFFFFC30];
	_ =	sdelay $0x4  }
0x160: {  	[tilespmem:v19+s9+$0x0] =	vst.idx.msk $0xffff, v18  }
0x161: {  	v19 =	vor.u32 v5, v17;
	v18 =	vld [tilespmem:s6+$0xFFFFFC40];
	_ =	sdelay $0x4  }
0x162: {  	[tilespmem:v19+s9+$0x0] =	vst.idx.msk $0xffff, v18  }
0x163: {  	v19 =	vor.u32 v6, v17;
	v18 =	vld [tilespmem:s6+$0xFFFFFC50];
	_ =	sdelay $0x4  }
0x164: {  	[tilespmem:v19+s9+$0x0] =	vst.idx.msk $0xffff, v18  }
0x165: {  	v19 =	vor.u32 v7, v17;
	v18 =	vld [tilespmem:s6+$0xFFFFFC60];
	_ =	sdelay $0x4  }
0x166: {  	[tilespmem:v19+s9+$0x0] =	vst.idx.msk $0xffff, v18  }
0x167: {  	v19 =	vor.u32 v8, v17;
	v18 =	vld [tilespmem:s6+$0xFFFFFC70];
	_ =	sdelay $0x4  }
0x168: {  	[tilespmem:v19+s9+$0x0] =	vst.idx.msk $0xffff, v18  }
0x169: {  	v19 =	vor.u32 v9, v17;
	v18 =	vld [tilespmem:s6+$0x0];
	_ =	sdelay $0x4  }
0x16a: {  	[tilespmem:v19+s9+$0x0] =	vst.idx.msk $0xffff, v18  }
0x16b: {  	v19 =	vor.u32 v10, v17;
	v18 =	vld [tilespmem:s6+$0x10];
	_ =	sdelay $0x4  }
0x16c: {  	[tilespmem:v19+s9+$0x0] =	vst.idx.msk $0xffff, v18  }
0x16d: {  	v19 =	vor.u32 v11, v17;
	v18 =	vld [tilespmem:s6+$0x20];
	_ =	sdelay $0x4  }
0x16e: {  	[tilespmem:v19+s9+$0x0] =	vst.idx.msk $0xffff, v18  }
0x16f: {  	v19 =	vor.u32 v12, v17;
	v18 =	vld [tilespmem:s6+$0x30];
	_ =	sdelay $0x4  }
0x170: {  	[tilespmem:v19+s9+$0x0] =	vst.idx.msk $0xffff, v18  }
0x171: {  	v19 =	vor.u32 v13, v17;
	v18 =	vld [tilespmem:s6+$0x40];
	_ =	sdelay $0x4  }
0x172: {  	[tilespmem:v19+s9+$0x0] =	vst.idx.msk $0xffff, v18  }
0x173: {  	v19 =	vor.u32 v14, v17;
	v18 =	vld [tilespmem:s6+$0x50];
	_ =	sdelay $0x4  }
0x174: {  	[tilespmem:v19+s9+$0x0] =	vst.idx.msk $0xffff, v18  }
0x175: {  	v19 =	vor.u32 v15, v17;
	v18 =	vld [tilespmem:s6+$0x60];
	_ =	sdelay $0x4  }
0x176: {  	[tilespmem:v19+s9+$0x0] =	vst.idx.msk $0xffff, v18  }
0x177: {  	v17 =	vor.u32 v16, v17;
	v18 =	vld [tilespmem:s6+$0x70];
	_ =	sdelay $0x4  }
0x178: {  	s23 =	simm.s32 $0x0;
	s24 =	rddreg [dreg:$0xa];
	[tilespmem:v17+s9+$0x0] =	vst.idx.msk $0xffff, v18  }
0x179: {  	[hbm4b:s24+s23] =	stream.linear.scatter [tilespmem:s9], [sflag:$0x7], $0x4000, $0x38;
	[tilespmem:$0x12000] =	vst v63  }
0x17a: {  	s25 =	rddreg [dreg:$0xb]  }
0x17b: {  	v17 =	vmov s23;
	[tilespmem:s29], [sflag:$0x3] =	stream.linear.gather [hbm4b:s25+s23], $0x800, $0x38;
	[tilespmem:$0x12000] =	vst v63  }
0x17c: {  	v17 =	vshll.u32 v17, $0x7;
	_ =	swait.ge [sflag:s11], $0x800  }
0x17d: {  	v17 =	vbroadcast v17, $0x0;
	[sflag:s11] =	ssyncset.done $0x0  }
0x17e: {  	s22 =	simm.s32 $0x1C00;
	[sflag:s11] =	ssyncadd.s32 $0xFFFFF800  }
0x17f: {  	v19 =	vor.u32 v0, v17;
	v18 =	vld [tilespmem:s22+$0xFFFFFC00];
	_ =	sdelay $0x4  }
0x180: {  	[tilespmem:v19+s12+$0x0] =	vst.idx.msk $0xffff, v18  }
0x181: {  	v19 =	vor.u32 v2, v17;
	v18 =	vld [tilespmem:s22+$0xFFFFFC10];
	_ =	sdelay $0x4  }
0x182: {  	[tilespmem:v19+s12+$0x0] =	vst.idx.msk $0xffff, v18  }
0x183: {  	v19 =	vor.u32 v3, v17;
	v18 =	vld [tilespmem:s22+$0xFFFFFC20];
	_ =	sdelay $0x4  }
0x184: {  	[tilespmem:v19+s12+$0x0] =	vst.idx.msk $0xffff, v18  }
0x185: {  	v19 =	vor.u32 v4, v17;
	v18 =	vld [tilespmem:s22+$0xFFFFFC30];
	_ =	sdelay $0x4  }
0x186: {  	[tilespmem:v19+s12+$0x0] =	vst.idx.msk $0xffff, v18  }
0x187: {  	v19 =	vor.u32 v5, v17;
	v18 =	vld [tilespmem:s22+$0xFFFFFC40];
	_ =	sdelay $0x4  }
0x188: {  	[tilespmem:v19+s12+$0x0] =	vst.idx.msk $0xffff, v18  }
0x189: {  	v19 =	vor.u32 v6, v17;
	v18 =	vld [tilespmem:s22+$0xFFFFFC50];
	_ =	sdelay $0x4  }
0x18a: {  	[tilespmem:v19+s12+$0x0] =	vst.idx.msk $0xffff, v18  }
0x18b: {  	v19 =	vor.u32 v7, v17;
	v18 =	vld [tilespmem:s22+$0xFFFFFC60];
	_ =	sdelay $0x4  }
0x18c: {  	[tilespmem:v19+s12+$0x0] =	vst.idx.msk $0xffff, v18  }
0x18d: {  	v19 =	vor.u32 v8, v17;
	v18 =	vld [tilespmem:s22+$0xFFFFFC70];
	_ =	sdelay $0x4  }
0x18e: {  	[tilespmem:v19+s12+$0x0] =	vst.idx.msk $0xffff, v18  }
0x18f: {  	v19 =	vor.u32 v9, v17;
	v18 =	vld [tilespmem:s22+$0x0];
	_ =	sdelay $0x4  }
0x190: {  	[tilespmem:v19+s12+$0x0] =	vst.idx.msk $0xffff, v18  }
0x191: {  	v19 =	vor.u32 v10, v17;
	v18 =	vld [tilespmem:s22+$0x10];
	_ =	sdelay $0x4  }
0x192: {  	[tilespmem:v19+s12+$0x0] =	vst.idx.msk $0xffff, v18  }
0x193: {  	v19 =	vor.u32 v11, v17;
	v18 =	vld [tilespmem:s22+$0x20];
	_ =	sdelay $0x4  }
0x194: {  	[tilespmem:v19+s12+$0x0] =	vst.idx.msk $0xffff, v18  }
0x195: {  	v19 =	vor.u32 v12, v17;
	v18 =	vld [tilespmem:s22+$0x30];
	_ =	sdelay $0x4  }
0x196: {  	[tilespmem:v19+s12+$0x0] =	vst.idx.msk $0xffff, v18  }
0x197: {  	v19 =	vor.u32 v13, v17;
	v18 =	vld [tilespmem:s22+$0x40];
	_ =	sdelay $0x4  }
0x198: {  	[tilespmem:v19+s12+$0x0] =	vst.idx.msk $0xffff, v18  }
0x199: {  	v19 =	vor.u32 v14, v17;
	v18 =	vld [tilespmem:s22+$0x50];
	_ =	sdelay $0x4  }
0x19a: {  	[tilespmem:v19+s12+$0x0] =	vst.idx.msk $0xffff, v18  }
0x19b: {  	v19 =	vor.u32 v15, v17;
	v18 =	vld [tilespmem:s22+$0x60];
	_ =	sdelay $0x4  }
0x19c: {  	[tilespmem:v19+s12+$0x0] =	vst.idx.msk $0xffff, v18  }
0x19d: {  	v19 =	vor.u32 v16, v17;
	v18 =	vld [tilespmem:s22+$0x70]  }
0x19e: {  	s26 =	simm.s32 $0x1  }
0x19f: {  	s23 =	simm.s32 $0x2;
	v17 =	vmov s26  }
.LBB2_10:
0x1a0: {  	p0 =	sne.s32 s23, $0x7;
	v17 =	vshll.u32 v17, $0x7  }
0x1a1: {  	v17 =	vbroadcast v17, $0x0  }
0x1a2: {  	s22 =	sadd.s32 $0x80, s22;
	[tilespmem:v19+s12+$0x0] =	vst.idx.msk $0xffff, v18  }
0x1a3: {  	v18 =	vld [tilespmem:s22+$0xFFFFFC00];
	v19 =	vor.u32 v0, v17;
	_ =	sdelay $0x4  }
0x1a4: {  	[tilespmem:v19+s12+$0x0] =	vst.idx.msk $0xffff, v18  }
0x1a5: {  	v19 =	vor.u32 v2, v17;
	v18 =	vld [tilespmem:s22+$0xFFFFFC10];
	_ =	sdelay $0x4  }
0x1a6: {  	[tilespmem:v19+s12+$0x0] =	vst.idx.msk $0xffff, v18  }
0x1a7: {  	v19 =	vor.u32 v3, v17;
	v18 =	vld [tilespmem:s22+$0xFFFFFC20];
	_ =	sdelay $0x4  }
0x1a8: {  	[tilespmem:v19+s12+$0x0] =	vst.idx.msk $0xffff, v18  }
0x1a9: {  	v19 =	vor.u32 v4, v17;
	v18 =	vld [tilespmem:s22+$0xFFFFFC30];
	_ =	sdelay $0x4  }
0x1aa: {  	[tilespmem:v19+s12+$0x0] =	vst.idx.msk $0xffff, v18  }
0x1ab: {  	v19 =	vor.u32 v5, v17;
	v18 =	vld [tilespmem:s22+$0xFFFFFC40];
	_ =	sdelay $0x4  }
0x1ac: {  	[tilespmem:v19+s12+$0x0] =	vst.idx.msk $0xffff, v18  }
0x1ad: {  	v19 =	vor.u32 v6, v17;
	v18 =	vld [tilespmem:s22+$0xFFFFFC50];
	_ =	sdelay $0x4  }
0x1ae: {  	[tilespmem:v19+s12+$0x0] =	vst.idx.msk $0xffff, v18  }
0x1af: {  	v19 =	vor.u32 v7, v17;
	v18 =	vld [tilespmem:s22+$0xFFFFFC60];
	_ =	sdelay $0x4  }
0x1b0: {  	[tilespmem:v19+s12+$0x0] =	vst.idx.msk $0xffff, v18  }
0x1b1: {  	v19 =	vor.u32 v8, v17;
	v18 =	vld [tilespmem:s22+$0xFFFFFC70];
	_ =	sdelay $0x4  }
0x1b2: {  	[tilespmem:v19+s12+$0x0] =	vst.idx.msk $0xffff, v18  }
0x1b3: {  	v19 =	vor.u32 v9, v17;
	v18 =	vld [tilespmem:s22+$0x0];
	_ =	sdelay $0x4  }
0x1b4: {  	[tilespmem:v19+s12+$0x0] =	vst.idx.msk $0xffff, v18  }
0x1b5: {  	v19 =	vor.u32 v10, v17;
	v18 =	vld [tilespmem:s22+$0x10];
	_ =	sdelay $0x4  }
0x1b6: {  	[tilespmem:v19+s12+$0x0] =	vst.idx.msk $0xffff, v18  }
0x1b7: {  	v19 =	vor.u32 v11, v17;
	v18 =	vld [tilespmem:s22+$0x20];
	_ =	sdelay $0x4  }
0x1b8: {  	[tilespmem:v19+s12+$0x0] =	vst.idx.msk $0xffff, v18  }
0x1b9: {  	v19 =	vor.u32 v12, v17;
	v18 =	vld [tilespmem:s22+$0x30];
	_ =	sdelay $0x4  }
0x1ba: {  	[tilespmem:v19+s12+$0x0] =	vst.idx.msk $0xffff, v18  }
0x1bb: {  	v19 =	vor.u32 v13, v17;
	v18 =	vld [tilespmem:s22+$0x40];
	_ =	sdelay $0x4  }
0x1bc: {  	[tilespmem:v19+s12+$0x0] =	vst.idx.msk $0xffff, v18  }
0x1bd: {  	v19 =	vor.u32 v14, v17;
	v18 =	vld [tilespmem:s22+$0x50];
	_ =	sdelay $0x4  }
0x1be: {  	[tilespmem:v19+s12+$0x0] =	vst.idx.msk $0xffff, v18  }
0x1bf: {  	v19 =	vor.u32 v15, v17;
	v18 =	vld [tilespmem:s22+$0x60];
	_ =	sdelay $0x3  }
.Ltmp4:
0x1c0: {  	(pc) =	sbr.rel @p0 .LBB2_10-.Ltmp4, $3  }
0x1c1: {  	[tilespmem:v19+s12+$0x0] =	vst.idx.msk $0xffff, v18  }
0x1c2: {  	v19 =	vor.u32 v16, v17;
	v18 =	vld [tilespmem:s22+$0x70];
	_ =	sdelay $0x1  }
0x1c3: {  	v17 =	vmov s23;
	s23 =	sadd.s32 $0x1, s23  }
0x1c4: {  	_ =	sdelay $0x1  }
0x1c5: {  	v17 =	vshll.u32 v17, $0x7  }
0x1c6: {  	v17 =	vbroadcast v17, $0x0  }
0x1c7: {  	s6 =	sadd.s32 $0x80, s22;
	[tilespmem:v19+s12+$0x0] =	vst.idx.msk $0xffff, v18  }
0x1c8: {  	v18 =	vld [tilespmem:s6+$0xFFFFFC00];
	v19 =	vor.u32 v0, v17;
	_ =	sdelay $0x4  }
0x1c9: {  	[tilespmem:v19+s12+$0x0] =	vst.idx.msk $0xffff, v18  }
0x1ca: {  	v19 =	vor.u32 v2, v17;
	v18 =	vld [tilespmem:s6+$0xFFFFFC10];
	_ =	sdelay $0x4  }
0x1cb: {  	[tilespmem:v19+s12+$0x0] =	vst.idx.msk $0xffff, v18  }
0x1cc: {  	v19 =	vor.u32 v3, v17;
	v18 =	vld [tilespmem:s6+$0xFFFFFC20];
	_ =	sdelay $0x4  }
0x1cd: {  	[tilespmem:v19+s12+$0x0] =	vst.idx.msk $0xffff, v18  }
0x1ce: {  	v19 =	vor.u32 v4, v17;
	v18 =	vld [tilespmem:s6+$0xFFFFFC30];
	_ =	sdelay $0x4  }
0x1cf: {  	[tilespmem:v19+s12+$0x0] =	vst.idx.msk $0xffff, v18  }
0x1d0: {  	v19 =	vor.u32 v5, v17;
	v18 =	vld [tilespmem:s6+$0xFFFFFC40];
	_ =	sdelay $0x4  }
0x1d1: {  	[tilespmem:v19+s12+$0x0] =	vst.idx.msk $0xffff, v18  }
0x1d2: {  	v19 =	vor.u32 v6, v17;
	v18 =	vld [tilespmem:s6+$0xFFFFFC50];
	_ =	sdelay $0x4  }
0x1d3: {  	[tilespmem:v19+s12+$0x0] =	vst.idx.msk $0xffff, v18  }
0x1d4: {  	v19 =	vor.u32 v7, v17;
	v18 =	vld [tilespmem:s6+$0xFFFFFC60];
	_ =	sdelay $0x4  }
0x1d5: {  	[tilespmem:v19+s12+$0x0] =	vst.idx.msk $0xffff, v18  }
0x1d6: {  	v19 =	vor.u32 v8, v17;
	v18 =	vld [tilespmem:s6+$0xFFFFFC70];
	_ =	sdelay $0x4  }
0x1d7: {  	[tilespmem:v19+s12+$0x0] =	vst.idx.msk $0xffff, v18  }
0x1d8: {  	v19 =	vor.u32 v9, v17;
	v18 =	vld [tilespmem:s6+$0x0];
	_ =	sdelay $0x4  }
0x1d9: {  	[tilespmem:v19+s12+$0x0] =	vst.idx.msk $0xffff, v18  }
0x1da: {  	v19 =	vor.u32 v10, v17;
	v18 =	vld [tilespmem:s6+$0x10];
	_ =	sdelay $0x4  }
0x1db: {  	[tilespmem:v19+s12+$0x0] =	vst.idx.msk $0xffff, v18  }
0x1dc: {  	v19 =	vor.u32 v11, v17;
	v18 =	vld [tilespmem:s6+$0x20];
	_ =	sdelay $0x4  }
0x1dd: {  	[tilespmem:v19+s12+$0x0] =	vst.idx.msk $0xffff, v18  }
0x1de: {  	v19 =	vor.u32 v12, v17;
	v18 =	vld [tilespmem:s6+$0x30];
	_ =	sdelay $0x4  }
0x1df: {  	[tilespmem:v19+s12+$0x0] =	vst.idx.msk $0xffff, v18  }
0x1e0: {  	v19 =	vor.u32 v13, v17;
	v18 =	vld [tilespmem:s6+$0x40];
	_ =	sdelay $0x4  }
0x1e1: {  	[tilespmem:v19+s12+$0x0] =	vst.idx.msk $0xffff, v18  }
0x1e2: {  	v19 =	vor.u32 v14, v17;
	v18 =	vld [tilespmem:s6+$0x50];
	_ =	sdelay $0x4  }
0x1e3: {  	[tilespmem:v19+s12+$0x0] =	vst.idx.msk $0xffff, v18  }
0x1e4: {  	v19 =	vor.u32 v15, v17;
	v18 =	vld [tilespmem:s6+$0x60];
	_ =	sdelay $0x4  }
0x1e5: {  	[tilespmem:v19+s12+$0x0] =	vst.idx.msk $0xffff, v18  }
0x1e6: {  	v17 =	vor.u32 v16, v17;
	v18 =	vld [tilespmem:s6+$0x70];
	_ =	sdelay $0x4  }
0x1e7: {  	s25 =	rddreg [dreg:$0xc];
	[tilespmem:v17+s12+$0x0] =	vst.idx.msk $0xffff, v18  }
0x1e8: {  	[hbm4b:s25+s4] =	stream.linear.scatter [tilespmem:s12], [sflag:$0x8], $0x4000, $0x38;
	[tilespmem:$0x12000] =	vst v63  }
0x1e9: {  	s26 =	rddreg [dreg:$0xd];
	s22 =	simm.s32 $0x1  }
0x1ea: {  	[tilespmem:s30], [sflag:$0x4] =	stream.linear.gather [hbm4b:s26+s4], $0x800, $0x38;
	[tilespmem:$0x12000] =	vst v63  }
.LBB2_12:
0x1eb: {  	_ =	swait.ge [sflag:s31], $0x800  }
0x1ec: {  	s6 =	simm.s32 $0x0;
	[sflag:s31] =	ssyncset.done $0x0  }
0x1ed: {  	v17 =	vmov s6;
	[sflag:s31] =	ssyncadd.s32 $0xFFFFF800  }
0x1ee: {  	v17 =	vshll.u32 v17, $0x7;
	_ =	swait.ge [sflag:s13], $0x4000  }
0x1ef: {  	v17 =	vbroadcast v17, $0x0;
	[sflag:s13] =	ssyncset.done $0x0  }
0x1f0: {  	s23 =	simm.s32 $0x400;
	[sflag:s13] =	ssyncadd.s32 $0xFFFFC000  }
0x1f1: {  	v19 =	vor.u32 v0, v17;
	v18 =	vld [tilespmem:s23+$0xFFFFFC00];
	_ =	sdelay $0x4  }
0x1f2: {  	[tilespmem:v19+s0+$0x0] =	vst.idx.msk $0xffff, v18  }
0x1f3: {  	v19 =	vor.u32 v2, v17;
	v18 =	vld [tilespmem:s23+$0xFFFFFC10];
	_ =	sdelay $0x4  }
0x1f4: {  	[tilespmem:v19+s0+$0x0] =	vst.idx.msk $0xffff, v18  }
0x1f5: {  	v19 =	vor.u32 v3, v17;
	v18 =	vld [tilespmem:s23+$0xFFFFFC20];
	_ =	sdelay $0x4  }
0x1f6: {  	[tilespmem:v19+s0+$0x0] =	vst.idx.msk $0xffff, v18  }
0x1f7: {  	v19 =	vor.u32 v4, v17;
	v18 =	vld [tilespmem:s23+$0xFFFFFC30];
	_ =	sdelay $0x4  }
0x1f8: {  	[tilespmem:v19+s0+$0x0] =	vst.idx.msk $0xffff, v18  }
0x1f9: {  	v19 =	vor.u32 v5, v17;
	v18 =	vld [tilespmem:s23+$0xFFFFFC40];
	_ =	sdelay $0x4  }
0x1fa: {  	[tilespmem:v19+s0+$0x0] =	vst.idx.msk $0xffff, v18  }
0x1fb: {  	v19 =	vor.u32 v6, v17;
	v18 =	vld [tilespmem:s23+$0xFFFFFC50];
	_ =	sdelay $0x4  }
0x1fc: {  	[tilespmem:v19+s0+$0x0] =	vst.idx.msk $0xffff, v18  }
0x1fd: {  	v19 =	vor.u32 v7, v17;
	v18 =	vld [tilespmem:s23+$0xFFFFFC60];
	_ =	sdelay $0x4  }
0x1fe: {  	[tilespmem:v19+s0+$0x0] =	vst.idx.msk $0xffff, v18  }
0x1ff: {  	v19 =	vor.u32 v8, v17;
	v18 =	vld [tilespmem:s23+$0xFFFFFC70];
	_ =	sdelay $0x4  }
0x200: {  	[tilespmem:v19+s0+$0x0] =	vst.idx.msk $0xffff, v18  }
0x201: {  	v19 =	vor.u32 v9, v17;
	v18 =	vld [tilespmem:s23+$0x0];
	_ =	sdelay $0x4  }
0x202: {  	[tilespmem:v19+s0+$0x0] =	vst.idx.msk $0xffff, v18  }
0x203: {  	v19 =	vor.u32 v10, v17;
	v18 =	vld [tilespmem:s23+$0x10];
	_ =	sdelay $0x4  }
0x204: {  	[tilespmem:v19+s0+$0x0] =	vst.idx.msk $0xffff, v18  }
0x205: {  	v19 =	vor.u32 v11, v17;
	v18 =	vld [tilespmem:s23+$0x20];
	_ =	sdelay $0x4  }
0x206: {  	[tilespmem:v19+s0+$0x0] =	vst.idx.msk $0xffff, v18  }
0x207: {  	v19 =	vor.u32 v12, v17;
	v18 =	vld [tilespmem:s23+$0x30];
	_ =	sdelay $0x4  }
0x208: {  	[tilespmem:v19+s0+$0x0] =	vst.idx.msk $0xffff, v18  }
0x209: {  	v19 =	vor.u32 v13, v17;
	v18 =	vld [tilespmem:s23+$0x40];
	_ =	sdelay $0x4  }
0x20a: {  	[tilespmem:v19+s0+$0x0] =	vst.idx.msk $0xffff, v18  }
0x20b: {  	v19 =	vor.u32 v14, v17;
	v18 =	vld [tilespmem:s23+$0x50];
	_ =	sdelay $0x4  }
0x20c: {  	[tilespmem:v19+s0+$0x0] =	vst.idx.msk $0xffff, v18  }
0x20d: {  	v19 =	vor.u32 v15, v17;
	v18 =	vld [tilespmem:s23+$0x60];
	_ =	sdelay $0x4  }
0x20e: {  	[tilespmem:v19+s0+$0x0] =	vst.idx.msk $0xffff, v18  }
0x20f: {  	v19 =	vor.u32 v16, v17;
	v18 =	vld [tilespmem:s23+$0x70]  }
0x210: {  	s26 =	simm.s32 $0x1  }
0x211: {  	s24 =	simm.s32 $0x2;
	v17 =	vmov s26  }
.LBB2_13:
0x212: {  	p0 =	sne.s32 s24, $0x7;
	v17 =	vshll.u32 v17, $0x7  }
0x213: {  	v17 =	vbroadcast v17, $0x0  }
0x214: {  	s23 =	sadd.s32 $0x80, s23;
	[tilespmem:v19+s0+$0x0] =	vst.idx.msk $0xffff, v18  }
0x215: {  	v18 =	vld [tilespmem:s23+$0xFFFFFC00];
	v19 =	vor.u32 v0, v17;
	_ =	sdelay $0x4  }
0x216: {  	[tilespmem:v19+s0+$0x0] =	vst.idx.msk $0xffff, v18  }
0x217: {  	v19 =	vor.u32 v2, v17;
	v18 =	vld [tilespmem:s23+$0xFFFFFC10];
	_ =	sdelay $0x4  }
0x218: {  	[tilespmem:v19+s0+$0x0] =	vst.idx.msk $0xffff, v18  }
0x219: {  	v19 =	vor.u32 v3, v17;
	v18 =	vld [tilespmem:s23+$0xFFFFFC20];
	_ =	sdelay $0x4  }
0x21a: {  	[tilespmem:v19+s0+$0x0] =	vst.idx.msk $0xffff, v18  }
0x21b: {  	v19 =	vor.u32 v4, v17;
	v18 =	vld [tilespmem:s23+$0xFFFFFC30];
	_ =	sdelay $0x4  }
0x21c: {  	[tilespmem:v19+s0+$0x0] =	vst.idx.msk $0xffff, v18  }
0x21d: {  	v19 =	vor.u32 v5, v17;
	v18 =	vld [tilespmem:s23+$0xFFFFFC40];
	_ =	sdelay $0x4  }
0x21e: {  	[tilespmem:v19+s0+$0x0] =	vst.idx.msk $0xffff, v18  }
0x21f: {  	v19 =	vor.u32 v6, v17;
	v18 =	vld [tilespmem:s23+$0xFFFFFC50];
	_ =	sdelay $0x4  }
0x220: {  	[tilespmem:v19+s0+$0x0] =	vst.idx.msk $0xffff, v18  }
0x221: {  	v19 =	vor.u32 v7, v17;
	v18 =	vld [tilespmem:s23+$0xFFFFFC60];
	_ =	sdelay $0x4  }
0x222: {  	[tilespmem:v19+s0+$0x0] =	vst.idx.msk $0xffff, v18  }
0x223: {  	v19 =	vor.u32 v8, v17;
	v18 =	vld [tilespmem:s23+$0xFFFFFC70];
	_ =	sdelay $0x4  }
0x224: {  	[tilespmem:v19+s0+$0x0] =	vst.idx.msk $0xffff, v18  }
0x225: {  	v19 =	vor.u32 v9, v17;
	v18 =	vld [tilespmem:s23+$0x0];
	_ =	sdelay $0x4  }
0x226: {  	[tilespmem:v19+s0+$0x0] =	vst.idx.msk $0xffff, v18  }
0x227: {  	v19 =	vor.u32 v10, v17;
	v18 =	vld [tilespmem:s23+$0x10];
	_ =	sdelay $0x4  }
0x228: {  	[tilespmem:v19+s0+$0x0] =	vst.idx.msk $0xffff, v18  }
0x229: {  	v19 =	vor.u32 v11, v17;
	v18 =	vld [tilespmem:s23+$0x20];
	_ =	sdelay $0x4  }
0x22a: {  	[tilespmem:v19+s0+$0x0] =	vst.idx.msk $0xffff, v18  }
0x22b: {  	v19 =	vor.u32 v12, v17;
	v18 =	vld [tilespmem:s23+$0x30];
	_ =	sdelay $0x4  }
0x22c: {  	[tilespmem:v19+s0+$0x0] =	vst.idx.msk $0xffff, v18  }
0x22d: {  	v19 =	vor.u32 v13, v17;
	v18 =	vld [tilespmem:s23+$0x40];
	_ =	sdelay $0x4  }
0x22e: {  	[tilespmem:v19+s0+$0x0] =	vst.idx.msk $0xffff, v18  }
0x22f: {  	v19 =	vor.u32 v14, v17;
	v18 =	vld [tilespmem:s23+$0x50];
	_ =	sdelay $0x4  }
0x230: {  	[tilespmem:v19+s0+$0x0] =	vst.idx.msk $0xffff, v18  }
0x231: {  	v19 =	vor.u32 v15, v17;
	v18 =	vld [tilespmem:s23+$0x60];
	_ =	sdelay $0x3  }
.Ltmp5:
0x232: {  	(pc) =	sbr.rel @p0 .LBB2_13-.Ltmp5, $3  }
0x233: {  	[tilespmem:v19+s0+$0x0] =	vst.idx.msk $0xffff, v18  }
0x234: {  	v19 =	vor.u32 v16, v17;
	v18 =	vld [tilespmem:s23+$0x70];
	_ =	sdelay $0x1  }
0x235: {  	v17 =	vmov s24;
	s24 =	sadd.s32 $0x1, s24  }
0x236: {  	_ =	sdelay $0x1  }
0x237: {  	v17 =	vshll.u32 v17, $0x7  }
0x238: {  	v17 =	vbroadcast v17, $0x0  }
0x239: {  	s6 =	sadd.s32 $0x80, s23;
	[tilespmem:v19+s0+$0x0] =	vst.idx.msk $0xffff, v18  }
0x23a: {  	v18 =	vld [tilespmem:s6+$0xFFFFFC00];
	v19 =	vor.u32 v0, v17;
	_ =	sdelay $0x4  }
0x23b: {  	[tilespmem:v19+s0+$0x0] =	vst.idx.msk $0xffff, v18  }
0x23c: {  	v19 =	vor.u32 v2, v17;
	v18 =	vld [tilespmem:s6+$0xFFFFFC10];
	_ =	sdelay $0x4  }
0x23d: {  	[tilespmem:v19+s0+$0x0] =	vst.idx.msk $0xffff, v18  }
0x23e: {  	v19 =	vor.u32 v3, v17;
	v18 =	vld [tilespmem:s6+$0xFFFFFC20];
	_ =	sdelay $0x4  }
0x23f: {  	[tilespmem:v19+s0+$0x0] =	vst.idx.msk $0xffff, v18  }
0x240: {  	v19 =	vor.u32 v4, v17;
	v18 =	vld [tilespmem:s6+$0xFFFFFC30];
	_ =	sdelay $0x4  }
0x241: {  	[tilespmem:v19+s0+$0x0] =	vst.idx.msk $0xffff, v18  }
0x242: {  	v19 =	vor.u32 v5, v17;
	v18 =	vld [tilespmem:s6+$0xFFFFFC40];
	_ =	sdelay $0x4  }
0x243: {  	[tilespmem:v19+s0+$0x0] =	vst.idx.msk $0xffff, v18  }
0x244: {  	v19 =	vor.u32 v6, v17;
	v18 =	vld [tilespmem:s6+$0xFFFFFC50];
	_ =	sdelay $0x4  }
0x245: {  	[tilespmem:v19+s0+$0x0] =	vst.idx.msk $0xffff, v18  }
0x246: {  	v19 =	vor.u32 v7, v17;
	v18 =	vld [tilespmem:s6+$0xFFFFFC60];
	_ =	sdelay $0x4  }
0x247: {  	[tilespmem:v19+s0+$0x0] =	vst.idx.msk $0xffff, v18  }
0x248: {  	v19 =	vor.u32 v8, v17;
	v18 =	vld [tilespmem:s6+$0xFFFFFC70];
	_ =	sdelay $0x4  }
0x249: {  	[tilespmem:v19+s0+$0x0] =	vst.idx.msk $0xffff, v18  }
0x24a: {  	v19 =	vor.u32 v9, v17;
	v18 =	vld [tilespmem:s6+$0x0];
	_ =	sdelay $0x4  }
0x24b: {  	[tilespmem:v19+s0+$0x0] =	vst.idx.msk $0xffff, v18  }
0x24c: {  	v19 =	vor.u32 v10, v17;
	v18 =	vld [tilespmem:s6+$0x10];
	_ =	sdelay $0x4  }
0x24d: {  	[tilespmem:v19+s0+$0x0] =	vst.idx.msk $0xffff, v18  }
0x24e: {  	v19 =	vor.u32 v11, v17;
	v18 =	vld [tilespmem:s6+$0x20];
	_ =	sdelay $0x4  }
0x24f: {  	[tilespmem:v19+s0+$0x0] =	vst.idx.msk $0xffff, v18  }
0x250: {  	v19 =	vor.u32 v12, v17;
	v18 =	vld [tilespmem:s6+$0x30];
	_ =	sdelay $0x4  }
0x251: {  	[tilespmem:v19+s0+$0x0] =	vst.idx.msk $0xffff, v18  }
0x252: {  	v19 =	vor.u32 v13, v17;
	v18 =	vld [tilespmem:s6+$0x40];
	_ =	sdelay $0x4  }
0x253: {  	[tilespmem:v19+s0+$0x0] =	vst.idx.msk $0xffff, v18  }
0x254: {  	v19 =	vor.u32 v14, v17;
	v18 =	vld [tilespmem:s6+$0x50];
	_ =	sdelay $0x4  }
0x255: {  	[tilespmem:v19+s0+$0x0] =	vst.idx.msk $0xffff, v18  }
0x256: {  	v19 =	vor.u32 v15, v17;
	v18 =	vld [tilespmem:s6+$0x60];
	_ =	sdelay $0x4  }
0x257: {  	[tilespmem:v19+s0+$0x0] =	vst.idx.msk $0xffff, v18  }
0x258: {  	v17 =	vor.u32 v16, v17;
	v18 =	vld [tilespmem:s6+$0x70];
	_ =	sdelay $0x3  }
0x259: {  	s24 =	sshll.u32 s22, $0xD;
	s23 =	sshll.u32 s22, $0x5  }
0x25a: {  	s25 =	sadd.s32 s23, s18;
	s6 =	sadd.s32 s24, s10;
	s24 =	simm.s32 $0x0;
	[tilespmem:v17+s0+$0x0] =	vst.idx.msk $0xffff, v18  }
0x25b: {  	[hbm4b:s6+s24] =	stream.linear.scatter [tilespmem:s0], [sflag:$0x5], $0x4000, $0x38;
	[tilespmem:$0x12000] =	vst v63  }
0x25c: {  	s6 =	sshll.u32 s25, $0x5  }
0x25d: {  	s6 =	sadd.s32 s1, s6  }
0x25e: {  	[tilespmem:s24], [sflag:$0x1] =	stream.linear.gather [hbm4b:s6+s24], $0x800, $0x38;
	[tilespmem:$0x12000] =	vst v63  }
0x25f: {  	_ =	swait.ge [sflag:s2], $0x800  }
0x260: {  	[sflag:s2] =	ssyncset.done $0x0  }
0x261: {  	v17 =	vmov s24;
	[sflag:s2] =	ssyncadd.s32 $0xFFFFF800  }
0x262: {  	v17 =	vshll.u32 v17, $0x7;
	_ =	swait.ge [sflag:s14], $0x4000  }
0x263: {  	v17 =	vbroadcast v17, $0x0;
	[sflag:s14] =	ssyncset.done $0x0  }
0x264: {  	s24 =	simm.s32 $0xC00;
	[sflag:s14] =	ssyncadd.s32 $0xFFFFC000  }
0x265: {  	v19 =	vor.u32 v0, v17;
	v18 =	vld [tilespmem:s24+$0xFFFFFC00];
	_ =	sdelay $0x4  }
0x266: {  	[tilespmem:v19+s7+$0x0] =	vst.idx.msk $0xffff, v18  }
0x267: {  	v19 =	vor.u32 v2, v17;
	v18 =	vld [tilespmem:s24+$0xFFFFFC10];
	_ =	sdelay $0x4  }
0x268: {  	[tilespmem:v19+s7+$0x0] =	vst.idx.msk $0xffff, v18  }
0x269: {  	v19 =	vor.u32 v3, v17;
	v18 =	vld [tilespmem:s24+$0xFFFFFC20];
	_ =	sdelay $0x4  }
0x26a: {  	[tilespmem:v19+s7+$0x0] =	vst.idx.msk $0xffff, v18  }
0x26b: {  	v19 =	vor.u32 v4, v17;
	v18 =	vld [tilespmem:s24+$0xFFFFFC30];
	_ =	sdelay $0x4  }
0x26c: {  	[tilespmem:v19+s7+$0x0] =	vst.idx.msk $0xffff, v18  }
0x26d: {  	v19 =	vor.u32 v5, v17;
	v18 =	vld [tilespmem:s24+$0xFFFFFC40];
	_ =	sdelay $0x4  }
0x26e: {  	[tilespmem:v19+s7+$0x0] =	vst.idx.msk $0xffff, v18  }
0x26f: {  	v19 =	vor.u32 v6, v17;
	v18 =	vld [tilespmem:s24+$0xFFFFFC50];
	_ =	sdelay $0x4  }
0x270: {  	[tilespmem:v19+s7+$0x0] =	vst.idx.msk $0xffff, v18  }
0x271: {  	v19 =	vor.u32 v7, v17;
	v18 =	vld [tilespmem:s24+$0xFFFFFC60];
	_ =	sdelay $0x4  }
0x272: {  	[tilespmem:v19+s7+$0x0] =	vst.idx.msk $0xffff, v18  }
0x273: {  	v19 =	vor.u32 v8, v17;
	v18 =	vld [tilespmem:s24+$0xFFFFFC70];
	_ =	sdelay $0x4  }
0x274: {  	[tilespmem:v19+s7+$0x0] =	vst.idx.msk $0xffff, v18  }
0x275: {  	v19 =	vor.u32 v9, v17;
	v18 =	vld [tilespmem:s24+$0x0];
	_ =	sdelay $0x4  }
0x276: {  	[tilespmem:v19+s7+$0x0] =	vst.idx.msk $0xffff, v18  }
0x277: {  	v19 =	vor.u32 v10, v17;
	v18 =	vld [tilespmem:s24+$0x10];
	_ =	sdelay $0x4  }
0x278: {  	[tilespmem:v19+s7+$0x0] =	vst.idx.msk $0xffff, v18  }
0x279: {  	v19 =	vor.u32 v11, v17;
	v18 =	vld [tilespmem:s24+$0x20];
	_ =	sdelay $0x4  }
0x27a: {  	[tilespmem:v19+s7+$0x0] =	vst.idx.msk $0xffff, v18  }
0x27b: {  	v19 =	vor.u32 v12, v17;
	v18 =	vld [tilespmem:s24+$0x30];
	_ =	sdelay $0x4  }
0x27c: {  	[tilespmem:v19+s7+$0x0] =	vst.idx.msk $0xffff, v18  }
0x27d: {  	v19 =	vor.u32 v13, v17;
	v18 =	vld [tilespmem:s24+$0x40];
	_ =	sdelay $0x4  }
0x27e: {  	[tilespmem:v19+s7+$0x0] =	vst.idx.msk $0xffff, v18  }
0x27f: {  	v19 =	vor.u32 v14, v17;
	v18 =	vld [tilespmem:s24+$0x50];
	_ =	sdelay $0x4  }
0x280: {  	[tilespmem:v19+s7+$0x0] =	vst.idx.msk $0xffff, v18  }
0x281: {  	v19 =	vor.u32 v15, v17;
	v18 =	vld [tilespmem:s24+$0x60];
	_ =	sdelay $0x4  }
0x282: {  	[tilespmem:v19+s7+$0x0] =	vst.idx.msk $0xffff, v18  }
0x283: {  	v19 =	vor.u32 v16, v17;
	v18 =	vld [tilespmem:s24+$0x70]  }
0x284: {  	s26 =	simm.s32 $0x1  }
0x285: {  	s25 =	simm.s32 $0x2;
	v17 =	vmov s26  }
.LBB2_15:
0x286: {  	p0 =	sne.s32 s25, $0x7;
	v17 =	vshll.u32 v17, $0x7  }
0x287: {  	v17 =	vbroadcast v17, $0x0  }
0x288: {  	s24 =	sadd.s32 $0x80, s24;
	[tilespmem:v19+s7+$0x0] =	vst.idx.msk $0xffff, v18  }
0x289: {  	v18 =	vld [tilespmem:s24+$0xFFFFFC00];
	v19 =	vor.u32 v0, v17;
	_ =	sdelay $0x4  }
0x28a: {  	[tilespmem:v19+s7+$0x0] =	vst.idx.msk $0xffff, v18  }
0x28b: {  	v19 =	vor.u32 v2, v17;
	v18 =	vld [tilespmem:s24+$0xFFFFFC10];
	_ =	sdelay $0x4  }
0x28c: {  	[tilespmem:v19+s7+$0x0] =	vst.idx.msk $0xffff, v18  }
0x28d: {  	v19 =	vor.u32 v3, v17;
	v18 =	vld [tilespmem:s24+$0xFFFFFC20];
	_ =	sdelay $0x4  }
0x28e: {  	[tilespmem:v19+s7+$0x0] =	vst.idx.msk $0xffff, v18  }
0x28f: {  	v19 =	vor.u32 v4, v17;
	v18 =	vld [tilespmem:s24+$0xFFFFFC30];
	_ =	sdelay $0x4  }
0x290: {  	[tilespmem:v19+s7+$0x0] =	vst.idx.msk $0xffff, v18  }
0x291: {  	v19 =	vor.u32 v5, v17;
	v18 =	vld [tilespmem:s24+$0xFFFFFC40];
	_ =	sdelay $0x4  }
0x292: {  	[tilespmem:v19+s7+$0x0] =	vst.idx.msk $0xffff, v18  }
0x293: {  	v19 =	vor.u32 v6, v17;
	v18 =	vld [tilespmem:s24+$0xFFFFFC50];
	_ =	sdelay $0x4  }
0x294: {  	[tilespmem:v19+s7+$0x0] =	vst.idx.msk $0xffff, v18  }
0x295: {  	v19 =	vor.u32 v7, v17;
	v18 =	vld [tilespmem:s24+$0xFFFFFC60];
	_ =	sdelay $0x4  }
0x296: {  	[tilespmem:v19+s7+$0x0] =	vst.idx.msk $0xffff, v18  }
0x297: {  	v19 =	vor.u32 v8, v17;
	v18 =	vld [tilespmem:s24+$0xFFFFFC70];
	_ =	sdelay $0x4  }
0x298: {  	[tilespmem:v19+s7+$0x0] =	vst.idx.msk $0xffff, v18  }
0x299: {  	v19 =	vor.u32 v9, v17;
	v18 =	vld [tilespmem:s24+$0x0];
	_ =	sdelay $0x4  }
0x29a: {  	[tilespmem:v19+s7+$0x0] =	vst.idx.msk $0xffff, v18  }
0x29b: {  	v19 =	vor.u32 v10, v17;
	v18 =	vld [tilespmem:s24+$0x10];
	_ =	sdelay $0x4  }
0x29c: {  	[tilespmem:v19+s7+$0x0] =	vst.idx.msk $0xffff, v18  }
0x29d: {  	v19 =	vor.u32 v11, v17;
	v18 =	vld [tilespmem:s24+$0x20];
	_ =	sdelay $0x4  }
0x29e: {  	[tilespmem:v19+s7+$0x0] =	vst.idx.msk $0xffff, v18  }
0x29f: {  	v19 =	vor.u32 v12, v17;
	v18 =	vld [tilespmem:s24+$0x30];
	_ =	sdelay $0x4  }
0x2a0: {  	[tilespmem:v19+s7+$0x0] =	vst.idx.msk $0xffff, v18  }
0x2a1: {  	v19 =	vor.u32 v13, v17;
	v18 =	vld [tilespmem:s24+$0x40];
	_ =	sdelay $0x4  }
0x2a2: {  	[tilespmem:v19+s7+$0x0] =	vst.idx.msk $0xffff, v18  }
0x2a3: {  	v19 =	vor.u32 v14, v17;
	v18 =	vld [tilespmem:s24+$0x50];
	_ =	sdelay $0x4  }
0x2a4: {  	[tilespmem:v19+s7+$0x0] =	vst.idx.msk $0xffff, v18  }
0x2a5: {  	v19 =	vor.u32 v15, v17;
	v18 =	vld [tilespmem:s24+$0x60];
	_ =	sdelay $0x3  }
.Ltmp6:
0x2a6: {  	(pc) =	sbr.rel @p0 .LBB2_15-.Ltmp6, $3  }
0x2a7: {  	[tilespmem:v19+s7+$0x0] =	vst.idx.msk $0xffff, v18  }
0x2a8: {  	v19 =	vor.u32 v16, v17;
	v18 =	vld [tilespmem:s24+$0x70];
	_ =	sdelay $0x1  }
0x2a9: {  	v17 =	vmov s25;
	s25 =	sadd.s32 $0x1, s25  }
0x2aa: {  	_ =	sdelay $0x1  }
0x2ab: {  	v17 =	vshll.u32 v17, $0x7  }
0x2ac: {  	v17 =	vbroadcast v17, $0x0  }
0x2ad: {  	s6 =	sadd.s32 $0x80, s24;
	[tilespmem:v19+s7+$0x0] =	vst.idx.msk $0xffff, v18  }
0x2ae: {  	v18 =	vld [tilespmem:s6+$0xFFFFFC00];
	v19 =	vor.u32 v0, v17;
	_ =	sdelay $0x4  }
0x2af: {  	[tilespmem:v19+s7+$0x0] =	vst.idx.msk $0xffff, v18  }
0x2b0: {  	v19 =	vor.u32 v2, v17;
	v18 =	vld [tilespmem:s6+$0xFFFFFC10];
	_ =	sdelay $0x4  }
0x2b1: {  	[tilespmem:v19+s7+$0x0] =	vst.idx.msk $0xffff, v18  }
0x2b2: {  	v19 =	vor.u32 v3, v17;
	v18 =	vld [tilespmem:s6+$0xFFFFFC20];
	_ =	sdelay $0x4  }
0x2b3: {  	[tilespmem:v19+s7+$0x0] =	vst.idx.msk $0xffff, v18  }
0x2b4: {  	v19 =	vor.u32 v4, v17;
	v18 =	vld [tilespmem:s6+$0xFFFFFC30];
	_ =	sdelay $0x4  }
0x2b5: {  	[tilespmem:v19+s7+$0x0] =	vst.idx.msk $0xffff, v18  }
0x2b6: {  	v19 =	vor.u32 v5, v17;
	v18 =	vld [tilespmem:s6+$0xFFFFFC40];
	_ =	sdelay $0x4  }
0x2b7: {  	[tilespmem:v19+s7+$0x0] =	vst.idx.msk $0xffff, v18  }
0x2b8: {  	v19 =	vor.u32 v6, v17;
	v18 =	vld [tilespmem:s6+$0xFFFFFC50];
	_ =	sdelay $0x4  }
0x2b9: {  	[tilespmem:v19+s7+$0x0] =	vst.idx.msk $0xffff, v18  }
0x2ba: {  	v19 =	vor.u32 v7, v17;
	v18 =	vld [tilespmem:s6+$0xFFFFFC60];
	_ =	sdelay $0x4  }
0x2bb: {  	[tilespmem:v19+s7+$0x0] =	vst.idx.msk $0xffff, v18  }
0x2bc: {  	v19 =	vor.u32 v8, v17;
	v18 =	vld [tilespmem:s6+$0xFFFFFC70];
	_ =	sdelay $0x4  }
0x2bd: {  	[tilespmem:v19+s7+$0x0] =	vst.idx.msk $0xffff, v18  }
0x2be: {  	v19 =	vor.u32 v9, v17;
	v18 =	vld [tilespmem:s6+$0x0];
	_ =	sdelay $0x4  }
0x2bf: {  	[tilespmem:v19+s7+$0x0] =	vst.idx.msk $0xffff, v18  }
0x2c0: {  	v19 =	vor.u32 v10, v17;
	v18 =	vld [tilespmem:s6+$0x10];
	_ =	sdelay $0x4  }
0x2c1: {  	[tilespmem:v19+s7+$0x0] =	vst.idx.msk $0xffff, v18  }
0x2c2: {  	v19 =	vor.u32 v11, v17;
	v18 =	vld [tilespmem:s6+$0x20];
	_ =	sdelay $0x4  }
0x2c3: {  	[tilespmem:v19+s7+$0x0] =	vst.idx.msk $0xffff, v18  }
0x2c4: {  	v19 =	vor.u32 v12, v17;
	v18 =	vld [tilespmem:s6+$0x30];
	_ =	sdelay $0x4  }
0x2c5: {  	[tilespmem:v19+s7+$0x0] =	vst.idx.msk $0xffff, v18  }
0x2c6: {  	v19 =	vor.u32 v13, v17;
	v18 =	vld [tilespmem:s6+$0x40];
	_ =	sdelay $0x4  }
0x2c7: {  	[tilespmem:v19+s7+$0x0] =	vst.idx.msk $0xffff, v18  }
0x2c8: {  	v19 =	vor.u32 v14, v17;
	v18 =	vld [tilespmem:s6+$0x50];
	_ =	sdelay $0x4  }
0x2c9: {  	[tilespmem:v19+s7+$0x0] =	vst.idx.msk $0xffff, v18  }
0x2ca: {  	v19 =	vor.u32 v15, v17;
	v18 =	vld [tilespmem:s6+$0x60];
	_ =	sdelay $0x4  }
0x2cb: {  	[tilespmem:v19+s7+$0x0] =	vst.idx.msk $0xffff, v18  }
0x2cc: {  	v17 =	vor.u32 v16, v17;
	v18 =	vld [tilespmem:s6+$0x70];
	_ =	sdelay $0x1  }
0x2cd: {  	s25 =	sadd.s32 s23, s5  }
0x2ce: {  	s6 =	sshll.u32 s25, $0x8  }
0x2cf: {  	s24 =	sadd.s32 s3, s6  }
0x2d0: {  	s26 =	sadd.s32 s23, s19;
	s25 =	simm.s32 $0x0;
	s6 =	sadd.s32 $0x800, s24;
	[tilespmem:v17+s7+$0x0] =	vst.idx.msk $0xffff, v18  }
0x2d1: {  	[hbm4b:s6+s25] =	stream.linear.scatter [tilespmem:s7], [sflag:$0x6], $0x4000, $0x38;
	[tilespmem:$0x12000] =	vst v63  }
0x2d2: {  	s6 =	sshll.u32 s26, $0x5  }
0x2d3: {  	s6 =	sadd.s32 s1, s6  }
0x2d4: {  	[tilespmem:s28], [sflag:$0x2] =	stream.linear.gather [hbm4b:s6+s25], $0x800, $0x38;
	[tilespmem:$0x12000] =	vst v63  }
0x2d5: {  	_ =	swait.ge [sflag:s8], $0x800  }
0x2d6: {  	[sflag:s8] =	ssyncset.done $0x0  }
0x2d7: {  	v17 =	vmov s25;
	[sflag:s8] =	ssyncadd.s32 $0xFFFFF800  }
0x2d8: {  	v17 =	vshll.u32 v17, $0x7;
	_ =	swait.ge [sflag:s15], $0x4000  }
0x2d9: {  	v17 =	vbroadcast v17, $0x0;
	[sflag:s15] =	ssyncset.done $0x0  }
0x2da: {  	s25 =	simm.s32 $0x1400;
	[sflag:s15] =	ssyncadd.s32 $0xFFFFC000  }
0x2db: {  	v19 =	vor.u32 v0, v17;
	v18 =	vld [tilespmem:s25+$0xFFFFFC00];
	_ =	sdelay $0x4  }
0x2dc: {  	[tilespmem:v19+s9+$0x0] =	vst.idx.msk $0xffff, v18  }
0x2dd: {  	v19 =	vor.u32 v2, v17;
	v18 =	vld [tilespmem:s25+$0xFFFFFC10];
	_ =	sdelay $0x4  }
0x2de: {  	[tilespmem:v19+s9+$0x0] =	vst.idx.msk $0xffff, v18  }
0x2df: {  	v19 =	vor.u32 v3, v17;
	v18 =	vld [tilespmem:s25+$0xFFFFFC20];
	_ =	sdelay $0x4  }
0x2e0: {  	[tilespmem:v19+s9+$0x0] =	vst.idx.msk $0xffff, v18  }
0x2e1: {  	v19 =	vor.u32 v4, v17;
	v18 =	vld [tilespmem:s25+$0xFFFFFC30];
	_ =	sdelay $0x4  }
0x2e2: {  	[tilespmem:v19+s9+$0x0] =	vst.idx.msk $0xffff, v18  }
0x2e3: {  	v19 =	vor.u32 v5, v17;
	v18 =	vld [tilespmem:s25+$0xFFFFFC40];
	_ =	sdelay $0x4  }
0x2e4: {  	[tilespmem:v19+s9+$0x0] =	vst.idx.msk $0xffff, v18  }
0x2e5: {  	v19 =	vor.u32 v6, v17;
	v18 =	vld [tilespmem:s25+$0xFFFFFC50];
	_ =	sdelay $0x4  }
0x2e6: {  	[tilespmem:v19+s9+$0x0] =	vst.idx.msk $0xffff, v18  }
0x2e7: {  	v19 =	vor.u32 v7, v17;
	v18 =	vld [tilespmem:s25+$0xFFFFFC60];
	_ =	sdelay $0x4  }
0x2e8: {  	[tilespmem:v19+s9+$0x0] =	vst.idx.msk $0xffff, v18  }
0x2e9: {  	v19 =	vor.u32 v8, v17;
	v18 =	vld [tilespmem:s25+$0xFFFFFC70];
	_ =	sdelay $0x4  }
0x2ea: {  	[tilespmem:v19+s9+$0x0] =	vst.idx.msk $0xffff, v18  }
0x2eb: {  	v19 =	vor.u32 v9, v17;
	v18 =	vld [tilespmem:s25+$0x0];
	_ =	sdelay $0x4  }
0x2ec: {  	[tilespmem:v19+s9+$0x0] =	vst.idx.msk $0xffff, v18  }
0x2ed: {  	v19 =	vor.u32 v10, v17;
	v18 =	vld [tilespmem:s25+$0x10];
	_ =	sdelay $0x4  }
0x2ee: {  	[tilespmem:v19+s9+$0x0] =	vst.idx.msk $0xffff, v18  }
0x2ef: {  	v19 =	vor.u32 v11, v17;
	v18 =	vld [tilespmem:s25+$0x20];
	_ =	sdelay $0x4  }
0x2f0: {  	[tilespmem:v19+s9+$0x0] =	vst.idx.msk $0xffff, v18  }
0x2f1: {  	v19 =	vor.u32 v12, v17;
	v18 =	vld [tilespmem:s25+$0x30];
	_ =	sdelay $0x4  }
0x2f2: {  	[tilespmem:v19+s9+$0x0] =	vst.idx.msk $0xffff, v18  }
0x2f3: {  	v19 =	vor.u32 v13, v17;
	v18 =	vld [tilespmem:s25+$0x40];
	_ =	sdelay $0x4  }
0x2f4: {  	[tilespmem:v19+s9+$0x0] =	vst.idx.msk $0xffff, v18  }
0x2f5: {  	v19 =	vor.u32 v14, v17;
	v18 =	vld [tilespmem:s25+$0x50];
	_ =	sdelay $0x4  }
0x2f6: {  	[tilespmem:v19+s9+$0x0] =	vst.idx.msk $0xffff, v18  }
0x2f7: {  	v19 =	vor.u32 v15, v17;
	v18 =	vld [tilespmem:s25+$0x60];
	_ =	sdelay $0x4  }
0x2f8: {  	[tilespmem:v19+s9+$0x0] =	vst.idx.msk $0xffff, v18  }
0x2f9: {  	v19 =	vor.u32 v16, v17;
	v18 =	vld [tilespmem:s25+$0x70]  }
0x2fa: {  	s26 =	simm.s32 $0x1  }
0x2fb: {  	v17 =	vmov s26;
	s26 =	simm.s32 $0x2  }
.LBB2_17:
0x2fc: {  	p0 =	sne.s32 s26, $0x7;
	v17 =	vshll.u32 v17, $0x7  }
0x2fd: {  	v17 =	vbroadcast v17, $0x0  }
0x2fe: {  	s25 =	sadd.s32 $0x80, s25;
	[tilespmem:v19+s9+$0x0] =	vst.idx.msk $0xffff, v18  }
0x2ff: {  	v18 =	vld [tilespmem:s25+$0xFFFFFC00];
	v19 =	vor.u32 v0, v17;
	_ =	sdelay $0x4  }
0x300: {  	[tilespmem:v19+s9+$0x0] =	vst.idx.msk $0xffff, v18  }
0x301: {  	v19 =	vor.u32 v2, v17;
	v18 =	vld [tilespmem:s25+$0xFFFFFC10];
	_ =	sdelay $0x4  }
0x302: {  	[tilespmem:v19+s9+$0x0] =	vst.idx.msk $0xffff, v18  }
0x303: {  	v19 =	vor.u32 v3, v17;
	v18 =	vld [tilespmem:s25+$0xFFFFFC20];
	_ =	sdelay $0x4  }
0x304: {  	[tilespmem:v19+s9+$0x0] =	vst.idx.msk $0xffff, v18  }
0x305: {  	v19 =	vor.u32 v4, v17;
	v18 =	vld [tilespmem:s25+$0xFFFFFC30];
	_ =	sdelay $0x4  }
0x306: {  	[tilespmem:v19+s9+$0x0] =	vst.idx.msk $0xffff, v18  }
0x307: {  	v19 =	vor.u32 v5, v17;
	v18 =	vld [tilespmem:s25+$0xFFFFFC40];
	_ =	sdelay $0x4  }
0x308: {  	[tilespmem:v19+s9+$0x0] =	vst.idx.msk $0xffff, v18  }
0x309: {  	v19 =	vor.u32 v6, v17;
	v18 =	vld [tilespmem:s25+$0xFFFFFC50];
	_ =	sdelay $0x4  }
0x30a: {  	[tilespmem:v19+s9+$0x0] =	vst.idx.msk $0xffff, v18  }
0x30b: {  	v19 =	vor.u32 v7, v17;
	v18 =	vld [tilespmem:s25+$0xFFFFFC60];
	_ =	sdelay $0x4  }
0x30c: {  	[tilespmem:v19+s9+$0x0] =	vst.idx.msk $0xffff, v18  }
0x30d: {  	v19 =	vor.u32 v8, v17;
	v18 =	vld [tilespmem:s25+$0xFFFFFC70];
	_ =	sdelay $0x4  }
0x30e: {  	[tilespmem:v19+s9+$0x0] =	vst.idx.msk $0xffff, v18  }
0x30f: {  	v19 =	vor.u32 v9, v17;
	v18 =	vld [tilespmem:s25+$0x0];
	_ =	sdelay $0x4  }
0x310: {  	[tilespmem:v19+s9+$0x0] =	vst.idx.msk $0xffff, v18  }
0x311: {  	v19 =	vor.u32 v10, v17;
	v18 =	vld [tilespmem:s25+$0x10];
	_ =	sdelay $0x4  }
0x312: {  	[tilespmem:v19+s9+$0x0] =	vst.idx.msk $0xffff, v18  }
0x313: {  	v19 =	vor.u32 v11, v17;
	v18 =	vld [tilespmem:s25+$0x20];
	_ =	sdelay $0x4  }
0x314: {  	[tilespmem:v19+s9+$0x0] =	vst.idx.msk $0xffff, v18  }
0x315: {  	v19 =	vor.u32 v12, v17;
	v18 =	vld [tilespmem:s25+$0x30];
	_ =	sdelay $0x4  }
0x316: {  	[tilespmem:v19+s9+$0x0] =	vst.idx.msk $0xffff, v18  }
0x317: {  	v19 =	vor.u32 v13, v17;
	v18 =	vld [tilespmem:s25+$0x40];
	_ =	sdelay $0x4  }
0x318: {  	[tilespmem:v19+s9+$0x0] =	vst.idx.msk $0xffff, v18  }
0x319: {  	v19 =	vor.u32 v14, v17;
	v18 =	vld [tilespmem:s25+$0x50];
	_ =	sdelay $0x4  }
0x31a: {  	[tilespmem:v19+s9+$0x0] =	vst.idx.msk $0xffff, v18  }
0x31b: {  	v19 =	vor.u32 v15, v17;
	v18 =	vld [tilespmem:s25+$0x60];
	_ =	sdelay $0x3  }
.Ltmp7:
0x31c: {  	(pc) =	sbr.rel @p0 .LBB2_17-.Ltmp7, $3  }
0x31d: {  	[tilespmem:v19+s9+$0x0] =	vst.idx.msk $0xffff, v18  }
0x31e: {  	v19 =	vor.u32 v16, v17;
	v18 =	vld [tilespmem:s25+$0x70];
	_ =	sdelay $0x1  }
0x31f: {  	v17 =	vmov s26;
	s26 =	sadd.s32 $0x1, s26  }
0x320: {  	_ =	sdelay $0x1  }
0x321: {  	v17 =	vshll.u32 v17, $0x7  }
0x322: {  	v17 =	vbroadcast v17, $0x0  }
0x323: {  	s6 =	sadd.s32 $0x80, s25;
	[tilespmem:v19+s9+$0x0] =	vst.idx.msk $0xffff, v18  }
0x324: {  	v18 =	vld [tilespmem:s6+$0xFFFFFC00];
	v19 =	vor.u32 v0, v17;
	_ =	sdelay $0x4  }
0x325: {  	[tilespmem:v19+s9+$0x0] =	vst.idx.msk $0xffff, v18  }
0x326: {  	v19 =	vor.u32 v2, v17;
	v18 =	vld [tilespmem:s6+$0xFFFFFC10];
	_ =	sdelay $0x4  }
0x327: {  	[tilespmem:v19+s9+$0x0] =	vst.idx.msk $0xffff, v18  }
0x328: {  	v19 =	vor.u32 v3, v17;
	v18 =	vld [tilespmem:s6+$0xFFFFFC20];
	_ =	sdelay $0x4  }
0x329: {  	[tilespmem:v19+s9+$0x0] =	vst.idx.msk $0xffff, v18  }
0x32a: {  	v19 =	vor.u32 v4, v17;
	v18 =	vld [tilespmem:s6+$0xFFFFFC30];
	_ =	sdelay $0x4  }
0x32b: {  	[tilespmem:v19+s9+$0x0] =	vst.idx.msk $0xffff, v18  }
0x32c: {  	v19 =	vor.u32 v5, v17;
	v18 =	vld [tilespmem:s6+$0xFFFFFC40];
	_ =	sdelay $0x4  }
0x32d: {  	[tilespmem:v19+s9+$0x0] =	vst.idx.msk $0xffff, v18  }
0x32e: {  	v19 =	vor.u32 v6, v17;
	v18 =	vld [tilespmem:s6+$0xFFFFFC50];
	_ =	sdelay $0x4  }
0x32f: {  	[tilespmem:v19+s9+$0x0] =	vst.idx.msk $0xffff, v18  }
0x330: {  	v19 =	vor.u32 v7, v17;
	v18 =	vld [tilespmem:s6+$0xFFFFFC60];
	_ =	sdelay $0x4  }
0x331: {  	[tilespmem:v19+s9+$0x0] =	vst.idx.msk $0xffff, v18  }
0x332: {  	v19 =	vor.u32 v8, v17;
	v18 =	vld [tilespmem:s6+$0xFFFFFC70];
	_ =	sdelay $0x4  }
0x333: {  	[tilespmem:v19+s9+$0x0] =	vst.idx.msk $0xffff, v18  }
0x334: {  	v19 =	vor.u32 v9, v17;
	v18 =	vld [tilespmem:s6+$0x0];
	_ =	sdelay $0x4  }
0x335: {  	[tilespmem:v19+s9+$0x0] =	vst.idx.msk $0xffff, v18  }
0x336: {  	v19 =	vor.u32 v10, v17;
	v18 =	vld [tilespmem:s6+$0x10];
	_ =	sdelay $0x4  }
0x337: {  	[tilespmem:v19+s9+$0x0] =	vst.idx.msk $0xffff, v18  }
0x338: {  	v19 =	vor.u32 v11, v17;
	v18 =	vld [tilespmem:s6+$0x20];
	_ =	sdelay $0x4  }
0x339: {  	[tilespmem:v19+s9+$0x0] =	vst.idx.msk $0xffff, v18  }
0x33a: {  	v19 =	vor.u32 v12, v17;
	v18 =	vld [tilespmem:s6+$0x30];
	_ =	sdelay $0x4  }
0x33b: {  	[tilespmem:v19+s9+$0x0] =	vst.idx.msk $0xffff, v18  }
0x33c: {  	v19 =	vor.u32 v13, v17;
	v18 =	vld [tilespmem:s6+$0x40];
	_ =	sdelay $0x4  }
0x33d: {  	[tilespmem:v19+s9+$0x0] =	vst.idx.msk $0xffff, v18  }
0x33e: {  	v19 =	vor.u32 v14, v17;
	v18 =	vld [tilespmem:s6+$0x50];
	_ =	sdelay $0x4  }
0x33f: {  	[tilespmem:v19+s9+$0x0] =	vst.idx.msk $0xffff, v18  }
0x340: {  	v19 =	vor.u32 v15, v17;
	v18 =	vld [tilespmem:s6+$0x60];
	_ =	sdelay $0x4  }
0x341: {  	[tilespmem:v19+s9+$0x0] =	vst.idx.msk $0xffff, v18  }
0x342: {  	v17 =	vor.u32 v16, v17;
	v18 =	vld [tilespmem:s6+$0x70];
	_ =	sdelay $0x4  }
0x343: {  	s26 =	sadd.s32 $0x1000, s24;
	s25 =	simm.s32 $0x0;
	[tilespmem:v17+s9+$0x0] =	vst.idx.msk $0xffff, v18  }
0x344: {  	[hbm4b:s26+s25] =	stream.linear.scatter [tilespmem:s9], [sflag:$0x7], $0x4000, $0x38;
	[tilespmem:$0x12000] =	vst v63  }
0x345: {  	s26 =	sadd.s32 s23, s20  }
0x346: {  	s6 =	sshll.u32 s26, $0x5  }
0x347: {  	s6 =	sadd.s32 s1, s6  }
0x348: {  	[tilespmem:s29], [sflag:$0x3] =	stream.linear.gather [hbm4b:s6+s25], $0x800, $0x38;
	[tilespmem:$0x12000] =	vst v63  }
0x349: {  	_ =	swait.ge [sflag:s11], $0x800  }
0x34a: {  	[sflag:s11] =	ssyncset.done $0x0  }
0x34b: {  	v17 =	vmov s25;
	[sflag:s11] =	ssyncadd.s32 $0xFFFFF800  }
0x34c: {  	v17 =	vshll.u32 v17, $0x7;
	_ =	swait.ge [sflag:s16], $0x4000  }
0x34d: {  	v17 =	vbroadcast v17, $0x0;
	[sflag:s16] =	ssyncset.done $0x0  }
0x34e: {  	s25 =	simm.s32 $0x1C00;
	[sflag:s16] =	ssyncadd.s32 $0xFFFFC000  }
0x34f: {  	v19 =	vor.u32 v0, v17;
	v18 =	vld [tilespmem:s25+$0xFFFFFC00];
	_ =	sdelay $0x4  }
0x350: {  	[tilespmem:v19+s12+$0x0] =	vst.idx.msk $0xffff, v18  }
0x351: {  	v19 =	vor.u32 v2, v17;
	v18 =	vld [tilespmem:s25+$0xFFFFFC10];
	_ =	sdelay $0x4  }
0x352: {  	[tilespmem:v19+s12+$0x0] =	vst.idx.msk $0xffff, v18  }
0x353: {  	v19 =	vor.u32 v3, v17;
	v18 =	vld [tilespmem:s25+$0xFFFFFC20];
	_ =	sdelay $0x4  }
0x354: {  	[tilespmem:v19+s12+$0x0] =	vst.idx.msk $0xffff, v18  }
0x355: {  	v19 =	vor.u32 v4, v17;
	v18 =	vld [tilespmem:s25+$0xFFFFFC30];
	_ =	sdelay $0x4  }
0x356: {  	[tilespmem:v19+s12+$0x0] =	vst.idx.msk $0xffff, v18  }
0x357: {  	v19 =	vor.u32 v5, v17;
	v18 =	vld [tilespmem:s25+$0xFFFFFC40];
	_ =	sdelay $0x4  }
0x358: {  	[tilespmem:v19+s12+$0x0] =	vst.idx.msk $0xffff, v18  }
0x359: {  	v19 =	vor.u32 v6, v17;
	v18 =	vld [tilespmem:s25+$0xFFFFFC50];
	_ =	sdelay $0x4  }
0x35a: {  	[tilespmem:v19+s12+$0x0] =	vst.idx.msk $0xffff, v18  }
0x35b: {  	v19 =	vor.u32 v7, v17;
	v18 =	vld [tilespmem:s25+$0xFFFFFC60];
	_ =	sdelay $0x4  }
0x35c: {  	[tilespmem:v19+s12+$0x0] =	vst.idx.msk $0xffff, v18  }
0x35d: {  	v19 =	vor.u32 v8, v17;
	v18 =	vld [tilespmem:s25+$0xFFFFFC70];
	_ =	sdelay $0x4  }
0x35e: {  	[tilespmem:v19+s12+$0x0] =	vst.idx.msk $0xffff, v18  }
0x35f: {  	v19 =	vor.u32 v9, v17;
	v18 =	vld [tilespmem:s25+$0x0];
	_ =	sdelay $0x4  }
0x360: {  	[tilespmem:v19+s12+$0x0] =	vst.idx.msk $0xffff, v18  }
0x361: {  	v19 =	vor.u32 v10, v17;
	v18 =	vld [tilespmem:s25+$0x10];
	_ =	sdelay $0x4  }
0x362: {  	[tilespmem:v19+s12+$0x0] =	vst.idx.msk $0xffff, v18  }
0x363: {  	v19 =	vor.u32 v11, v17;
	v18 =	vld [tilespmem:s25+$0x20];
	_ =	sdelay $0x4  }
0x364: {  	[tilespmem:v19+s12+$0x0] =	vst.idx.msk $0xffff, v18  }
0x365: {  	v19 =	vor.u32 v12, v17;
	v18 =	vld [tilespmem:s25+$0x30];
	_ =	sdelay $0x4  }
0x366: {  	[tilespmem:v19+s12+$0x0] =	vst.idx.msk $0xffff, v18  }
0x367: {  	v19 =	vor.u32 v13, v17;
	v18 =	vld [tilespmem:s25+$0x40];
	_ =	sdelay $0x4  }
0x368: {  	[tilespmem:v19+s12+$0x0] =	vst.idx.msk $0xffff, v18  }
0x369: {  	v19 =	vor.u32 v14, v17;
	v18 =	vld [tilespmem:s25+$0x50];
	_ =	sdelay $0x4  }
0x36a: {  	[tilespmem:v19+s12+$0x0] =	vst.idx.msk $0xffff, v18  }
0x36b: {  	v19 =	vor.u32 v15, v17;
	v18 =	vld [tilespmem:s25+$0x60];
	_ =	sdelay $0x4  }
0x36c: {  	[tilespmem:v19+s12+$0x0] =	vst.idx.msk $0xffff, v18  }
0x36d: {  	v19 =	vor.u32 v16, v17;
	v18 =	vld [tilespmem:s25+$0x70]  }
0x36e: {  	s26 =	simm.s32 $0x1  }
0x36f: {  	v17 =	vmov s26;
	s26 =	simm.s32 $0x2  }
.LBB2_19:
0x370: {  	p0 =	sne.s32 s26, $0x7;
	v17 =	vshll.u32 v17, $0x7  }
0x371: {  	v17 =	vbroadcast v17, $0x0  }
0x372: {  	s25 =	sadd.s32 $0x80, s25;
	[tilespmem:v19+s12+$0x0] =	vst.idx.msk $0xffff, v18  }
0x373: {  	v18 =	vld [tilespmem:s25+$0xFFFFFC00];
	v19 =	vor.u32 v0, v17;
	_ =	sdelay $0x4  }
0x374: {  	[tilespmem:v19+s12+$0x0] =	vst.idx.msk $0xffff, v18  }
0x375: {  	v19 =	vor.u32 v2, v17;
	v18 =	vld [tilespmem:s25+$0xFFFFFC10];
	_ =	sdelay $0x4  }
0x376: {  	[tilespmem:v19+s12+$0x0] =	vst.idx.msk $0xffff, v18  }
0x377: {  	v19 =	vor.u32 v3, v17;
	v18 =	vld [tilespmem:s25+$0xFFFFFC20];
	_ =	sdelay $0x4  }
0x378: {  	[tilespmem:v19+s12+$0x0] =	vst.idx.msk $0xffff, v18  }
0x379: {  	v19 =	vor.u32 v4, v17;
	v18 =	vld [tilespmem:s25+$0xFFFFFC30];
	_ =	sdelay $0x4  }
0x37a: {  	[tilespmem:v19+s12+$0x0] =	vst.idx.msk $0xffff, v18  }
0x37b: {  	v19 =	vor.u32 v5, v17;
	v18 =	vld [tilespmem:s25+$0xFFFFFC40];
	_ =	sdelay $0x4  }
0x37c: {  	[tilespmem:v19+s12+$0x0] =	vst.idx.msk $0xffff, v18  }
0x37d: {  	v19 =	vor.u32 v6, v17;
	v18 =	vld [tilespmem:s25+$0xFFFFFC50];
	_ =	sdelay $0x4  }
0x37e: {  	[tilespmem:v19+s12+$0x0] =	vst.idx.msk $0xffff, v18  }
0x37f: {  	v19 =	vor.u32 v7, v17;
	v18 =	vld [tilespmem:s25+$0xFFFFFC60];
	_ =	sdelay $0x4  }
0x380: {  	[tilespmem:v19+s12+$0x0] =	vst.idx.msk $0xffff, v18  }
0x381: {  	v19 =	vor.u32 v8, v17;
	v18 =	vld [tilespmem:s25+$0xFFFFFC70];
	_ =	sdelay $0x4  }
0x382: {  	[tilespmem:v19+s12+$0x0] =	vst.idx.msk $0xffff, v18  }
0x383: {  	v19 =	vor.u32 v9, v17;
	v18 =	vld [tilespmem:s25+$0x0];
	_ =	sdelay $0x4  }
0x384: {  	[tilespmem:v19+s12+$0x0] =	vst.idx.msk $0xffff, v18  }
0x385: {  	v19 =	vor.u32 v10, v17;
	v18 =	vld [tilespmem:s25+$0x10];
	_ =	sdelay $0x4  }
0x386: {  	[tilespmem:v19+s12+$0x0] =	vst.idx.msk $0xffff, v18  }
0x387: {  	v19 =	vor.u32 v11, v17;
	v18 =	vld [tilespmem:s25+$0x20];
	_ =	sdelay $0x4  }
0x388: {  	[tilespmem:v19+s12+$0x0] =	vst.idx.msk $0xffff, v18  }
0x389: {  	v19 =	vor.u32 v12, v17;
	v18 =	vld [tilespmem:s25+$0x30];
	_ =	sdelay $0x4  }
0x38a: {  	[tilespmem:v19+s12+$0x0] =	vst.idx.msk $0xffff, v18  }
0x38b: {  	v19 =	vor.u32 v13, v17;
	v18 =	vld [tilespmem:s25+$0x40];
	_ =	sdelay $0x4  }
0x38c: {  	[tilespmem:v19+s12+$0x0] =	vst.idx.msk $0xffff, v18  }
0x38d: {  	v19 =	vor.u32 v14, v17;
	v18 =	vld [tilespmem:s25+$0x50];
	_ =	sdelay $0x4  }
0x38e: {  	[tilespmem:v19+s12+$0x0] =	vst.idx.msk $0xffff, v18  }
0x38f: {  	v19 =	vor.u32 v15, v17;
	v18 =	vld [tilespmem:s25+$0x60];
	_ =	sdelay $0x3  }
.Ltmp8:
0x390: {  	(pc) =	sbr.rel @p0 .LBB2_19-.Ltmp8, $3  }
0x391: {  	[tilespmem:v19+s12+$0x0] =	vst.idx.msk $0xffff, v18  }
0x392: {  	v19 =	vor.u32 v16, v17;
	v18 =	vld [tilespmem:s25+$0x70];
	_ =	sdelay $0x1  }
0x393: {  	v17 =	vmov s26;
	s26 =	sadd.s32 $0x1, s26  }
0x394: {  	_ =	sdelay $0x1  }
0x395: {  	v17 =	vshll.u32 v17, $0x7  }
0x396: {  	v17 =	vbroadcast v17, $0x0  }
0x397: {  	s6 =	sadd.s32 $0x80, s25;
	[tilespmem:v19+s12+$0x0] =	vst.idx.msk $0xffff, v18  }
0x398: {  	v18 =	vld [tilespmem:s6+$0xFFFFFC00];
	v19 =	vor.u32 v0, v17;
	_ =	sdelay $0x4  }
0x399: {  	[tilespmem:v19+s12+$0x0] =	vst.idx.msk $0xffff, v18  }
0x39a: {  	v19 =	vor.u32 v2, v17;
	v18 =	vld [tilespmem:s6+$0xFFFFFC10];
	_ =	sdelay $0x4  }
0x39b: {  	[tilespmem:v19+s12+$0x0] =	vst.idx.msk $0xffff, v18  }
0x39c: {  	v19 =	vor.u32 v3, v17;
	v18 =	vld [tilespmem:s6+$0xFFFFFC20];
	_ =	sdelay $0x4  }
0x39d: {  	[tilespmem:v19+s12+$0x0] =	vst.idx.msk $0xffff, v18  }
0x39e: {  	v19 =	vor.u32 v4, v17;
	v18 =	vld [tilespmem:s6+$0xFFFFFC30];
	_ =	sdelay $0x4  }
0x39f: {  	[tilespmem:v19+s12+$0x0] =	vst.idx.msk $0xffff, v18  }
0x3a0: {  	v19 =	vor.u32 v5, v17;
	v18 =	vld [tilespmem:s6+$0xFFFFFC40];
	_ =	sdelay $0x4  }
0x3a1: {  	[tilespmem:v19+s12+$0x0] =	vst.idx.msk $0xffff, v18  }
0x3a2: {  	v19 =	vor.u32 v6, v17;
	v18 =	vld [tilespmem:s6+$0xFFFFFC50];
	_ =	sdelay $0x4  }
0x3a3: {  	[tilespmem:v19+s12+$0x0] =	vst.idx.msk $0xffff, v18  }
0x3a4: {  	v19 =	vor.u32 v7, v17;
	v18 =	vld [tilespmem:s6+$0xFFFFFC60];
	_ =	sdelay $0x4  }
0x3a5: {  	[tilespmem:v19+s12+$0x0] =	vst.idx.msk $0xffff, v18  }
0x3a6: {  	v19 =	vor.u32 v8, v17;
	v18 =	vld [tilespmem:s6+$0xFFFFFC70];
	_ =	sdelay $0x4  }
0x3a7: {  	[tilespmem:v19+s12+$0x0] =	vst.idx.msk $0xffff, v18  }
0x3a8: {  	v19 =	vor.u32 v9, v17;
	v18 =	vld [tilespmem:s6+$0x0];
	_ =	sdelay $0x4  }
0x3a9: {  	[tilespmem:v19+s12+$0x0] =	vst.idx.msk $0xffff, v18  }
0x3aa: {  	v19 =	vor.u32 v10, v17;
	v18 =	vld [tilespmem:s6+$0x10];
	_ =	sdelay $0x4  }
0x3ab: {  	[tilespmem:v19+s12+$0x0] =	vst.idx.msk $0xffff, v18  }
0x3ac: {  	v19 =	vor.u32 v11, v17;
	v18 =	vld [tilespmem:s6+$0x20];
	_ =	sdelay $0x4  }
0x3ad: {  	[tilespmem:v19+s12+$0x0] =	vst.idx.msk $0xffff, v18  }
0x3ae: {  	v19 =	vor.u32 v12, v17;
	v18 =	vld [tilespmem:s6+$0x30];
	_ =	sdelay $0x4  }
0x3af: {  	[tilespmem:v19+s12+$0x0] =	vst.idx.msk $0xffff, v18  }
0x3b0: {  	v19 =	vor.u32 v13, v17;
	v18 =	vld [tilespmem:s6+$0x40];
	_ =	sdelay $0x4  }
0x3b1: {  	[tilespmem:v19+s12+$0x0] =	vst.idx.msk $0xffff, v18  }
0x3b2: {  	v19 =	vor.u32 v14, v17;
	v18 =	vld [tilespmem:s6+$0x50];
	_ =	sdelay $0x4  }
0x3b3: {  	[tilespmem:v19+s12+$0x0] =	vst.idx.msk $0xffff, v18  }
0x3b4: {  	v19 =	vor.u32 v15, v17;
	v18 =	vld [tilespmem:s6+$0x60];
	_ =	sdelay $0x4  }
0x3b5: {  	[tilespmem:v19+s12+$0x0] =	vst.idx.msk $0xffff, v18  }
0x3b6: {  	v17 =	vor.u32 v16, v17;
	v18 =	vld [tilespmem:s6+$0x70];
	_ =	sdelay $0x1  }
0x3b7: {  	s22 =	sadd.s32 $0x1, s22  }
0x3b8: {  	p0 =	sne.s32 s22, $0xF  }
.Ltmp9:
0x3b9: {  	s26 =	sadd.s32 s23, s21;
	(pc) =	sbr.rel @p0 .LBB2_12-.Ltmp9, $4  }
0x3ba: {  	s25 =	sadd.s32 $0x1800, s24;
	s6 =	sshll.u32 s26, $0x5;
	[tilespmem:v17+s12+$0x0] =	vst.idx.msk $0xffff, v18  }
0x3bb: {  	[hbm4b:s25+s4] =	stream.linear.scatter [tilespmem:s12], [sflag:$0x8], $0x4000, $0x38;
	[tilespmem:$0x12000] =	vst v63  }
0x3bc: {  	s6 =	sadd.s32 s1, s6  }
0x3bd: {  	[tilespmem:s30], [sflag:$0x4] =	stream.linear.gather [hbm4b:s6+s4], $0x800, $0x38;
	[tilespmem:$0x12000] =	vst v63  }
0x3be: {  	_ =	swait.ge [sflag:s31], $0x800  }
0x3bf: {  	s6 =	simm.s32 $0x0;
	[sflag:s31] =	ssyncset.done $0x0  }
0x3c0: {  	v17 =	vmov s6;
	[sflag:s31] =	ssyncadd.s32 $0xFFFFF800  }
0x3c1: {  	v17 =	vshll.u32 v17, $0x7;
	_ =	swait.ge [sflag:s13], $0x4000  }
0x3c2: {  	v17 =	vbroadcast v17, $0x0;
	[sflag:s13] =	ssyncset.done $0x0  }
0x3c3: {  	s22 =	simm.s32 $0x400;
	[sflag:s13] =	ssyncadd.s32 $0xFFFFC000  }
0x3c4: {  	v19 =	vor.u32 v0, v17;
	v18 =	vld [tilespmem:s22+$0xFFFFFC00];
	_ =	sdelay $0x4  }
0x3c5: {  	[tilespmem:v19+s0+$0x0] =	vst.idx.msk $0xffff, v18  }
0x3c6: {  	v19 =	vor.u32 v2, v17;
	v18 =	vld [tilespmem:s22+$0xFFFFFC10];
	_ =	sdelay $0x4  }
0x3c7: {  	[tilespmem:v19+s0+$0x0] =	vst.idx.msk $0xffff, v18  }
0x3c8: {  	v19 =	vor.u32 v3, v17;
	v18 =	vld [tilespmem:s22+$0xFFFFFC20];
	_ =	sdelay $0x4  }
0x3c9: {  	[tilespmem:v19+s0+$0x0] =	vst.idx.msk $0xffff, v18  }
0x3ca: {  	v19 =	vor.u32 v4, v17;
	v18 =	vld [tilespmem:s22+$0xFFFFFC30];
	_ =	sdelay $0x4  }
0x3cb: {  	[tilespmem:v19+s0+$0x0] =	vst.idx.msk $0xffff, v18  }
0x3cc: {  	v19 =	vor.u32 v5, v17;
	v18 =	vld [tilespmem:s22+$0xFFFFFC40];
	_ =	sdelay $0x4  }
0x3cd: {  	[tilespmem:v19+s0+$0x0] =	vst.idx.msk $0xffff, v18  }
0x3ce: {  	v19 =	vor.u32 v6, v17;
	v18 =	vld [tilespmem:s22+$0xFFFFFC50];
	_ =	sdelay $0x4  }
0x3cf: {  	[tilespmem:v19+s0+$0x0] =	vst.idx.msk $0xffff, v18  }
0x3d0: {  	v19 =	vor.u32 v7, v17;
	v18 =	vld [tilespmem:s22+$0xFFFFFC60];
	_ =	sdelay $0x4  }
0x3d1: {  	[tilespmem:v19+s0+$0x0] =	vst.idx.msk $0xffff, v18  }
0x3d2: {  	v19 =	vor.u32 v8, v17;
	v18 =	vld [tilespmem:s22+$0xFFFFFC70];
	_ =	sdelay $0x4  }
0x3d3: {  	[tilespmem:v19+s0+$0x0] =	vst.idx.msk $0xffff, v18  }
0x3d4: {  	v19 =	vor.u32 v9, v17;
	v18 =	vld [tilespmem:s22+$0x0];
	_ =	sdelay $0x4  }
0x3d5: {  	[tilespmem:v19+s0+$0x0] =	vst.idx.msk $0xffff, v18  }
0x3d6: {  	v19 =	vor.u32 v10, v17;
	v18 =	vld [tilespmem:s22+$0x10];
	_ =	sdelay $0x4  }
0x3d7: {  	[tilespmem:v19+s0+$0x0] =	vst.idx.msk $0xffff, v18  }
0x3d8: {  	v19 =	vor.u32 v11, v17;
	v18 =	vld [tilespmem:s22+$0x20];
	_ =	sdelay $0x4  }
0x3d9: {  	[tilespmem:v19+s0+$0x0] =	vst.idx.msk $0xffff, v18  }
0x3da: {  	v19 =	vor.u32 v12, v17;
	v18 =	vld [tilespmem:s22+$0x30];
	_ =	sdelay $0x4  }
0x3db: {  	[tilespmem:v19+s0+$0x0] =	vst.idx.msk $0xffff, v18  }
0x3dc: {  	v19 =	vor.u32 v13, v17;
	v18 =	vld [tilespmem:s22+$0x40];
	_ =	sdelay $0x4  }
0x3dd: {  	[tilespmem:v19+s0+$0x0] =	vst.idx.msk $0xffff, v18  }
0x3de: {  	v19 =	vor.u32 v14, v17;
	v18 =	vld [tilespmem:s22+$0x50];
	_ =	sdelay $0x4  }
0x3df: {  	[tilespmem:v19+s0+$0x0] =	vst.idx.msk $0xffff, v18  }
0x3e0: {  	v19 =	vor.u32 v15, v17;
	v18 =	vld [tilespmem:s22+$0x60];
	_ =	sdelay $0x4  }
0x3e1: {  	[tilespmem:v19+s0+$0x0] =	vst.idx.msk $0xffff, v18  }
0x3e2: {  	v19 =	vor.u32 v16, v17;
	v18 =	vld [tilespmem:s22+$0x70]  }
0x3e3: {  	s26 =	simm.s32 $0x1  }
0x3e4: {  	s23 =	simm.s32 $0x2;
	v17 =	vmov s26  }
.LBB2_22:
0x3e5: {  	p0 =	sne.s32 s23, $0x7;
	v17 =	vshll.u32 v17, $0x7  }
0x3e6: {  	v17 =	vbroadcast v17, $0x0  }
0x3e7: {  	s22 =	sadd.s32 $0x80, s22;
	[tilespmem:v19+s0+$0x0] =	vst.idx.msk $0xffff, v18  }
0x3e8: {  	v18 =	vld [tilespmem:s22+$0xFFFFFC00];
	v19 =	vor.u32 v0, v17;
	_ =	sdelay $0x4  }
0x3e9: {  	[tilespmem:v19+s0+$0x0] =	vst.idx.msk $0xffff, v18  }
0x3ea: {  	v19 =	vor.u32 v2, v17;
	v18 =	vld [tilespmem:s22+$0xFFFFFC10];
	_ =	sdelay $0x4  }
0x3eb: {  	[tilespmem:v19+s0+$0x0] =	vst.idx.msk $0xffff, v18  }
0x3ec: {  	v19 =	vor.u32 v3, v17;
	v18 =	vld [tilespmem:s22+$0xFFFFFC20];
	_ =	sdelay $0x4  }
0x3ed: {  	[tilespmem:v19+s0+$0x0] =	vst.idx.msk $0xffff, v18  }
0x3ee: {  	v19 =	vor.u32 v4, v17;
	v18 =	vld [tilespmem:s22+$0xFFFFFC30];
	_ =	sdelay $0x4  }
0x3ef: {  	[tilespmem:v19+s0+$0x0] =	vst.idx.msk $0xffff, v18  }
0x3f0: {  	v19 =	vor.u32 v5, v17;
	v18 =	vld [tilespmem:s22+$0xFFFFFC40];
	_ =	sdelay $0x4  }
0x3f1: {  	[tilespmem:v19+s0+$0x0] =	vst.idx.msk $0xffff, v18  }
0x3f2: {  	v19 =	vor.u32 v6, v17;
	v18 =	vld [tilespmem:s22+$0xFFFFFC50];
	_ =	sdelay $0x4  }
0x3f3: {  	[tilespmem:v19+s0+$0x0] =	vst.idx.msk $0xffff, v18  }
0x3f4: {  	v19 =	vor.u32 v7, v17;
	v18 =	vld [tilespmem:s22+$0xFFFFFC60];
	_ =	sdelay $0x4  }
0x3f5: {  	[tilespmem:v19+s0+$0x0] =	vst.idx.msk $0xffff, v18  }
0x3f6: {  	v19 =	vor.u32 v8, v17;
	v18 =	vld [tilespmem:s22+$0xFFFFFC70];
	_ =	sdelay $0x4  }
0x3f7: {  	[tilespmem:v19+s0+$0x0] =	vst.idx.msk $0xffff, v18  }
0x3f8: {  	v19 =	vor.u32 v9, v17;
	v18 =	vld [tilespmem:s22+$0x0];
	_ =	sdelay $0x4  }
0x3f9: {  	[tilespmem:v19+s0+$0x0] =	vst.idx.msk $0xffff, v18  }
0x3fa: {  	v19 =	vor.u32 v10, v17;
	v18 =	vld [tilespmem:s22+$0x10];
	_ =	sdelay $0x4  }
0x3fb: {  	[tilespmem:v19+s0+$0x0] =	vst.idx.msk $0xffff, v18  }
0x3fc: {  	v19 =	vor.u32 v11, v17;
	v18 =	vld [tilespmem:s22+$0x20];
	_ =	sdelay $0x4  }
0x3fd: {  	[tilespmem:v19+s0+$0x0] =	vst.idx.msk $0xffff, v18  }
0x3fe: {  	v19 =	vor.u32 v12, v17;
	v18 =	vld [tilespmem:s22+$0x30];
	_ =	sdelay $0x4  }
0x3ff: {  	[tilespmem:v19+s0+$0x0] =	vst.idx.msk $0xffff, v18  }
0x400: {  	v19 =	vor.u32 v13, v17;
	v18 =	vld [tilespmem:s22+$0x40];
	_ =	sdelay $0x4  }
0x401: {  	[tilespmem:v19+s0+$0x0] =	vst.idx.msk $0xffff, v18  }
0x402: {  	v19 =	vor.u32 v14, v17;
	v18 =	vld [tilespmem:s22+$0x50];
	_ =	sdelay $0x4  }
0x403: {  	[tilespmem:v19+s0+$0x0] =	vst.idx.msk $0xffff, v18  }
0x404: {  	v19 =	vor.u32 v15, v17;
	v18 =	vld [tilespmem:s22+$0x60];
	_ =	sdelay $0x3  }
.Ltmp10:
0x405: {  	(pc) =	sbr.rel @p0 .LBB2_22-.Ltmp10, $3  }
0x406: {  	[tilespmem:v19+s0+$0x0] =	vst.idx.msk $0xffff, v18  }
0x407: {  	v19 =	vor.u32 v16, v17;
	v18 =	vld [tilespmem:s22+$0x70];
	_ =	sdelay $0x1  }
0x408: {  	v17 =	vmov s23;
	s23 =	sadd.s32 $0x1, s23  }
0x409: {  	_ =	sdelay $0x1  }
0x40a: {  	v17 =	vshll.u32 v17, $0x7  }
0x40b: {  	v17 =	vbroadcast v17, $0x0  }
0x40c: {  	s6 =	sadd.s32 $0x80, s22;
	[tilespmem:v19+s0+$0x0] =	vst.idx.msk $0xffff, v18  }
0x40d: {  	v18 =	vld [tilespmem:s6+$0xFFFFFC00];
	v19 =	vor.u32 v0, v17;
	_ =	sdelay $0x4  }
0x40e: {  	[tilespmem:v19+s0+$0x0] =	vst.idx.msk $0xffff, v18  }
0x40f: {  	v19 =	vor.u32 v2, v17;
	v18 =	vld [tilespmem:s6+$0xFFFFFC10];
	_ =	sdelay $0x4  }
0x410: {  	[tilespmem:v19+s0+$0x0] =	vst.idx.msk $0xffff, v18  }
0x411: {  	v19 =	vor.u32 v3, v17;
	v18 =	vld [tilespmem:s6+$0xFFFFFC20];
	_ =	sdelay $0x4  }
0x412: {  	[tilespmem:v19+s0+$0x0] =	vst.idx.msk $0xffff, v18  }
0x413: {  	v19 =	vor.u32 v4, v17;
	v18 =	vld [tilespmem:s6+$0xFFFFFC30];
	_ =	sdelay $0x4  }
0x414: {  	[tilespmem:v19+s0+$0x0] =	vst.idx.msk $0xffff, v18  }
0x415: {  	v19 =	vor.u32 v5, v17;
	v18 =	vld [tilespmem:s6+$0xFFFFFC40];
	_ =	sdelay $0x4  }
0x416: {  	[tilespmem:v19+s0+$0x0] =	vst.idx.msk $0xffff, v18  }
0x417: {  	v19 =	vor.u32 v6, v17;
	v18 =	vld [tilespmem:s6+$0xFFFFFC50];
	_ =	sdelay $0x4  }
0x418: {  	[tilespmem:v19+s0+$0x0] =	vst.idx.msk $0xffff, v18  }
0x419: {  	v19 =	vor.u32 v7, v17;
	v18 =	vld [tilespmem:s6+$0xFFFFFC60];
	_ =	sdelay $0x4  }
0x41a: {  	[tilespmem:v19+s0+$0x0] =	vst.idx.msk $0xffff, v18  }
0x41b: {  	v19 =	vor.u32 v8, v17;
	v18 =	vld [tilespmem:s6+$0xFFFFFC70];
	_ =	sdelay $0x4  }
0x41c: {  	[tilespmem:v19+s0+$0x0] =	vst.idx.msk $0xffff, v18  }
0x41d: {  	v19 =	vor.u32 v9, v17;
	v18 =	vld [tilespmem:s6+$0x0];
	_ =	sdelay $0x4  }
0x41e: {  	[tilespmem:v19+s0+$0x0] =	vst.idx.msk $0xffff, v18  }
0x41f: {  	v19 =	vor.u32 v10, v17;
	v18 =	vld [tilespmem:s6+$0x10];
	_ =	sdelay $0x4  }
0x420: {  	[tilespmem:v19+s0+$0x0] =	vst.idx.msk $0xffff, v18  }
0x421: {  	v19 =	vor.u32 v11, v17;
	v18 =	vld [tilespmem:s6+$0x20];
	_ =	sdelay $0x4  }
0x422: {  	[tilespmem:v19+s0+$0x0] =	vst.idx.msk $0xffff, v18  }
0x423: {  	v19 =	vor.u32 v12, v17;
	v18 =	vld [tilespmem:s6+$0x30];
	_ =	sdelay $0x4  }
0x424: {  	[tilespmem:v19+s0+$0x0] =	vst.idx.msk $0xffff, v18  }
0x425: {  	v19 =	vor.u32 v13, v17;
	v18 =	vld [tilespmem:s6+$0x40];
	_ =	sdelay $0x4  }
0x426: {  	[tilespmem:v19+s0+$0x0] =	vst.idx.msk $0xffff, v18  }
0x427: {  	v19 =	vor.u32 v14, v17;
	v18 =	vld [tilespmem:s6+$0x50];
	_ =	sdelay $0x4  }
0x428: {  	[tilespmem:v19+s0+$0x0] =	vst.idx.msk $0xffff, v18  }
0x429: {  	v19 =	vor.u32 v15, v17;
	v18 =	vld [tilespmem:s6+$0x60];
	_ =	sdelay $0x4  }
0x42a: {  	[tilespmem:v19+s0+$0x0] =	vst.idx.msk $0xffff, v18  }
0x42b: {  	v17 =	vor.u32 v16, v17;
	v18 =	vld [tilespmem:s6+$0x70];
	_ =	sdelay $0x4  }
0x42c: {  	s24 =	simm.s32 $0x0;
	s25 =	rddreg [dreg:$0xe];
	[tilespmem:v17+s0+$0x0] =	vst.idx.msk $0xffff, v18  }
0x42d: {  	[hbm4b:s25+s24] =	stream.linear.scatter [tilespmem:s0], [sflag:$0x5], $0x4000, $0x38;
	[tilespmem:$0x12000] =	vst v63  }
0x42e: {  	_ =	swait.ge [sflag:s2], $0x800  }
0x42f: {  	[sflag:s2] =	ssyncset.done $0x0  }
0x430: {  	v17 =	vmov s24;
	[sflag:s2] =	ssyncadd.s32 $0xFFFFF800  }
0x431: {  	v17 =	vshll.u32 v17, $0x7;
	_ =	swait.ge [sflag:s14], $0x4000  }
0x432: {  	v17 =	vbroadcast v17, $0x0;
	[sflag:s14] =	ssyncset.done $0x0  }
0x433: {  	s22 =	simm.s32 $0xC00;
	[sflag:s14] =	ssyncadd.s32 $0xFFFFC000  }
0x434: {  	v19 =	vor.u32 v0, v17;
	v18 =	vld [tilespmem:s22+$0xFFFFFC00];
	_ =	sdelay $0x4  }
0x435: {  	[tilespmem:v19+s7+$0x0] =	vst.idx.msk $0xffff, v18  }
0x436: {  	v19 =	vor.u32 v2, v17;
	v18 =	vld [tilespmem:s22+$0xFFFFFC10];
	_ =	sdelay $0x4  }
0x437: {  	[tilespmem:v19+s7+$0x0] =	vst.idx.msk $0xffff, v18  }
0x438: {  	v19 =	vor.u32 v3, v17;
	v18 =	vld [tilespmem:s22+$0xFFFFFC20];
	_ =	sdelay $0x4  }
0x439: {  	[tilespmem:v19+s7+$0x0] =	vst.idx.msk $0xffff, v18  }
0x43a: {  	v19 =	vor.u32 v4, v17;
	v18 =	vld [tilespmem:s22+$0xFFFFFC30];
	_ =	sdelay $0x4  }
0x43b: {  	[tilespmem:v19+s7+$0x0] =	vst.idx.msk $0xffff, v18  }
0x43c: {  	v19 =	vor.u32 v5, v17;
	v18 =	vld [tilespmem:s22+$0xFFFFFC40];
	_ =	sdelay $0x4  }
0x43d: {  	[tilespmem:v19+s7+$0x0] =	vst.idx.msk $0xffff, v18  }
0x43e: {  	v19 =	vor.u32 v6, v17;
	v18 =	vld [tilespmem:s22+$0xFFFFFC50];
	_ =	sdelay $0x4  }
0x43f: {  	[tilespmem:v19+s7+$0x0] =	vst.idx.msk $0xffff, v18  }
0x440: {  	v19 =	vor.u32 v7, v17;
	v18 =	vld [tilespmem:s22+$0xFFFFFC60];
	_ =	sdelay $0x4  }
0x441: {  	[tilespmem:v19+s7+$0x0] =	vst.idx.msk $0xffff, v18  }
0x442: {  	v19 =	vor.u32 v8, v17;
	v18 =	vld [tilespmem:s22+$0xFFFFFC70];
	_ =	sdelay $0x4  }
0x443: {  	[tilespmem:v19+s7+$0x0] =	vst.idx.msk $0xffff, v18  }
0x444: {  	v19 =	vor.u32 v9, v17;
	v18 =	vld [tilespmem:s22+$0x0];
	_ =	sdelay $0x4  }
0x445: {  	[tilespmem:v19+s7+$0x0] =	vst.idx.msk $0xffff, v18  }
0x446: {  	v19 =	vor.u32 v10, v17;
	v18 =	vld [tilespmem:s22+$0x10];
	_ =	sdelay $0x4  }
0x447: {  	[tilespmem:v19+s7+$0x0] =	vst.idx.msk $0xffff, v18  }
0x448: {  	v19 =	vor.u32 v11, v17;
	v18 =	vld [tilespmem:s22+$0x20];
	_ =	sdelay $0x4  }
0x449: {  	[tilespmem:v19+s7+$0x0] =	vst.idx.msk $0xffff, v18  }
0x44a: {  	v19 =	vor.u32 v12, v17;
	v18 =	vld [tilespmem:s22+$0x30];
	_ =	sdelay $0x4  }
0x44b: {  	[tilespmem:v19+s7+$0x0] =	vst.idx.msk $0xffff, v18  }
0x44c: {  	v19 =	vor.u32 v13, v17;
	v18 =	vld [tilespmem:s22+$0x40];
	_ =	sdelay $0x4  }
0x44d: {  	[tilespmem:v19+s7+$0x0] =	vst.idx.msk $0xffff, v18  }
0x44e: {  	v19 =	vor.u32 v14, v17;
	v18 =	vld [tilespmem:s22+$0x50];
	_ =	sdelay $0x4  }
0x44f: {  	[tilespmem:v19+s7+$0x0] =	vst.idx.msk $0xffff, v18  }
0x450: {  	v19 =	vor.u32 v15, v17;
	v18 =	vld [tilespmem:s22+$0x60];
	_ =	sdelay $0x4  }
0x451: {  	[tilespmem:v19+s7+$0x0] =	vst.idx.msk $0xffff, v18  }
0x452: {  	v19 =	vor.u32 v16, v17;
	v18 =	vld [tilespmem:s22+$0x70]  }
0x453: {  	s26 =	simm.s32 $0x1  }
0x454: {  	s23 =	simm.s32 $0x2;
	v17 =	vmov s26  }
.LBB2_24:
0x455: {  	p0 =	sne.s32 s23, $0x7;
	v17 =	vshll.u32 v17, $0x7  }
0x456: {  	v17 =	vbroadcast v17, $0x0  }
0x457: {  	s22 =	sadd.s32 $0x80, s22;
	[tilespmem:v19+s7+$0x0] =	vst.idx.msk $0xffff, v18  }
0x458: {  	v18 =	vld [tilespmem:s22+$0xFFFFFC00];
	v19 =	vor.u32 v0, v17;
	_ =	sdelay $0x4  }
0x459: {  	[tilespmem:v19+s7+$0x0] =	vst.idx.msk $0xffff, v18  }
0x45a: {  	v19 =	vor.u32 v2, v17;
	v18 =	vld [tilespmem:s22+$0xFFFFFC10];
	_ =	sdelay $0x4  }
0x45b: {  	[tilespmem:v19+s7+$0x0] =	vst.idx.msk $0xffff, v18  }
0x45c: {  	v19 =	vor.u32 v3, v17;
	v18 =	vld [tilespmem:s22+$0xFFFFFC20];
	_ =	sdelay $0x4  }
0x45d: {  	[tilespmem:v19+s7+$0x0] =	vst.idx.msk $0xffff, v18  }
0x45e: {  	v19 =	vor.u32 v4, v17;
	v18 =	vld [tilespmem:s22+$0xFFFFFC30];
	_ =	sdelay $0x4  }
0x45f: {  	[tilespmem:v19+s7+$0x0] =	vst.idx.msk $0xffff, v18  }
0x460: {  	v19 =	vor.u32 v5, v17;
	v18 =	vld [tilespmem:s22+$0xFFFFFC40];
	_ =	sdelay $0x4  }
0x461: {  	[tilespmem:v19+s7+$0x0] =	vst.idx.msk $0xffff, v18  }
0x462: {  	v19 =	vor.u32 v6, v17;
	v18 =	vld [tilespmem:s22+$0xFFFFFC50];
	_ =	sdelay $0x4  }
0x463: {  	[tilespmem:v19+s7+$0x0] =	vst.idx.msk $0xffff, v18  }
0x464: {  	v19 =	vor.u32 v7, v17;
	v18 =	vld [tilespmem:s22+$0xFFFFFC60];
	_ =	sdelay $0x4  }
0x465: {  	[tilespmem:v19+s7+$0x0] =	vst.idx.msk $0xffff, v18  }
0x466: {  	v19 =	vor.u32 v8, v17;
	v18 =	vld [tilespmem:s22+$0xFFFFFC70];
	_ =	sdelay $0x4  }
0x467: {  	[tilespmem:v19+s7+$0x0] =	vst.idx.msk $0xffff, v18  }
0x468: {  	v19 =	vor.u32 v9, v17;
	v18 =	vld [tilespmem:s22+$0x0];
	_ =	sdelay $0x4  }
0x469: {  	[tilespmem:v19+s7+$0x0] =	vst.idx.msk $0xffff, v18  }
0x46a: {  	v19 =	vor.u32 v10, v17;
	v18 =	vld [tilespmem:s22+$0x10];
	_ =	sdelay $0x4  }
0x46b: {  	[tilespmem:v19+s7+$0x0] =	vst.idx.msk $0xffff, v18  }
0x46c: {  	v19 =	vor.u32 v11, v17;
	v18 =	vld [tilespmem:s22+$0x20];
	_ =	sdelay $0x4  }
0x46d: {  	[tilespmem:v19+s7+$0x0] =	vst.idx.msk $0xffff, v18  }
0x46e: {  	v19 =	vor.u32 v12, v17;
	v18 =	vld [tilespmem:s22+$0x30];
	_ =	sdelay $0x4  }
0x46f: {  	[tilespmem:v19+s7+$0x0] =	vst.idx.msk $0xffff, v18  }
0x470: {  	v19 =	vor.u32 v13, v17;
	v18 =	vld [tilespmem:s22+$0x40];
	_ =	sdelay $0x4  }
0x471: {  	[tilespmem:v19+s7+$0x0] =	vst.idx.msk $0xffff, v18  }
0x472: {  	v19 =	vor.u32 v14, v17;
	v18 =	vld [tilespmem:s22+$0x50];
	_ =	sdelay $0x4  }
0x473: {  	[tilespmem:v19+s7+$0x0] =	vst.idx.msk $0xffff, v18  }
0x474: {  	v19 =	vor.u32 v15, v17;
	v18 =	vld [tilespmem:s22+$0x60];
	_ =	sdelay $0x3  }
.Ltmp11:
0x475: {  	(pc) =	sbr.rel @p0 .LBB2_24-.Ltmp11, $3  }
0x476: {  	[tilespmem:v19+s7+$0x0] =	vst.idx.msk $0xffff, v18  }
0x477: {  	v19 =	vor.u32 v16, v17;
	v18 =	vld [tilespmem:s22+$0x70];
	_ =	sdelay $0x1  }
0x478: {  	v17 =	vmov s23;
	s23 =	sadd.s32 $0x1, s23  }
0x479: {  	_ =	sdelay $0x1  }
0x47a: {  	v17 =	vshll.u32 v17, $0x7  }
0x47b: {  	v17 =	vbroadcast v17, $0x0  }
0x47c: {  	s6 =	sadd.s32 $0x80, s22;
	[tilespmem:v19+s7+$0x0] =	vst.idx.msk $0xffff, v18  }
0x47d: {  	v18 =	vld [tilespmem:s6+$0xFFFFFC00];
	v19 =	vor.u32 v0, v17;
	_ =	sdelay $0x4  }
0x47e: {  	[tilespmem:v19+s7+$0x0] =	vst.idx.msk $0xffff, v18  }
0x47f: {  	v19 =	vor.u32 v2, v17;
	v18 =	vld [tilespmem:s6+$0xFFFFFC10];
	_ =	sdelay $0x4  }
0x480: {  	[tilespmem:v19+s7+$0x0] =	vst.idx.msk $0xffff, v18  }
0x481: {  	v19 =	vor.u32 v3, v17;
	v18 =	vld [tilespmem:s6+$0xFFFFFC20];
	_ =	sdelay $0x4  }
0x482: {  	[tilespmem:v19+s7+$0x0] =	vst.idx.msk $0xffff, v18  }
0x483: {  	v19 =	vor.u32 v4, v17;
	v18 =	vld [tilespmem:s6+$0xFFFFFC30];
	_ =	sdelay $0x4  }
0x484: {  	[tilespmem:v19+s7+$0x0] =	vst.idx.msk $0xffff, v18  }
0x485: {  	v19 =	vor.u32 v5, v17;
	v18 =	vld [tilespmem:s6+$0xFFFFFC40];
	_ =	sdelay $0x4  }
0x486: {  	[tilespmem:v19+s7+$0x0] =	vst.idx.msk $0xffff, v18  }
0x487: {  	v19 =	vor.u32 v6, v17;
	v18 =	vld [tilespmem:s6+$0xFFFFFC50];
	_ =	sdelay $0x4  }
0x488: {  	[tilespmem:v19+s7+$0x0] =	vst.idx.msk $0xffff, v18  }
0x489: {  	v19 =	vor.u32 v7, v17;
	v18 =	vld [tilespmem:s6+$0xFFFFFC60];
	_ =	sdelay $0x4  }
0x48a: {  	[tilespmem:v19+s7+$0x0] =	vst.idx.msk $0xffff, v18  }
0x48b: {  	v19 =	vor.u32 v8, v17;
	v18 =	vld [tilespmem:s6+$0xFFFFFC70];
	_ =	sdelay $0x4  }
0x48c: {  	[tilespmem:v19+s7+$0x0] =	vst.idx.msk $0xffff, v18  }
0x48d: {  	v19 =	vor.u32 v9, v17;
	v18 =	vld [tilespmem:s6+$0x0];
	_ =	sdelay $0x4  }
0x48e: {  	[tilespmem:v19+s7+$0x0] =	vst.idx.msk $0xffff, v18  }
0x48f: {  	v19 =	vor.u32 v10, v17;
	v18 =	vld [tilespmem:s6+$0x10];
	_ =	sdelay $0x4  }
0x490: {  	[tilespmem:v19+s7+$0x0] =	vst.idx.msk $0xffff, v18  }
0x491: {  	v19 =	vor.u32 v11, v17;
	v18 =	vld [tilespmem:s6+$0x20];
	_ =	sdelay $0x4  }
0x492: {  	[tilespmem:v19+s7+$0x0] =	vst.idx.msk $0xffff, v18  }
0x493: {  	v19 =	vor.u32 v12, v17;
	v18 =	vld [tilespmem:s6+$0x30];
	_ =	sdelay $0x4  }
0x494: {  	[tilespmem:v19+s7+$0x0] =	vst.idx.msk $0xffff, v18  }
0x495: {  	v19 =	vor.u32 v13, v17;
	v18 =	vld [tilespmem:s6+$0x40];
	_ =	sdelay $0x4  }
0x496: {  	[tilespmem:v19+s7+$0x0] =	vst.idx.msk $0xffff, v18  }
0x497: {  	v19 =	vor.u32 v14, v17;
	v18 =	vld [tilespmem:s6+$0x50];
	_ =	sdelay $0x4  }
0x498: {  	[tilespmem:v19+s7+$0x0] =	vst.idx.msk $0xffff, v18  }
0x499: {  	v19 =	vor.u32 v15, v17;
	v18 =	vld [tilespmem:s6+$0x60];
	_ =	sdelay $0x4  }
0x49a: {  	[tilespmem:v19+s7+$0x0] =	vst.idx.msk $0xffff, v18  }
0x49b: {  	v17 =	vor.u32 v16, v17;
	v18 =	vld [tilespmem:s6+$0x70];
	_ =	sdelay $0x4  }
0x49c: {  	s24 =	simm.s32 $0x0;
	s25 =	rddreg [dreg:$0xf];
	[tilespmem:v17+s7+$0x0] =	vst.idx.msk $0xffff, v18  }
0x49d: {  	[hbm4b:s25+s24] =	stream.linear.scatter [tilespmem:s7], [sflag:$0x6], $0x4000, $0x38;
	[tilespmem:$0x12000] =	vst v63  }
0x49e: {  	_ =	swait.ge [sflag:s8], $0x800  }
0x49f: {  	[sflag:s8] =	ssyncset.done $0x0  }
0x4a0: {  	v17 =	vmov s24;
	[sflag:s8] =	ssyncadd.s32 $0xFFFFF800  }
0x4a1: {  	v17 =	vshll.u32 v17, $0x7;
	_ =	swait.ge [sflag:s15], $0x4000  }
0x4a2: {  	v17 =	vbroadcast v17, $0x0;
	[sflag:s15] =	ssyncset.done $0x0  }
0x4a3: {  	s22 =	simm.s32 $0x1400;
	[sflag:s15] =	ssyncadd.s32 $0xFFFFC000  }
0x4a4: {  	v19 =	vor.u32 v0, v17;
	v18 =	vld [tilespmem:s22+$0xFFFFFC00];
	_ =	sdelay $0x4  }
0x4a5: {  	[tilespmem:v19+s9+$0x0] =	vst.idx.msk $0xffff, v18  }
0x4a6: {  	v19 =	vor.u32 v2, v17;
	v18 =	vld [tilespmem:s22+$0xFFFFFC10];
	_ =	sdelay $0x4  }
0x4a7: {  	[tilespmem:v19+s9+$0x0] =	vst.idx.msk $0xffff, v18  }
0x4a8: {  	v19 =	vor.u32 v3, v17;
	v18 =	vld [tilespmem:s22+$0xFFFFFC20];
	_ =	sdelay $0x4  }
0x4a9: {  	[tilespmem:v19+s9+$0x0] =	vst.idx.msk $0xffff, v18  }
0x4aa: {  	v19 =	vor.u32 v4, v17;
	v18 =	vld [tilespmem:s22+$0xFFFFFC30];
	_ =	sdelay $0x4  }
0x4ab: {  	[tilespmem:v19+s9+$0x0] =	vst.idx.msk $0xffff, v18  }
0x4ac: {  	v19 =	vor.u32 v5, v17;
	v18 =	vld [tilespmem:s22+$0xFFFFFC40];
	_ =	sdelay $0x4  }
0x4ad: {  	[tilespmem:v19+s9+$0x0] =	vst.idx.msk $0xffff, v18  }
0x4ae: {  	v19 =	vor.u32 v6, v17;
	v18 =	vld [tilespmem:s22+$0xFFFFFC50];
	_ =	sdelay $0x4  }
0x4af: {  	[tilespmem:v19+s9+$0x0] =	vst.idx.msk $0xffff, v18  }
0x4b0: {  	v19 =	vor.u32 v7, v17;
	v18 =	vld [tilespmem:s22+$0xFFFFFC60];
	_ =	sdelay $0x4  }
0x4b1: {  	[tilespmem:v19+s9+$0x0] =	vst.idx.msk $0xffff, v18  }
0x4b2: {  	v19 =	vor.u32 v8, v17;
	v18 =	vld [tilespmem:s22+$0xFFFFFC70];
	_ =	sdelay $0x4  }
0x4b3: {  	[tilespmem:v19+s9+$0x0] =	vst.idx.msk $0xffff, v18  }
0x4b4: {  	v19 =	vor.u32 v9, v17;
	v18 =	vld [tilespmem:s22+$0x0];
	_ =	sdelay $0x4  }
0x4b5: {  	[tilespmem:v19+s9+$0x0] =	vst.idx.msk $0xffff, v18  }
0x4b6: {  	v19 =	vor.u32 v10, v17;
	v18 =	vld [tilespmem:s22+$0x10];
	_ =	sdelay $0x4  }
0x4b7: {  	[tilespmem:v19+s9+$0x0] =	vst.idx.msk $0xffff, v18  }
0x4b8: {  	v19 =	vor.u32 v11, v17;
	v18 =	vld [tilespmem:s22+$0x20];
	_ =	sdelay $0x4  }
0x4b9: {  	[tilespmem:v19+s9+$0x0] =	vst.idx.msk $0xffff, v18  }
0x4ba: {  	v19 =	vor.u32 v12, v17;
	v18 =	vld [tilespmem:s22+$0x30];
	_ =	sdelay $0x4  }
0x4bb: {  	[tilespmem:v19+s9+$0x0] =	vst.idx.msk $0xffff, v18  }
0x4bc: {  	v19 =	vor.u32 v13, v17;
	v18 =	vld [tilespmem:s22+$0x40];
	_ =	sdelay $0x4  }
0x4bd: {  	[tilespmem:v19+s9+$0x0] =	vst.idx.msk $0xffff, v18  }
0x4be: {  	v19 =	vor.u32 v14, v17;
	v18 =	vld [tilespmem:s22+$0x50];
	_ =	sdelay $0x4  }
0x4bf: {  	[tilespmem:v19+s9+$0x0] =	vst.idx.msk $0xffff, v18  }
0x4c0: {  	v19 =	vor.u32 v15, v17;
	v18 =	vld [tilespmem:s22+$0x60];
	_ =	sdelay $0x4  }
0x4c1: {  	[tilespmem:v19+s9+$0x0] =	vst.idx.msk $0xffff, v18  }
0x4c2: {  	v19 =	vor.u32 v16, v17;
	v18 =	vld [tilespmem:s22+$0x70]  }
0x4c3: {  	s26 =	simm.s32 $0x1  }
0x4c4: {  	s23 =	simm.s32 $0x2;
	v17 =	vmov s26  }
.LBB2_26:
0x4c5: {  	p0 =	sne.s32 s23, $0x7;
	v17 =	vshll.u32 v17, $0x7  }
0x4c6: {  	v17 =	vbroadcast v17, $0x0  }
0x4c7: {  	s22 =	sadd.s32 $0x80, s22;
	[tilespmem:v19+s9+$0x0] =	vst.idx.msk $0xffff, v18  }
0x4c8: {  	v18 =	vld [tilespmem:s22+$0xFFFFFC00];
	v19 =	vor.u32 v0, v17;
	_ =	sdelay $0x4  }
0x4c9: {  	[tilespmem:v19+s9+$0x0] =	vst.idx.msk $0xffff, v18  }
0x4ca: {  	v19 =	vor.u32 v2, v17;
	v18 =	vld [tilespmem:s22+$0xFFFFFC10];
	_ =	sdelay $0x4  }
0x4cb: {  	[tilespmem:v19+s9+$0x0] =	vst.idx.msk $0xffff, v18  }
0x4cc: {  	v19 =	vor.u32 v3, v17;
	v18 =	vld [tilespmem:s22+$0xFFFFFC20];
	_ =	sdelay $0x4  }
0x4cd: {  	[tilespmem:v19+s9+$0x0] =	vst.idx.msk $0xffff, v18  }
0x4ce: {  	v19 =	vor.u32 v4, v17;
	v18 =	vld [tilespmem:s22+$0xFFFFFC30];
	_ =	sdelay $0x4  }
0x4cf: {  	[tilespmem:v19+s9+$0x0] =	vst.idx.msk $0xffff, v18  }
0x4d0: {  	v19 =	vor.u32 v5, v17;
	v18 =	vld [tilespmem:s22+$0xFFFFFC40];
	_ =	sdelay $0x4  }
0x4d1: {  	[tilespmem:v19+s9+$0x0] =	vst.idx.msk $0xffff, v18  }
0x4d2: {  	v19 =	vor.u32 v6, v17;
	v18 =	vld [tilespmem:s22+$0xFFFFFC50];
	_ =	sdelay $0x4  }
0x4d3: {  	[tilespmem:v19+s9+$0x0] =	vst.idx.msk $0xffff, v18  }
0x4d4: {  	v19 =	vor.u32 v7, v17;
	v18 =	vld [tilespmem:s22+$0xFFFFFC60];
	_ =	sdelay $0x4  }
0x4d5: {  	[tilespmem:v19+s9+$0x0] =	vst.idx.msk $0xffff, v18  }
0x4d6: {  	v19 =	vor.u32 v8, v17;
	v18 =	vld [tilespmem:s22+$0xFFFFFC70];
	_ =	sdelay $0x4  }
0x4d7: {  	[tilespmem:v19+s9+$0x0] =	vst.idx.msk $0xffff, v18  }
0x4d8: {  	v19 =	vor.u32 v9, v17;
	v18 =	vld [tilespmem:s22+$0x0];
	_ =	sdelay $0x4  }
0x4d9: {  	[tilespmem:v19+s9+$0x0] =	vst.idx.msk $0xffff, v18  }
0x4da: {  	v19 =	vor.u32 v10, v17;
	v18 =	vld [tilespmem:s22+$0x10];
	_ =	sdelay $0x4  }
0x4db: {  	[tilespmem:v19+s9+$0x0] =	vst.idx.msk $0xffff, v18  }
0x4dc: {  	v19 =	vor.u32 v11, v17;
	v18 =	vld [tilespmem:s22+$0x20];
	_ =	sdelay $0x4  }
0x4dd: {  	[tilespmem:v19+s9+$0x0] =	vst.idx.msk $0xffff, v18  }
0x4de: {  	v19 =	vor.u32 v12, v17;
	v18 =	vld [tilespmem:s22+$0x30];
	_ =	sdelay $0x4  }
0x4df: {  	[tilespmem:v19+s9+$0x0] =	vst.idx.msk $0xffff, v18  }
0x4e0: {  	v19 =	vor.u32 v13, v17;
	v18 =	vld [tilespmem:s22+$0x40];
	_ =	sdelay $0x4  }
0x4e1: {  	[tilespmem:v19+s9+$0x0] =	vst.idx.msk $0xffff, v18  }
0x4e2: {  	v19 =	vor.u32 v14, v17;
	v18 =	vld [tilespmem:s22+$0x50];
	_ =	sdelay $0x4  }
0x4e3: {  	[tilespmem:v19+s9+$0x0] =	vst.idx.msk $0xffff, v18  }
0x4e4: {  	v19 =	vor.u32 v15, v17;
	v18 =	vld [tilespmem:s22+$0x60];
	_ =	sdelay $0x3  }
.Ltmp12:
0x4e5: {  	(pc) =	sbr.rel @p0 .LBB2_26-.Ltmp12, $3  }
0x4e6: {  	[tilespmem:v19+s9+$0x0] =	vst.idx.msk $0xffff, v18  }
0x4e7: {  	v19 =	vor.u32 v16, v17;
	v18 =	vld [tilespmem:s22+$0x70];
	_ =	sdelay $0x1  }
0x4e8: {  	v17 =	vmov s23;
	s23 =	sadd.s32 $0x1, s23  }
0x4e9: {  	_ =	sdelay $0x1  }
0x4ea: {  	v17 =	vshll.u32 v17, $0x7  }
0x4eb: {  	v17 =	vbroadcast v17, $0x0  }
0x4ec: {  	s6 =	sadd.s32 $0x80, s22;
	[tilespmem:v19+s9+$0x0] =	vst.idx.msk $0xffff, v18  }
0x4ed: {  	v18 =	vld [tilespmem:s6+$0xFFFFFC00];
	v19 =	vor.u32 v0, v17;
	_ =	sdelay $0x4  }
0x4ee: {  	[tilespmem:v19+s9+$0x0] =	vst.idx.msk $0xffff, v18  }
0x4ef: {  	v19 =	vor.u32 v2, v17;
	v18 =	vld [tilespmem:s6+$0xFFFFFC10];
	_ =	sdelay $0x4  }
0x4f0: {  	[tilespmem:v19+s9+$0x0] =	vst.idx.msk $0xffff, v18  }
0x4f1: {  	v19 =	vor.u32 v3, v17;
	v18 =	vld [tilespmem:s6+$0xFFFFFC20];
	_ =	sdelay $0x4  }
0x4f2: {  	[tilespmem:v19+s9+$0x0] =	vst.idx.msk $0xffff, v18  }
0x4f3: {  	v19 =	vor.u32 v4, v17;
	v18 =	vld [tilespmem:s6+$0xFFFFFC30];
	_ =	sdelay $0x4  }
0x4f4: {  	[tilespmem:v19+s9+$0x0] =	vst.idx.msk $0xffff, v18  }
0x4f5: {  	v19 =	vor.u32 v5, v17;
	v18 =	vld [tilespmem:s6+$0xFFFFFC40];
	_ =	sdelay $0x4  }
0x4f6: {  	[tilespmem:v19+s9+$0x0] =	vst.idx.msk $0xffff, v18  }
0x4f7: {  	v19 =	vor.u32 v6, v17;
	v18 =	vld [tilespmem:s6+$0xFFFFFC50];
	_ =	sdelay $0x4  }
0x4f8: {  	[tilespmem:v19+s9+$0x0] =	vst.idx.msk $0xffff, v18  }
0x4f9: {  	v19 =	vor.u32 v7, v17;
	v18 =	vld [tilespmem:s6+$0xFFFFFC60];
	_ =	sdelay $0x4  }
0x4fa: {  	[tilespmem:v19+s9+$0x0] =	vst.idx.msk $0xffff, v18  }
0x4fb: {  	v19 =	vor.u32 v8, v17;
	v18 =	vld [tilespmem:s6+$0xFFFFFC70];
	_ =	sdelay $0x4  }
0x4fc: {  	[tilespmem:v19+s9+$0x0] =	vst.idx.msk $0xffff, v18  }
0x4fd: {  	v19 =	vor.u32 v9, v17;
	v18 =	vld [tilespmem:s6+$0x0];
	_ =	sdelay $0x4  }
0x4fe: {  	[tilespmem:v19+s9+$0x0] =	vst.idx.msk $0xffff, v18  }
0x4ff: {  	v19 =	vor.u32 v10, v17;
	v18 =	vld [tilespmem:s6+$0x10];
	_ =	sdelay $0x4  }
0x500: {  	[tilespmem:v19+s9+$0x0] =	vst.idx.msk $0xffff, v18  }
0x501: {  	v19 =	vor.u32 v11, v17;
	v18 =	vld [tilespmem:s6+$0x20];
	_ =	sdelay $0x4  }
0x502: {  	[tilespmem:v19+s9+$0x0] =	vst.idx.msk $0xffff, v18  }
0x503: {  	v19 =	vor.u32 v12, v17;
	v18 =	vld [tilespmem:s6+$0x30];
	_ =	sdelay $0x4  }
0x504: {  	[tilespmem:v19+s9+$0x0] =	vst.idx.msk $0xffff, v18  }
0x505: {  	v19 =	vor.u32 v13, v17;
	v18 =	vld [tilespmem:s6+$0x40];
	_ =	sdelay $0x4  }
0x506: {  	[tilespmem:v19+s9+$0x0] =	vst.idx.msk $0xffff, v18  }
0x507: {  	v19 =	vor.u32 v14, v17;
	v18 =	vld [tilespmem:s6+$0x50];
	_ =	sdelay $0x4  }
0x508: {  	[tilespmem:v19+s9+$0x0] =	vst.idx.msk $0xffff, v18  }
0x509: {  	v19 =	vor.u32 v15, v17;
	v18 =	vld [tilespmem:s6+$0x60];
	_ =	sdelay $0x4  }
0x50a: {  	[tilespmem:v19+s9+$0x0] =	vst.idx.msk $0xffff, v18  }
0x50b: {  	v17 =	vor.u32 v16, v17;
	v18 =	vld [tilespmem:s6+$0x70];
	_ =	sdelay $0x4  }
0x50c: {  	s24 =	simm.s32 $0x0;
	s25 =	rddreg [dreg:$0x10];
	[tilespmem:v17+s9+$0x0] =	vst.idx.msk $0xffff, v18  }
0x50d: {  	[hbm4b:s25+s24] =	stream.linear.scatter [tilespmem:s9], [sflag:$0x7], $0x4000, $0x38;
	[tilespmem:$0x12000] =	vst v63  }
0x50e: {  	_ =	swait.ge [sflag:s11], $0x800  }
0x50f: {  	[sflag:s11] =	ssyncset.done $0x0  }
0x510: {  	v17 =	vmov s24;
	[sflag:s11] =	ssyncadd.s32 $0xFFFFF800  }
0x511: {  	v17 =	vshll.u32 v17, $0x7;
	_ =	swait.ge [sflag:s16], $0x4000  }
0x512: {  	v17 =	vbroadcast v17, $0x0;
	[sflag:s16] =	ssyncset.done $0x0  }
0x513: {  	s22 =	simm.s32 $0x1C00;
	[sflag:s16] =	ssyncadd.s32 $0xFFFFC000  }
0x514: {  	v19 =	vor.u32 v0, v17;
	v18 =	vld [tilespmem:s22+$0xFFFFFC00];
	_ =	sdelay $0x4  }
0x515: {  	[tilespmem:v19+s12+$0x0] =	vst.idx.msk $0xffff, v18  }
0x516: {  	v19 =	vor.u32 v2, v17;
	v18 =	vld [tilespmem:s22+$0xFFFFFC10];
	_ =	sdelay $0x4  }
0x517: {  	[tilespmem:v19+s12+$0x0] =	vst.idx.msk $0xffff, v18  }
0x518: {  	v19 =	vor.u32 v3, v17;
	v18 =	vld [tilespmem:s22+$0xFFFFFC20];
	_ =	sdelay $0x4  }
0x519: {  	[tilespmem:v19+s12+$0x0] =	vst.idx.msk $0xffff, v18  }
0x51a: {  	v19 =	vor.u32 v4, v17;
	v18 =	vld [tilespmem:s22+$0xFFFFFC30];
	_ =	sdelay $0x4  }
0x51b: {  	[tilespmem:v19+s12+$0x0] =	vst.idx.msk $0xffff, v18  }
0x51c: {  	v19 =	vor.u32 v5, v17;
	v18 =	vld [tilespmem:s22+$0xFFFFFC40];
	_ =	sdelay $0x4  }
0x51d: {  	[tilespmem:v19+s12+$0x0] =	vst.idx.msk $0xffff, v18  }
0x51e: {  	v19 =	vor.u32 v6, v17;
	v18 =	vld [tilespmem:s22+$0xFFFFFC50];
	_ =	sdelay $0x4  }
0x51f: {  	[tilespmem:v19+s12+$0x0] =	vst.idx.msk $0xffff, v18  }
0x520: {  	v19 =	vor.u32 v7, v17;
	v18 =	vld [tilespmem:s22+$0xFFFFFC60];
	_ =	sdelay $0x4  }
0x521: {  	[tilespmem:v19+s12+$0x0] =	vst.idx.msk $0xffff, v18  }
0x522: {  	v19 =	vor.u32 v8, v17;
	v18 =	vld [tilespmem:s22+$0xFFFFFC70];
	_ =	sdelay $0x4  }
0x523: {  	[tilespmem:v19+s12+$0x0] =	vst.idx.msk $0xffff, v18  }
0x524: {  	v19 =	vor.u32 v9, v17;
	v18 =	vld [tilespmem:s22+$0x0];
	_ =	sdelay $0x4  }
0x525: {  	[tilespmem:v19+s12+$0x0] =	vst.idx.msk $0xffff, v18  }
0x526: {  	v19 =	vor.u32 v10, v17;
	v18 =	vld [tilespmem:s22+$0x10];
	_ =	sdelay $0x4  }
0x527: {  	[tilespmem:v19+s12+$0x0] =	vst.idx.msk $0xffff, v18  }
0x528: {  	v19 =	vor.u32 v11, v17;
	v18 =	vld [tilespmem:s22+$0x20];
	_ =	sdelay $0x4  }
0x529: {  	[tilespmem:v19+s12+$0x0] =	vst.idx.msk $0xffff, v18  }
0x52a: {  	v19 =	vor.u32 v12, v17;
	v18 =	vld [tilespmem:s22+$0x30];
	_ =	sdelay $0x4  }
0x52b: {  	[tilespmem:v19+s12+$0x0] =	vst.idx.msk $0xffff, v18  }
0x52c: {  	v19 =	vor.u32 v13, v17;
	v18 =	vld [tilespmem:s22+$0x40];
	_ =	sdelay $0x4  }
0x52d: {  	[tilespmem:v19+s12+$0x0] =	vst.idx.msk $0xffff, v18  }
0x52e: {  	v19 =	vor.u32 v14, v17;
	v18 =	vld [tilespmem:s22+$0x50];
	_ =	sdelay $0x4  }
0x52f: {  	[tilespmem:v19+s12+$0x0] =	vst.idx.msk $0xffff, v18  }
0x530: {  	v19 =	vor.u32 v15, v17;
	v18 =	vld [tilespmem:s22+$0x60];
	_ =	sdelay $0x4  }
0x531: {  	[tilespmem:v19+s12+$0x0] =	vst.idx.msk $0xffff, v18  }
0x532: {  	v19 =	vor.u32 v16, v17;
	v18 =	vld [tilespmem:s22+$0x70]  }
0x533: {  	s26 =	simm.s32 $0x1  }
0x534: {  	s23 =	simm.s32 $0x2;
	v17 =	vmov s26  }
.LBB2_28:
0x535: {  	p0 =	sne.s32 s23, $0x7;
	v17 =	vshll.u32 v17, $0x7  }
0x536: {  	v17 =	vbroadcast v17, $0x0  }
0x537: {  	s22 =	sadd.s32 $0x80, s22;
	[tilespmem:v19+s12+$0x0] =	vst.idx.msk $0xffff, v18  }
0x538: {  	v18 =	vld [tilespmem:s22+$0xFFFFFC00];
	v19 =	vor.u32 v0, v17;
	_ =	sdelay $0x4  }
0x539: {  	[tilespmem:v19+s12+$0x0] =	vst.idx.msk $0xffff, v18  }
0x53a: {  	v19 =	vor.u32 v2, v17;
	v18 =	vld [tilespmem:s22+$0xFFFFFC10];
	_ =	sdelay $0x4  }
0x53b: {  	[tilespmem:v19+s12+$0x0] =	vst.idx.msk $0xffff, v18  }
0x53c: {  	v19 =	vor.u32 v3, v17;
	v18 =	vld [tilespmem:s22+$0xFFFFFC20];
	_ =	sdelay $0x4  }
0x53d: {  	[tilespmem:v19+s12+$0x0] =	vst.idx.msk $0xffff, v18  }
0x53e: {  	v19 =	vor.u32 v4, v17;
	v18 =	vld [tilespmem:s22+$0xFFFFFC30];
	_ =	sdelay $0x4  }
0x53f: {  	[tilespmem:v19+s12+$0x0] =	vst.idx.msk $0xffff, v18  }
0x540: {  	v19 =	vor.u32 v5, v17;
	v18 =	vld [tilespmem:s22+$0xFFFFFC40];
	_ =	sdelay $0x4  }
0x541: {  	[tilespmem:v19+s12+$0x0] =	vst.idx.msk $0xffff, v18  }
0x542: {  	v19 =	vor.u32 v6, v17;
	v18 =	vld [tilespmem:s22+$0xFFFFFC50];
	_ =	sdelay $0x4  }
0x543: {  	[tilespmem:v19+s12+$0x0] =	vst.idx.msk $0xffff, v18  }
0x544: {  	v19 =	vor.u32 v7, v17;
	v18 =	vld [tilespmem:s22+$0xFFFFFC60];
	_ =	sdelay $0x4  }
0x545: {  	[tilespmem:v19+s12+$0x0] =	vst.idx.msk $0xffff, v18  }
0x546: {  	v19 =	vor.u32 v8, v17;
	v18 =	vld [tilespmem:s22+$0xFFFFFC70];
	_ =	sdelay $0x4  }
0x547: {  	[tilespmem:v19+s12+$0x0] =	vst.idx.msk $0xffff, v18  }
0x548: {  	v19 =	vor.u32 v9, v17;
	v18 =	vld [tilespmem:s22+$0x0];
	_ =	sdelay $0x4  }
0x549: {  	[tilespmem:v19+s12+$0x0] =	vst.idx.msk $0xffff, v18  }
0x54a: {  	v19 =	vor.u32 v10, v17;
	v18 =	vld [tilespmem:s22+$0x10];
	_ =	sdelay $0x4  }
0x54b: {  	[tilespmem:v19+s12+$0x0] =	vst.idx.msk $0xffff, v18  }
0x54c: {  	v19 =	vor.u32 v11, v17;
	v18 =	vld [tilespmem:s22+$0x20];
	_ =	sdelay $0x4  }
0x54d: {  	[tilespmem:v19+s12+$0x0] =	vst.idx.msk $0xffff, v18  }
0x54e: {  	v19 =	vor.u32 v12, v17;
	v18 =	vld [tilespmem:s22+$0x30];
	_ =	sdelay $0x4  }
0x54f: {  	[tilespmem:v19+s12+$0x0] =	vst.idx.msk $0xffff, v18  }
0x550: {  	v19 =	vor.u32 v13, v17;
	v18 =	vld [tilespmem:s22+$0x40];
	_ =	sdelay $0x4  }
0x551: {  	[tilespmem:v19+s12+$0x0] =	vst.idx.msk $0xffff, v18  }
0x552: {  	v19 =	vor.u32 v14, v17;
	v18 =	vld [tilespmem:s22+$0x50];
	_ =	sdelay $0x4  }
0x553: {  	[tilespmem:v19+s12+$0x0] =	vst.idx.msk $0xffff, v18  }
0x554: {  	v19 =	vor.u32 v15, v17;
	v18 =	vld [tilespmem:s22+$0x60];
	_ =	sdelay $0x3  }
.Ltmp13:
0x555: {  	(pc) =	sbr.rel @p0 .LBB2_28-.Ltmp13, $3  }
0x556: {  	[tilespmem:v19+s12+$0x0] =	vst.idx.msk $0xffff, v18  }
0x557: {  	v19 =	vor.u32 v16, v17;
	v18 =	vld [tilespmem:s22+$0x70];
	_ =	sdelay $0x1  }
0x558: {  	v17 =	vmov s23;
	s23 =	sadd.s32 $0x1, s23  }
0x559: {  	_ =	sdelay $0x1  }
0x55a: {  	v17 =	vshll.u32 v17, $0x7  }
0x55b: {  	v17 =	vbroadcast v17, $0x0  }
0x55c: {  	s6 =	sadd.s32 $0x80, s22;
	[tilespmem:v19+s12+$0x0] =	vst.idx.msk $0xffff, v18  }
0x55d: {  	v18 =	vld [tilespmem:s6+$0xFFFFFC00];
	v19 =	vor.u32 v0, v17;
	_ =	sdelay $0x4  }
0x55e: {  	[tilespmem:v19+s12+$0x0] =	vst.idx.msk $0xffff, v18  }
0x55f: {  	v19 =	vor.u32 v2, v17;
	v18 =	vld [tilespmem:s6+$0xFFFFFC10];
	_ =	sdelay $0x4  }
0x560: {  	[tilespmem:v19+s12+$0x0] =	vst.idx.msk $0xffff, v18  }
0x561: {  	v19 =	vor.u32 v3, v17;
	v18 =	vld [tilespmem:s6+$0xFFFFFC20];
	_ =	sdelay $0x4  }
0x562: {  	[tilespmem:v19+s12+$0x0] =	vst.idx.msk $0xffff, v18  }
0x563: {  	v19 =	vor.u32 v4, v17;
	v18 =	vld [tilespmem:s6+$0xFFFFFC30];
	_ =	sdelay $0x4  }
0x564: {  	[tilespmem:v19+s12+$0x0] =	vst.idx.msk $0xffff, v18  }
0x565: {  	v19 =	vor.u32 v5, v17;
	v18 =	vld [tilespmem:s6+$0xFFFFFC40];
	_ =	sdelay $0x4  }
0x566: {  	[tilespmem:v19+s12+$0x0] =	vst.idx.msk $0xffff, v18  }
0x567: {  	v19 =	vor.u32 v6, v17;
	v18 =	vld [tilespmem:s6+$0xFFFFFC50];
	_ =	sdelay $0x4  }
0x568: {  	[tilespmem:v19+s12+$0x0] =	vst.idx.msk $0xffff, v18  }
0x569: {  	v19 =	vor.u32 v7, v17;
	v18 =	vld [tilespmem:s6+$0xFFFFFC60];
	_ =	sdelay $0x4  }
0x56a: {  	[tilespmem:v19+s12+$0x0] =	vst.idx.msk $0xffff, v18  }
0x56b: {  	v19 =	vor.u32 v8, v17;
	v18 =	vld [tilespmem:s6+$0xFFFFFC70];
	_ =	sdelay $0x4  }
0x56c: {  	[tilespmem:v19+s12+$0x0] =	vst.idx.msk $0xffff, v18  }
0x56d: {  	v19 =	vor.u32 v9, v17;
	v18 =	vld [tilespmem:s6+$0x0];
	_ =	sdelay $0x4  }
0x56e: {  	[tilespmem:v19+s12+$0x0] =	vst.idx.msk $0xffff, v18  }
0x56f: {  	v19 =	vor.u32 v10, v17;
	v18 =	vld [tilespmem:s6+$0x10];
	_ =	sdelay $0x4  }
0x570: {  	[tilespmem:v19+s12+$0x0] =	vst.idx.msk $0xffff, v18  }
0x571: {  	v19 =	vor.u32 v11, v17;
	v18 =	vld [tilespmem:s6+$0x20];
	_ =	sdelay $0x4  }
0x572: {  	[tilespmem:v19+s12+$0x0] =	vst.idx.msk $0xffff, v18  }
0x573: {  	v19 =	vor.u32 v12, v17;
	v18 =	vld [tilespmem:s6+$0x30];
	_ =	sdelay $0x4  }
0x574: {  	[tilespmem:v19+s12+$0x0] =	vst.idx.msk $0xffff, v18  }
0x575: {  	v19 =	vor.u32 v13, v17;
	v18 =	vld [tilespmem:s6+$0x40];
	_ =	sdelay $0x4  }
0x576: {  	[tilespmem:v19+s12+$0x0] =	vst.idx.msk $0xffff, v18  }
0x577: {  	v19 =	vor.u32 v14, v17;
	v18 =	vld [tilespmem:s6+$0x50];
	_ =	sdelay $0x4  }
0x578: {  	[tilespmem:v19+s12+$0x0] =	vst.idx.msk $0xffff, v18  }
0x579: {  	v19 =	vor.u32 v15, v17;
	v18 =	vld [tilespmem:s6+$0x60];
	_ =	sdelay $0x4  }
0x57a: {  	[tilespmem:v19+s12+$0x0] =	vst.idx.msk $0xffff, v18  }
0x57b: {  	v17 =	vor.u32 v16, v17;
	v18 =	vld [tilespmem:s6+$0x70];
	_ =	sdelay $0x4  }
0x57c: {  	s25 =	rddreg [dreg:$0x12];
	[tilespmem:v17+s12+$0x0] =	vst.idx.msk $0xffff, v18  }
0x57d: {  	[hbm4b:s25+s4] =	stream.linear.scatter [tilespmem:s12], [sflag:$0x8], $0x4000, $0x38;
	[tilespmem:$0x12000] =	vst v63  }
0x57e: {  	_ =	swait.ge [sflag:s13], $0x4000  }
0x57f: {  	[sflag:s13] =	ssyncset.done $0x0  }
0x580: {  	[sflag:s13] =	ssyncadd.s32 $0xFFFFC000  }
0x581: {  	_ =	swait.ge [sflag:s14], $0x4000  }
0x582: {  	[sflag:s14] =	ssyncset.done $0x0  }
0x583: {  	[sflag:s14] =	ssyncadd.s32 $0xFFFFC000  }
0x584: {  	_ =	swait.ge [sflag:s15], $0x4000  }
0x585: {  	[sflag:s15] =	ssyncset.done $0x0  }
0x586: {  	[sflag:s15] =	ssyncadd.s32 $0xFFFFC000  }
0x587: {  	_ =	swait.ge [sflag:s16], $0x4000  }
0x588: {  	s17 =	sadd.s32 $0x1, s17;
	s26 =	rddreg [dreg:$0x11]  }
0x589: {  	p0 =	sne.s32 s17, s26  }
.Ltmp14:
0x58a: {  	_ = 	snop;
	(pc) =	sbr.rel @p0 .LBB2_1-.Ltmp14, $3  }
0x58b: {  	_ =	sdelay $0x1  }
0x58c: {  	[sflag:s16] =	ssyncset.done $0x0  }
0x58d: {  	[sflag:s16] =	ssyncadd.s32 $0xFFFFC000  }
0x58e: {  	_ =	sfence.sel $0x180000  }
0x58f: {  	[bflag:$0x0] =	sbarrier.arrive $0xFFFF  }
0x590: {  	_ =	strace $0x90000047  }
0x591: {  	s0 =	stileid.u32;
	[bflag:$0x2] =	sbarrier.arrive $0xFFFF  }
0x592: {  	p0 =	sne.s32 s0, $0x0;
	s0 =	rddreg [dreg:$0x2]  }
0x593: {  	s0 =	sadd.s32 @!p0 $0x100000, s0  }
0x594: {  	[sflag:s0] =	ssyncadd.tile.s32 @!p0 $0x1;
	_ =	shalt  }
.Lfunc_end2:
_tile_overlayer_lowered:
.L_overlay_start_2:
0x595: {  	(tag) =	ssettag $0x2  }
0x596: {  	s0 =	rddreg [dreg:$0x0];
	s2 =	stileid.u32  }
0x597: {  	s1 =	rddreg [dreg:$0x1];
	p0 =	sne.s32 s2, $0x0  }
0x598: {  	s3 =	rddreg [dreg:$0x2];
	[bflag:$0x3] =	sbarrier.arrive $0xFFFF;
	s2 =	simm.s32 @!p0 $0x1C09  }
0x599: {  	[timem:s3], [sflag:s2] =	dma.local @!p0 [hbm:s0], s1  }
0x59a: {  	s0 =	simm.s32 @!p0 $0x9  }
0x59b: {  	_ =	swait.ge @!p0 [sflag:s0], s1  }
0x59c: {  	s1 =	ssub.s32 @!p0 $0x0, s1;
	[sflag:s0] =	ssyncset.done @!p0 $0x0  }
0x59d: {  	[sflag:s0] =	ssyncadd.s32 @!p0 s1  }
0x59e: {  	[bflag:$0x3] =	sbarrier.arrive $0xFFFF  }
0x59f: {  	_ =	shalt  }

</sc_bundles>
